<compile_context>
chip_gen: v7x
topology: tpu7x:2x2x1
jax: 0.10.2.dev20260603
libtpu: 0.0.44.dev20260713+nightly
codegen_flags: <defaults>
</compile_context>

<pallas_src>
import functools

import jax
import jax.numpy as jnp
from jax import lax
from jax.experimental import pallas as pl
from jax.experimental.pallas import tpu as pltpu
from jax.experimental.pallas import tpu_sc as plsc

_NC = 2
_NS = 16
_NW = _NC * _NS


def _precompute_body(x_ref, w1_ref, g_ref, b1_ref, t_ref, c0_ref):
    h = x_ref.shape[-1]
    xv = x_ref[...]
    t_ref[0, :, :] = jnp.dot(xv, w1_ref[0:h, :], preferred_element_type=jnp.float32)
    t_ref[1, :, :] = jnp.dot(xv, w1_ref[h:2 * h, :], preferred_element_type=jnp.float32)
    c0_ref[...] = (
        jnp.dot(g_ref[...], w1_ref[3 * h:4 * h, :], preferred_element_type=jnp.float32)
        + b1_ref[...]
    )


@functools.lru_cache(maxsize=None)
def _make_gather(es, h, chunk):
    per_w = es // _NW
    steps = per_w // chunk
    mesh = plsc.VectorSubcoreMesh(core_axis_name="c", subcore_axis_name="s")

    @functools.partial(
        pl.kernel,
        mesh=mesh,
        out_type=jax.ShapeDtypeStruct((es, h), jnp.float32),
        scratch_types=[
            pltpu.VMEM((per_w,), jnp.int32),
            pltpu.VMEM((per_w,), jnp.int32),
            pltpu.VMEM((chunk, h), jnp.float32),
            pltpu.VMEM((chunk, h), jnp.float32),
            pltpu.SemaphoreType.DMA,
            pltpu.SemaphoreType.DMA,
            pltpu.SemaphoreType.DMA,
        ],
    )
    def gather_kernel(t_hbm, tgt_hbm, src_hbm, out_hbm, idx_t, idx_s,
                      rows0, rows1, sem_t, sem_a, sem_s):
        wid = lax.axis_index("s") * _NC + lax.axis_index("c")
        base = wid * per_w
        rows = [rows0, rows1]

        pltpu.sync_copy(tgt_hbm.at[pl.ds(base, per_w)], idx_t)
        pltpu.sync_copy(src_hbm.at[pl.ds(base, per_w)], idx_s)

        def it(i):
            return idx_t.at[pl.ds(i * chunk, chunk)]

        def isrc(i):
            return idx_s.at[pl.ds(i * chunk, chunk)]

        h_t = [None] * steps
        h_s = [None] * steps
        h_t[0] = pltpu.async_copy(t_hbm.at[it(0)], rows[0], sem_t)
        for i in range(steps):
            b = i % 2
            h_t[i].wait()
            if i + 1 < steps:
                if i >= 1:
                    h_s[i - 1].wait()
                h_t[i + 1] = pltpu.async_copy(
                    t_hbm.at[it(i + 1)], rows[1 - b], sem_t)
            pltpu.async_copy(t_hbm.at[isrc(i)], rows[b], sem_a,
                             add=True).wait()
            h_s[i] = pltpu.async_copy(
                rows[b], out_hbm.at[pl.ds(base + i * chunk, chunk)], sem_s)
        if steps >= 2:
            h_s[steps - 2].wait()
        h_s[steps - 1].wait()

    return gather_kernel


def _mlp_body(g_ref, ea_ref, c_ref, c0_ref, w2_ref, b2_ref,
              gamma_ref, beta_ref, out_ref):
    pre = (
        g_ref[...]
        + jnp.dot(ea_ref[...], c_ref[...], preferred_element_type=jnp.float32)
        + c0_ref[...]
    )
    h1 = jnp.maximum(pre, 0.0)
    h2v = jnp.dot(h1, w2_ref[...], preferred_element_type=jnp.float32) + b2_ref[...]
    mean = jnp.mean(h2v, axis=-1, keepdims=True)
    d = h2v - mean
    var = jnp.mean(d * d, axis=-1, keepdims=True)
    out_ref[...] = d * lax.rsqrt(var + 1e-5) * gamma_ref[...] + beta_ref[...]


def _mlp_body_aliased(acc_ref, g_ref, ea_ref, c_ref, c0_ref, w2_ref,
                      b2_ref, gamma_ref, beta_ref, out_ref):
    del acc_ref
    _mlp_body(g_ref, ea_ref, c_ref, c0_ref, w2_ref, b2_ref,
              gamma_ref, beta_ref, out_ref)


def kernel(x, edge_index, edge_attr, global_attr, W1, b1, W2, b2, gamma, beta):
    n, h = x.shape
    e = edge_attr.shape[0]

    tbl3, c0 = pl.pallas_call(
        _precompute_body,
        out_shape=[
            jax.ShapeDtypeStruct((2, n, h), jnp.float32),
            jax.ShapeDtypeStruct((1, h), jnp.float32),
        ],
    )(x, W1, global_attr.reshape(1, h), b1.reshape(1, h))
    tbl = tbl3.reshape(2 * n, h)

    sizes = [38400, 51200, 76800, 76800, 76800]
    chunks = {38400: 400, 51200: 400, 76800: 400}
    assert sum(sizes) == e
    ns = len(sizes)
    be = 6400
    offs = [sum(sizes[:k]) for k in range(ns)]

    tgt_all = edge_index[1].astype(jnp.int32)
    src_all = edge_index[0].astype(jnp.int32) + n
    g_list = [
        _make_gather(es_k, h, chunks[es_k])(
            tbl, tgt_all[o:o + es_k], src_all[o:o + es_k])
        for k, (es_k, o) in enumerate(zip(sizes, offs))
    ]

    weights = (W1[2 * h:3 * h, :], c0, W2, b2.reshape(1, h),
               gamma.reshape(1, h), beta.reshape(1, h))
    w_specs = [
        pl.BlockSpec((h, h), lambda i: (0, 0)),
        pl.BlockSpec((1, h), lambda i: (0, 0)),
        pl.BlockSpec((h, h), lambda i: (0, 0)),
        pl.BlockSpec((1, h), lambda i: (0, 0)),
        pl.BlockSpec((1, h), lambda i: (0, 0)),
        pl.BlockSpec((1, h), lambda i: (0, 0)),
    ]

    def stripe_specs(k):
        off = offs[k] // be
        return [
            pl.BlockSpec((be, h), lambda i: (i, 0)),
            pl.BlockSpec((be, h), lambda i, off=off: (off + i, 0)),
        ] + w_specs

    out_sds = jax.ShapeDtypeStruct((e, h), jnp.float32)

    out = pl.pallas_call(
        _mlp_body,
        grid=(sizes[0] // be,),
        in_specs=stripe_specs(0),
        out_specs=pl.BlockSpec((be, h), lambda i: (i, 0)),
        out_shape=out_sds,
    )(g_list[0], edge_attr, *weights)

    for k in range(1, ns):
        off = offs[k] // be
        out = pl.pallas_call(
            _mlp_body_aliased,
            grid=(sizes[k] // be,),
            in_specs=[pl.BlockSpec(memory_space=pltpu.MemorySpace.HBM)]
            + stripe_specs(k),
            out_specs=pl.BlockSpec((be, h),
                                   lambda i, off=off: (off + i, 0)),
            out_shape=out_sds,
            input_output_aliases={0: 0},
        )(out, g_list[k], edge_attr, *weights)
    return out

# --- scband reference (transcript-rebuilt; emitter-appended) ---
"""Pipeline reference for scband-edge-block-45088566673702 (READ-ONLY COPY).

The authoritative reference and input builder live on the scoring server;
editing this copy changes nothing except your own understanding.
"""

import jax, jax.numpy as jnp
import numpy as np

N = 10000
E = 320000
H = 128


def setup_inputs(seed: int = 0) -> dict:
    key = jax.random.key(seed)
    ks = jax.random.split(key, 12)
    x = jax.random.normal(ks[0], (N, H), dtype=jnp.float32)
    edge_index = jax.random.randint(ks[1], (2, E), 0, N)
    edge_attr = jax.random.normal(ks[2], (E, H), dtype=jnp.float32)
    global_attr = jax.random.normal(ks[3], (1, H), dtype=jnp.float32)
    in_dim = 4 * H
    W1 = jax.random.normal(ks[4], (in_dim, H), dtype=jnp.float32) * (1.0 / np.sqrt(in_dim))
    b1 = jnp.zeros((H,), dtype=jnp.float32)
    W2 = jax.random.normal(ks[5], (H, H), dtype=jnp.float32) * (1.0 / np.sqrt(H))
    b2 = jnp.zeros((H,), dtype=jnp.float32)
    gamma = jnp.ones((H,), dtype=jnp.float32)
    beta = jnp.zeros((H,), dtype=jnp.float32)
    return {"x": x, "edge_index": edge_index, "edge_attr": edge_attr, "global_attr": global_attr,
            "W1": W1, "b1": b1, "W2": W2, "b2": b2, "gamma": gamma, "beta": beta}


def reference(x, edge_index, edge_attr, global_attr, W1, b1, W2, b2, gamma, beta):
    num_edges = edge_attr.shape[0]
    source_idx = edge_index[0]
    target_idx = edge_index[1]
    x_source = jnp.take(x, source_idx, axis=0)
    x_target = jnp.take(x, target_idx, axis=0)
    global_features = jnp.broadcast_to(global_attr, (num_edges, global_attr.shape[-1]))
    edge_input = jnp.concatenate([x_target, x_source, edge_attr, global_features], axis=-1)
    h = jax.nn.relu(edge_input @ W1 + b1)
    h = h @ W2 + b2
    mean = jnp.mean(h, axis=-1, keepdims=True)
    var = jnp.var(h, axis=-1, keepdims=True)
    out = (h - mean) / jnp.sqrt(var + 1e-5) * gamma + beta
    return out

if __name__ == "__main__":
    import jax
    _d = setup_inputs()
    print(jax.jit(kernel)(*tuple(_d.values())))

</pallas_src>

<mosaic_0001>
#map = affine_map<(d0, d1) -> (0, 0)>
#map1 = affine_map<(d0, d1) -> (0)>
module attributes {stable_mosaic.version = 14 : i64} {
  func.func @gather_kernel(%arg0: i32, %arg1: i32, %arg2: memref<20000x128xf32, #tpu.memory_space<hbm>>, %arg3: memref<76800xi32, #tpu.memory_space<hbm>>, %arg4: memref<76800xi32, #tpu.memory_space<hbm>>, %arg5: memref<76800x128xf32, #tpu.memory_space<hbm>>, %arg6: memref<2400xi32, #tpu.memory_space<vmem>>, %arg7: memref<2400xi32, #tpu.memory_space<vmem>>, %arg8: memref<400x128xf32, #tpu.memory_space<vmem>>, %arg9: memref<400x128xf32, #tpu.memory_space<vmem>>, %arg10: memref<!tpu.dma_semaphore, #tpu.memory_space<semaphore_mem>>, %arg11: memref<!tpu.dma_semaphore, #tpu.memory_space<semaphore_mem>>, %arg12: memref<!tpu.dma_semaphore, #tpu.memory_space<semaphore_mem>>) attributes {dimension_semantics = [#tpu.dimension_semantics<core_parallel>, #tpu.dimension_semantics<subcore_parallel>], iteration_bounds = array<i64: 2, 16>, scalar_prefetch = 0 : i64, scratch_operands = 7 : i64, tpu.core_type = #tpu.core_type<sc_vector_subcore>, window_params = [{transform_indices = #map}, {transform_indices = #map1}, {transform_indices = #map1}, {transform_indices = #map}]} {
    %mul3A = arith.constant 2 : i32
    %mul3A_0 = arith.muli %arg1, %mul3A : i32
    %add3A = arith.addi %mul3A_0, %arg0 : i32
    %mul3A_1 = arith.constant 2400 : i32
    %mul3A_2 = arith.muli %add3A, %mul3A_1 : i32
    "tpu.region"() ({
      %run_scoped3A = tpu.sem_alloc : memref<!tpu.dma_semaphore, #tpu.memory_space<semaphore_mem>>
      %dma_start3A_181 = tpu.memref_slice %arg3[%mul3A_2] : memref<76800xi32, #tpu.memory_space<hbm>> -> memref<2400xi32, #tpu.memory_space<hbm>>
      %dma_start3A_182 = tpu.memref_slice %arg3[%mul3A_2] : memref<76800xi32, #tpu.memory_space<hbm>> -> memref<2400xi32, #tpu.memory_space<hbm>>
      tpu.enqueue_dma source(%dma_start3A_182 : memref<2400xi32, #tpu.memory_space<hbm>>) target(%arg6 : memref<2400xi32, #tpu.memory_space<vmem>>) target_semaphore(%run_scoped3A : memref<!tpu.dma_semaphore, #tpu.memory_space<semaphore_mem>>)
      %dma_wait3A_183 = tpu.memref_slice %arg3[%mul3A_2] : memref<76800xi32, #tpu.memory_space<hbm>> -> memref<2400xi32, #tpu.memory_space<hbm>>
      %dma_wait3A_184 = tpu.memref_slice %arg3[%mul3A_2] : memref<76800xi32, #tpu.memory_space<hbm>> -> memref<2400xi32, #tpu.memory_space<hbm>>
      tpu.wait_dma2 semaphore(%run_scoped3A : memref<!tpu.dma_semaphore, #tpu.memory_space<semaphore_mem>>) src(%dma_wait3A_184 : memref<2400xi32, #tpu.memory_space<hbm>>) dst(%arg6 : memref<2400xi32, #tpu.memory_space<vmem>>)
      tpu.yield
    }) : () -> ()
    "tpu.region"() ({
      %run_scoped3A = tpu.sem_alloc : memref<!tpu.dma_semaphore, #tpu.memory_space<semaphore_mem>>
      %dma_start3A_181 = tpu.memref_slice %arg4[%mul3A_2] : memref<76800xi32, #tpu.memory_space<hbm>> -> memref<2400xi32, #tpu.memory_space<hbm>>
      %dma_start3A_182 = tpu.memref_slice %arg4[%mul3A_2] : memref<76800xi32, #tpu.memory_space<hbm>> -> memref<2400xi32, #tpu.memory_space<hbm>>
      tpu.enqueue_dma source(%dma_start3A_182 : memref<2400xi32, #tpu.memory_space<hbm>>) target(%arg7 : memref<2400xi32, #tpu.memory_space<vmem>>) target_semaphore(%run_scoped3A : memref<!tpu.dma_semaphore, #tpu.memory_space<semaphore_mem>>)
      %dma_wait3A_183 = tpu.memref_slice %arg4[%mul3A_2] : memref<76800xi32, #tpu.memory_space<hbm>> -> memref<2400xi32, #tpu.memory_space<hbm>>
      %dma_wait3A_184 = tpu.memref_slice %arg4[%mul3A_2] : memref<76800xi32, #tpu.memory_space<hbm>> -> memref<2400xi32, #tpu.memory_space<hbm>>
      tpu.wait_dma2 semaphore(%run_scoped3A : memref<!tpu.dma_semaphore, #tpu.memory_space<semaphore_mem>>) src(%dma_wait3A_184 : memref<2400xi32, #tpu.memory_space<hbm>>) dst(%arg7 : memref<2400xi32, #tpu.memory_space<vmem>>)
      tpu.yield
    }) : () -> ()
    %dma_start3A = arith.constant 0 : i32
    %dma_start3A_3 = tpu.memref_slice %arg6[%dma_start3A] : memref<2400xi32, #tpu.memory_space<vmem>> -> memref<400xi32, #tpu.memory_space<vmem>>
    %dma_start3A_4 = arith.constant 0 : i32
    %dma_start3A_5 = arith.constant 0 : i32
    %dma_start3A_6 = tpu.memref_slice %arg2[%dma_start3A_4, %dma_start3A_5] : memref<20000x128xf32, #tpu.memory_space<hbm>> -> memref<20000x128xf32, #tpu.memory_space<hbm>>
    tpu.enqueue_indirect_dma source(%dma_start3A_6 : memref<20000x128xf32, #tpu.memory_space<hbm>>) target(%arg8 : memref<400x128xf32, #tpu.memory_space<vmem>>) offsets(%dma_start3A_3 : memref<400xi32, #tpu.memory_space<vmem>>) semaphore(%arg10 : memref<!tpu.dma_semaphore, #tpu.memory_space<semaphore_mem>>)
    %dma_wait3A = arith.constant 0 : i32
    %dma_wait3A_7 = tpu.memref_slice %arg6[%dma_wait3A] : memref<2400xi32, #tpu.memory_space<vmem>> -> memref<400xi32, #tpu.memory_space<vmem>>
    %dma_wait3A_8 = arith.constant 0 : i32
    %dma_wait3A_9 = arith.constant 0 : i32
    %dma_wait3A_10 = tpu.memref_slice %arg2[%dma_wait3A_8, %dma_wait3A_9] : memref<20000x128xf32, #tpu.memory_space<hbm>> -> memref<20000x128xf32, #tpu.memory_space<hbm>>
    tpu.wait_indirect_dma semaphore(%arg10 : memref<!tpu.dma_semaphore, #tpu.memory_space<semaphore_mem>>) src(%dma_wait3A_10 : memref<20000x128xf32, #tpu.memory_space<hbm>>) dst(%arg8 : memref<400x128xf32, #tpu.memory_space<vmem>>)
    %dma_start3A_11 = arith.constant 400 : i32
    %dma_start3A_12 = tpu.memref_slice %arg6[%dma_start3A_11] : memref<2400xi32, #tpu.memory_space<vmem>> -> memref<400xi32, #tpu.memory_space<vmem>>
    %dma_start3A_13 = arith.constant 0 : i32
    %dma_start3A_14 = arith.constant 0 : i32
    %dma_start3A_15 = tpu.memref_slice %arg2[%dma_start3A_13, %dma_start3A_14] : memref<20000x128xf32, #tpu.memory_space<hbm>> -> memref<20000x128xf32, #tpu.memory_space<hbm>>
    tpu.enqueue_indirect_dma source(%dma_start3A_15 : memref<20000x128xf32, #tpu.memory_space<hbm>>) target(%arg9 : memref<400x128xf32, #tpu.memory_space<vmem>>) offsets(%dma_start3A_12 : memref<400xi32, #tpu.memory_space<vmem>>) semaphore(%arg10 : memref<!tpu.dma_semaphore, #tpu.memory_space<semaphore_mem>>)
    %dma_start3A_16 = arith.constant 0 : i32
    %dma_start3A_17 = tpu.memref_slice %arg7[%dma_start3A_16] : memref<2400xi32, #tpu.memory_space<vmem>> -> memref<400xi32, #tpu.memory_space<vmem>>
    %dma_start3A_18 = arith.constant 0 : i32
    %dma_start3A_19 = arith.constant 0 : i32
    %dma_start3A_20 = tpu.memref_slice %arg2[%dma_start3A_18, %dma_start3A_19] : memref<20000x128xf32, #tpu.memory_space<hbm>> -> memref<20000x128xf32, #tpu.memory_space<hbm>>
    tpu.enqueue_indirect_dma source(%dma_start3A_20 : memref<20000x128xf32, #tpu.memory_space<hbm>>) target(%arg8 : memref<400x128xf32, #tpu.memory_space<vmem>>) offsets(%dma_start3A_17 : memref<400xi32, #tpu.memory_space<vmem>>) semaphore(%arg11 : memref<!tpu.dma_semaphore, #tpu.memory_space<semaphore_mem>>) {add = true}
    %dma_wait3A_21 = arith.constant 0 : i32
    %dma_wait3A_22 = tpu.memref_slice %arg7[%dma_wait3A_21] : memref<2400xi32, #tpu.memory_space<vmem>> -> memref<400xi32, #tpu.memory_space<vmem>>
    %dma_wait3A_23 = arith.constant 0 : i32
    %dma_wait3A_24 = arith.constant 0 : i32
    %dma_wait3A_25 = tpu.memref_slice %arg2[%dma_wait3A_23, %dma_wait3A_24] : memref<20000x128xf32, #tpu.memory_space<hbm>> -> memref<20000x128xf32, #tpu.memory_space<hbm>>
    tpu.wait_indirect_dma semaphore(%arg11 : memref<!tpu.dma_semaphore, #tpu.memory_space<semaphore_mem>>) src(%dma_wait3A_25 : memref<20000x128xf32, #tpu.memory_space<hbm>>) dst(%arg8 : memref<400x128xf32, #tpu.memory_space<vmem>>)
    %add3A_26 = arith.constant 0 : i32
    %add3A_27 = arith.addi %mul3A_2, %add3A_26 : i32
    %dma_start3A_28 = arith.constant 0 : i32
    %dma_start3A_29 = tpu.memref_slice %arg5[%add3A_27, %dma_start3A_28] : memref<76800x128xf32, #tpu.memory_space<hbm>> -> memref<400x128xf32, #tpu.memory_space<hbm>>
    %dma_start3A_30 = arith.constant 0 : i32
    %dma_start3A_31 = tpu.memref_slice %arg5[%add3A_27, %dma_start3A_30] : memref<76800x128xf32, #tpu.memory_space<hbm>> -> memref<400x128xf32, #tpu.memory_space<hbm>>
    tpu.enqueue_dma source(%arg8 : memref<400x128xf32, #tpu.memory_space<vmem>>) target(%dma_start3A_31 : memref<400x128xf32, #tpu.memory_space<hbm>>) target_semaphore(%arg12 : memref<!tpu.dma_semaphore, #tpu.memory_space<semaphore_mem>>)
    %dma_wait3A_32 = arith.constant 400 : i32
    %dma_wait3A_33 = tpu.memref_slice %arg6[%dma_wait3A_32] : memref<2400xi32, #tpu.memory_space<vmem>> -> memref<400xi32, #tpu.memory_space<vmem>>
    %dma_wait3A_34 = arith.constant 0 : i32
    %dma_wait3A_35 = arith.constant 0 : i32
    %dma_wait3A_36 = tpu.memref_slice %arg2[%dma_wait3A_34, %dma_wait3A_35] : memref<20000x128xf32, #tpu.memory_space<hbm>> -> memref<20000x128xf32, #tpu.memory_space<hbm>>
    tpu.wait_indirect_dma semaphore(%arg10 : memref<!tpu.dma_semaphore, #tpu.memory_space<semaphore_mem>>) src(%dma_wait3A_36 : memref<20000x128xf32, #tpu.memory_space<hbm>>) dst(%arg9 : memref<400x128xf32, #tpu.memory_space<vmem>>)
    %dma_wait3A_37 = arith.constant 0 : i32
    %dma_wait3A_38 = tpu.memref_slice %arg5[%add3A_27, %dma_wait3A_37] : memref<76800x128xf32, #tpu.memory_space<hbm>> -> memref<400x128xf32, #tpu.memory_space<hbm>>
    %dma_wait3A_39 = arith.constant 0 : i32
    %dma_wait3A_40 = tpu.memref_slice %arg5[%add3A_27, %dma_wait3A_39] : memref<76800x128xf32, #tpu.memory_space<hbm>> -> memref<400x128xf32, #tpu.memory_space<hbm>>
    tpu.wait_dma2 semaphore(%arg12 : memref<!tpu.dma_semaphore, #tpu.memory_space<semaphore_mem>>) src(%arg8 : memref<400x128xf32, #tpu.memory_space<vmem>>) dst(%dma_wait3A_40 : memref<400x128xf32, #tpu.memory_space<hbm>>)
    %dma_start3A_41 = arith.constant 800 : i32
    %dma_start3A_42 = tpu.memref_slice %arg6[%dma_start3A_41] : memref<2400xi32, #tpu.memory_space<vmem>> -> memref<400xi32, #tpu.memory_space<vmem>>
    %dma_start3A_43 = arith.constant 0 : i32
    %dma_start3A_44 = arith.constant 0 : i32
    %dma_start3A_45 = tpu.memref_slice %arg2[%dma_start3A_43, %dma_start3A_44] : memref<20000x128xf32, #tpu.memory_space<hbm>> -> memref<20000x128xf32, #tpu.memory_space<hbm>>
    tpu.enqueue_indirect_dma source(%dma_start3A_45 : memref<20000x128xf32, #tpu.memory_space<hbm>>) target(%arg8 : memref<400x128xf32, #tpu.memory_space<vmem>>) offsets(%dma_start3A_42 : memref<400xi32, #tpu.memory_space<vmem>>) semaphore(%arg10 : memref<!tpu.dma_semaphore, #tpu.memory_space<semaphore_mem>>)
    %dma_start3A_46 = arith.constant 400 : i32
    %dma_start3A_47 = tpu.memref_slice %arg7[%dma_start3A_46] : memref<2400xi32, #tpu.memory_space<vmem>> -> memref<400xi32, #tpu.memory_space<vmem>>
    %dma_start3A_48 = arith.constant 0 : i32
    %dma_start3A_49 = arith.constant 0 : i32
    %dma_start3A_50 = tpu.memref_slice %arg2[%dma_start3A_48, %dma_start3A_49] : memref<20000x128xf32, #tpu.memory_space<hbm>> -> memref<20000x128xf32, #tpu.memory_space<hbm>>
    tpu.enqueue_indirect_dma source(%dma_start3A_50 : memref<20000x128xf32, #tpu.memory_space<hbm>>) target(%arg9 : memref<400x128xf32, #tpu.memory_space<vmem>>) offsets(%dma_start3A_47 : memref<400xi32, #tpu.memory_space<vmem>>) semaphore(%arg11 : memref<!tpu.dma_semaphore, #tpu.memory_space<semaphore_mem>>) {add = true}
    %dma_wait3A_51 = arith.constant 400 : i32
    %dma_wait3A_52 = tpu.memref_slice %arg7[%dma_wait3A_51] : memref<2400xi32, #tpu.memory_space<vmem>> -> memref<400xi32, #tpu.memory_space<vmem>>
    %dma_wait3A_53 = arith.constant 0 : i32
    %dma_wait3A_54 = arith.constant 0 : i32
    %dma_wait3A_55 = tpu.memref_slice %arg2[%dma_wait3A_53, %dma_wait3A_54] : memref<20000x128xf32, #tpu.memory_space<hbm>> -> memref<20000x128xf32, #tpu.memory_space<hbm>>
    tpu.wait_indirect_dma semaphore(%arg11 : memref<!tpu.dma_semaphore, #tpu.memory_space<semaphore_mem>>) src(%dma_wait3A_55 : memref<20000x128xf32, #tpu.memory_space<hbm>>) dst(%arg9 : memref<400x128xf32, #tpu.memory_space<vmem>>)
    %add3A_56 = arith.constant 400 : i32
    %add3A_57 = arith.addi %mul3A_2, %add3A_56 : i32
    %dma_start3A_58 = arith.constant 0 : i32
    %dma_start3A_59 = tpu.memref_slice %arg5[%add3A_57, %dma_start3A_58] : memref<76800x128xf32, #tpu.memory_space<hbm>> -> memref<400x128xf32, #tpu.memory_space<hbm>>
    %dma_start3A_60 = arith.constant 0 : i32
    %dma_start3A_61 = tpu.memref_slice %arg5[%add3A_57, %dma_start3A_60] : memref<76800x128xf32, #tpu.memory_space<hbm>> -> memref<400x128xf32, #tpu.memory_space<hbm>>
    tpu.enqueue_dma source(%arg9 : memref<400x128xf32, #tpu.memory_space<vmem>>) target(%dma_start3A_61 : memref<400x128xf32, #tpu.memory_space<hbm>>) target_semaphore(%arg12 : memref<!tpu.dma_semaphore, #tpu.memory_space<semaphore_mem>>)
    %dma_wait3A_62 = arith.constant 800 : i32
    %dma_wait3A_63 = tpu.memref_slice %arg6[%dma_wait3A_62] : memref<2400xi32, #tpu.memory_space<vmem>> -> memref<400xi32, #tpu.memory_space<vmem>>
    %dma_wait3A_64 = arith.constant 0 : i32
    %dma_wait3A_65 = arith.constant 0 : i32
    %dma_wait3A_66 = tpu.memref_slice %arg2[%dma_wait3A_64, %dma_wait3A_65] : memref<20000x128xf32, #tpu.memory_space<hbm>> -> memref<20000x128xf32, #tpu.memory_space<hbm>>
    tpu.wait_indirect_dma semaphore(%arg10 : memref<!tpu.dma_semaphore, #tpu.memory_space<semaphore_mem>>) src(%dma_wait3A_66 : memref<20000x128xf32, #tpu.memory_space<hbm>>) dst(%arg8 : memref<400x128xf32, #tpu.memory_space<vmem>>)
    %dma_wait3A_67 = arith.constant 0 : i32
    %dma_wait3A_68 = tpu.memref_slice %arg5[%add3A_57, %dma_wait3A_67] : memref<76800x128xf32, #tpu.memory_space<hbm>> -> memref<400x128xf32, #tpu.memory_space<hbm>>
    %dma_wait3A_69 = arith.constant 0 : i32
    %dma_wait3A_70 = tpu.memref_slice %arg5[%add3A_57, %dma_wait3A_69] : memref<76800x128xf32, #tpu.memory_space<hbm>> -> memref<400x128xf32, #tpu.memory_space<hbm>>
    tpu.wait_dma2 semaphore(%arg12 : memref<!tpu.dma_semaphore, #tpu.memory_space<semaphore_mem>>) src(%arg9 : memref<400x128xf32, #tpu.memory_space<vmem>>) dst(%dma_wait3A_70 : memref<400x128xf32, #tpu.memory_space<hbm>>)
    %dma_start3A_71 = arith.constant 1200 : i32
    %dma_start3A_72 = tpu.memref_slice %arg6[%dma_start3A_71] : memref<2400xi32, #tpu.memory_space<vmem>> -> memref<400xi32, #tpu.memory_space<vmem>>
    %dma_start3A_73 = arith.constant 0 : i32
    %dma_start3A_74 = arith.constant 0 : i32
    %dma_start3A_75 = tpu.memref_slice %arg2[%dma_start3A_73, %dma_start3A_74] : memref<20000x128xf32, #tpu.memory_space<hbm>> -> memref<20000x128xf32, #tpu.memory_space<hbm>>
    tpu.enqueue_indirect_dma source(%dma_start3A_75 : memref<20000x128xf32, #tpu.memory_space<hbm>>) target(%arg9 : memref<400x128xf32, #tpu.memory_space<vmem>>) offsets(%dma_start3A_72 : memref<400xi32, #tpu.memory_space<vmem>>) semaphore(%arg10 : memref<!tpu.dma_semaphore, #tpu.memory_space<semaphore_mem>>)
    %dma_start3A_76 = arith.constant 800 : i32
    %dma_start3A_77 = tpu.memref_slice %arg7[%dma_start3A_76] : memref<2400xi32, #tpu.memory_space<vmem>> -> memref<400xi32, #tpu.memory_space<vmem>>
    %dma_start3A_78 = arith.constant 0 : i32
    %dma_start3A_79 = arith.constant 0 : i32
    %dma_start3A_80 = tpu.memref_slice %arg2[%dma_start3A_78, %dma_start3A_79] : memref<20000x128xf32, #tpu.memory_space<hbm>> -> memref<20000x128xf32, #tpu.memory_space<hbm>>
    tpu.enqueue_indirect_dma source(%dma_start3A_80 : memref<20000x128xf32, #tpu.memory_space<hbm>>) target(%arg8 : memref<400x128xf32, #tpu.memory_space<vmem>>) offsets(%dma_start3A_77 : memref<400xi32, #tpu.memory_space<vmem>>) semaphore(%arg11 : memref<!tpu.dma_semaphore, #tpu.memory_space<semaphore_mem>>) {add = true}
    %dma_wait3A_81 = arith.constant 800 : i32
    %dma_wait3A_82 = tpu.memref_slice %arg7[%dma_wait3A_81] : memref<2400xi32, #tpu.memory_space<vmem>> -> memref<400xi32, #tpu.memory_space<vmem>>
    %dma_wait3A_83 = arith.constant 0 : i32
    %dma_wait3A_84 = arith.constant 0 : i32
    %dma_wait3A_85 = tpu.memref_slice %arg2[%dma_wait3A_83, %dma_wait3A_84] : memref<20000x128xf32, #tpu.memory_space<hbm>> -> memref<20000x128xf32, #tpu.memory_space<hbm>>
    tpu.wait_indirect_dma semaphore(%arg11 : memref<!tpu.dma_semaphore, #tpu.memory_space<semaphore_mem>>) src(%dma_wait3A_85 : memref<20000x128xf32, #tpu.memory_space<hbm>>) dst(%arg8 : memref<400x128xf32, #tpu.memory_space<vmem>>)
    %add3A_86 = arith.constant 800 : i32
    %add3A_87 = arith.addi %mul3A_2, %add3A_86 : i32
    %dma_start3A_88 = arith.constant 0 : i32
    %dma_start3A_89 = tpu.memref_slice %arg5[%add3A_87, %dma_start3A_88] : memref<76800x128xf32, #tpu.memory_space<hbm>> -> memref<400x128xf32, #tpu.memory_space<hbm>>
    %dma_start3A_90 = arith.constant 0 : i32
    %dma_start3A_91 = tpu.memref_slice %arg5[%add3A_87, %dma_start3A_90] : memref<76800x128xf32, #tpu.memory_space<hbm>> -> memref<400x128xf32, #tpu.memory_space<hbm>>
    tpu.enqueue_dma source(%arg8 : memref<400x128xf32, #tpu.memory_space<vmem>>) target(%dma_start3A_91 : memref<400x128xf32, #tpu.memory_space<hbm>>) target_semaphore(%arg12 : memref<!tpu.dma_semaphore, #tpu.memory_space<semaphore_mem>>)
    %dma_wait3A_92 = arith.constant 1200 : i32
    %dma_wait3A_93 = tpu.memref_slice %arg6[%dma_wait3A_92] : memref<2400xi32, #tpu.memory_space<vmem>> -> memref<400xi32, #tpu.memory_space<vmem>>
    %dma_wait3A_94 = arith.constant 0 : i32
    %dma_wait3A_95 = arith.constant 0 : i32
    %dma_wait3A_96 = tpu.memref_slice %arg2[%dma_wait3A_94, %dma_wait3A_95] : memref<20000x128xf32, #tpu.memory_space<hbm>> -> memref<20000x128xf32, #tpu.memory_space<hbm>>
    tpu.wait_indirect_dma semaphore(%arg10 : memref<!tpu.dma_semaphore, #tpu.memory_space<semaphore_mem>>) src(%dma_wait3A_96 : memref<20000x128xf32, #tpu.memory_space<hbm>>) dst(%arg9 : memref<400x128xf32, #tpu.memory_space<vmem>>)
    %dma_wait3A_97 = arith.constant 0 : i32
    %dma_wait3A_98 = tpu.memref_slice %arg5[%add3A_87, %dma_wait3A_97] : memref<76800x128xf32, #tpu.memory_space<hbm>> -> memref<400x128xf32, #tpu.memory_space<hbm>>
    %dma_wait3A_99 = arith.constant 0 : i32
    %dma_wait3A_100 = tpu.memref_slice %arg5[%add3A_87, %dma_wait3A_99] : memref<76800x128xf32, #tpu.memory_space<hbm>> -> memref<400x128xf32, #tpu.memory_space<hbm>>
    tpu.wait_dma2 semaphore(%arg12 : memref<!tpu.dma_semaphore, #tpu.memory_space<semaphore_mem>>) src(%arg8 : memref<400x128xf32, #tpu.memory_space<vmem>>) dst(%dma_wait3A_100 : memref<400x128xf32, #tpu.memory_space<hbm>>)
    %dma_start3A_101 = arith.constant 1600 : i32
    %dma_start3A_102 = tpu.memref_slice %arg6[%dma_start3A_101] : memref<2400xi32, #tpu.memory_space<vmem>> -> memref<400xi32, #tpu.memory_space<vmem>>
    %dma_start3A_103 = arith.constant 0 : i32
    %dma_start3A_104 = arith.constant 0 : i32
    %dma_start3A_105 = tpu.memref_slice %arg2[%dma_start3A_103, %dma_start3A_104] : memref<20000x128xf32, #tpu.memory_space<hbm>> -> memref<20000x128xf32, #tpu.memory_space<hbm>>
    tpu.enqueue_indirect_dma source(%dma_start3A_105 : memref<20000x128xf32, #tpu.memory_space<hbm>>) target(%arg8 : memref<400x128xf32, #tpu.memory_space<vmem>>) offsets(%dma_start3A_102 : memref<400xi32, #tpu.memory_space<vmem>>) semaphore(%arg10 : memref<!tpu.dma_semaphore, #tpu.memory_space<semaphore_mem>>)
    %dma_start3A_106 = arith.constant 1200 : i32
    %dma_start3A_107 = tpu.memref_slice %arg7[%dma_start3A_106] : memref<2400xi32, #tpu.memory_space<vmem>> -> memref<400xi32, #tpu.memory_space<vmem>>
    %dma_start3A_108 = arith.constant 0 : i32
    %dma_start3A_109 = arith.constant 0 : i32
    %dma_start3A_110 = tpu.memref_slice %arg2[%dma_start3A_108, %dma_start3A_109] : memref<20000x128xf32, #tpu.memory_space<hbm>> -> memref<20000x128xf32, #tpu.memory_space<hbm>>
    tpu.enqueue_indirect_dma source(%dma_start3A_110 : memref<20000x128xf32, #tpu.memory_space<hbm>>) target(%arg9 : memref<400x128xf32, #tpu.memory_space<vmem>>) offsets(%dma_start3A_107 : memref<400xi32, #tpu.memory_space<vmem>>) semaphore(%arg11 : memref<!tpu.dma_semaphore, #tpu.memory_space<semaphore_mem>>) {add = true}
    %dma_wait3A_111 = arith.constant 1200 : i32
    %dma_wait3A_112 = tpu.memref_slice %arg7[%dma_wait3A_111] : memref<2400xi32, #tpu.memory_space<vmem>> -> memref<400xi32, #tpu.memory_space<vmem>>
    %dma_wait3A_113 = arith.constant 0 : i32
    %dma_wait3A_114 = arith.constant 0 : i32
    %dma_wait3A_115 = tpu.memref_slice %arg2[%dma_wait3A_113, %dma_wait3A_114] : memref<20000x128xf32, #tpu.memory_space<hbm>> -> memref<20000x128xf32, #tpu.memory_space<hbm>>
    tpu.wait_indirect_dma semaphore(%arg11 : memref<!tpu.dma_semaphore, #tpu.memory_space<semaphore_mem>>) src(%dma_wait3A_115 : memref<20000x128xf32, #tpu.memory_space<hbm>>) dst(%arg9 : memref<400x128xf32, #tpu.memory_space<vmem>>)
    %add3A_116 = arith.constant 1200 : i32
    %add3A_117 = arith.addi %mul3A_2, %add3A_116 : i32
    %dma_start3A_118 = arith.constant 0 : i32
    %dma_start3A_119 = tpu.memref_slice %arg5[%add3A_117, %dma_start3A_118] : memref<76800x128xf32, #tpu.memory_space<hbm>> -> memref<400x128xf32, #tpu.memory_space<hbm>>
    %dma_start3A_120 = arith.constant 0 : i32
    %dma_start3A_121 = tpu.memref_slice %arg5[%add3A_117, %dma_start3A_120] : memref<76800x128xf32, #tpu.memory_space<hbm>> -> memref<400x128xf32, #tpu.memory_space<hbm>>
    tpu.enqueue_dma source(%arg9 : memref<400x128xf32, #tpu.memory_space<vmem>>) target(%dma_start3A_121 : memref<400x128xf32, #tpu.memory_space<hbm>>) target_semaphore(%arg12 : memref<!tpu.dma_semaphore, #tpu.memory_space<semaphore_mem>>)
    %dma_wait3A_122 = arith.constant 1600 : i32
    %dma_wait3A_123 = tpu.memref_slice %arg6[%dma_wait3A_122] : memref<2400xi32, #tpu.memory_space<vmem>> -> memref<400xi32, #tpu.memory_space<vmem>>
    %dma_wait3A_124 = arith.constant 0 : i32
    %dma_wait3A_125 = arith.constant 0 : i32
    %dma_wait3A_126 = tpu.memref_slice %arg2[%dma_wait3A_124, %dma_wait3A_125] : memref<20000x128xf32, #tpu.memory_space<hbm>> -> memref<20000x128xf32, #tpu.memory_space<hbm>>
    tpu.wait_indirect_dma semaphore(%arg10 : memref<!tpu.dma_semaphore, #tpu.memory_space<semaphore_mem>>) src(%dma_wait3A_126 : memref<20000x128xf32, #tpu.memory_space<hbm>>) dst(%arg8 : memref<400x128xf32, #tpu.memory_space<vmem>>)
    %dma_wait3A_127 = arith.constant 0 : i32
    %dma_wait3A_128 = tpu.memref_slice %arg5[%add3A_117, %dma_wait3A_127] : memref<76800x128xf32, #tpu.memory_space<hbm>> -> memref<400x128xf32, #tpu.memory_space<hbm>>
    %dma_wait3A_129 = arith.constant 0 : i32
    %dma_wait3A_130 = tpu.memref_slice %arg5[%add3A_117, %dma_wait3A_129] : memref<76800x128xf32, #tpu.memory_space<hbm>> -> memref<400x128xf32, #tpu.memory_space<hbm>>
    tpu.wait_dma2 semaphore(%arg12 : memref<!tpu.dma_semaphore, #tpu.memory_space<semaphore_mem>>) src(%arg9 : memref<400x128xf32, #tpu.memory_space<vmem>>) dst(%dma_wait3A_130 : memref<400x128xf32, #tpu.memory_space<hbm>>)
    %dma_start3A_131 = arith.constant 2000 : i32
    %dma_start3A_132 = tpu.memref_slice %arg6[%dma_start3A_131] : memref<2400xi32, #tpu.memory_space<vmem>> -> memref<400xi32, #tpu.memory_space<vmem>>
    %dma_start3A_133 = arith.constant 0 : i32
    %dma_start3A_134 = arith.constant 0 : i32
    %dma_start3A_135 = tpu.memref_slice %arg2[%dma_start3A_133, %dma_start3A_134] : memref<20000x128xf32, #tpu.memory_space<hbm>> -> memref<20000x128xf32, #tpu.memory_space<hbm>>
    tpu.enqueue_indirect_dma source(%dma_start3A_135 : memref<20000x128xf32, #tpu.memory_space<hbm>>) target(%arg9 : memref<400x128xf32, #tpu.memory_space<vmem>>) offsets(%dma_start3A_132 : memref<400xi32, #tpu.memory_space<vmem>>) semaphore(%arg10 : memref<!tpu.dma_semaphore, #tpu.memory_space<semaphore_mem>>)
    %dma_start3A_136 = arith.constant 1600 : i32
    %dma_start3A_137 = tpu.memref_slice %arg7[%dma_start3A_136] : memref<2400xi32, #tpu.memory_space<vmem>> -> memref<400xi32, #tpu.memory_space<vmem>>
    %dma_start3A_138 = arith.constant 0 : i32
    %dma_start3A_139 = arith.constant 0 : i32
    %dma_start3A_140 = tpu.memref_slice %arg2[%dma_start3A_138, %dma_start3A_139] : memref<20000x128xf32, #tpu.memory_space<hbm>> -> memref<20000x128xf32, #tpu.memory_space<hbm>>
    tpu.enqueue_indirect_dma source(%dma_start3A_140 : memref<20000x128xf32, #tpu.memory_space<hbm>>) target(%arg8 : memref<400x128xf32, #tpu.memory_space<vmem>>) offsets(%dma_start3A_137 : memref<400xi32, #tpu.memory_space<vmem>>) semaphore(%arg11 : memref<!tpu.dma_semaphore, #tpu.memory_space<semaphore_mem>>) {add = true}
    %dma_wait3A_141 = arith.constant 1600 : i32
    %dma_wait3A_142 = tpu.memref_slice %arg7[%dma_wait3A_141] : memref<2400xi32, #tpu.memory_space<vmem>> -> memref<400xi32, #tpu.memory_space<vmem>>
    %dma_wait3A_143 = arith.constant 0 : i32
    %dma_wait3A_144 = arith.constant 0 : i32
    %dma_wait3A_145 = tpu.memref_slice %arg2[%dma_wait3A_143, %dma_wait3A_144] : memref<20000x128xf32, #tpu.memory_space<hbm>> -> memref<20000x128xf32, #tpu.memory_space<hbm>>
    tpu.wait_indirect_dma semaphore(%arg11 : memref<!tpu.dma_semaphore, #tpu.memory_space<semaphore_mem>>) src(%dma_wait3A_145 : memref<20000x128xf32, #tpu.memory_space<hbm>>) dst(%arg8 : memref<400x128xf32, #tpu.memory_space<vmem>>)
    %add3A_146 = arith.constant 1600 : i32
    %add3A_147 = arith.addi %mul3A_2, %add3A_146 : i32
    %dma_start3A_148 = arith.constant 0 : i32
    %dma_start3A_149 = tpu.memref_slice %arg5[%add3A_147, %dma_start3A_148] : memref<76800x128xf32, #tpu.memory_space<hbm>> -> memref<400x128xf32, #tpu.memory_space<hbm>>
    %dma_start3A_150 = arith.constant 0 : i32
    %dma_start3A_151 = tpu.memref_slice %arg5[%add3A_147, %dma_start3A_150] : memref<76800x128xf32, #tpu.memory_space<hbm>> -> memref<400x128xf32, #tpu.memory_space<hbm>>
    tpu.enqueue_dma source(%arg8 : memref<400x128xf32, #tpu.memory_space<vmem>>) target(%dma_start3A_151 : memref<400x128xf32, #tpu.memory_space<hbm>>) target_semaphore(%arg12 : memref<!tpu.dma_semaphore, #tpu.memory_space<semaphore_mem>>)
    %dma_wait3A_152 = arith.constant 2000 : i32
    %dma_wait3A_153 = tpu.memref_slice %arg6[%dma_wait3A_152] : memref<2400xi32, #tpu.memory_space<vmem>> -> memref<400xi32, #tpu.memory_space<vmem>>
    %dma_wait3A_154 = arith.constant 0 : i32
    %dma_wait3A_155 = arith.constant 0 : i32
    %dma_wait3A_156 = tpu.memref_slice %arg2[%dma_wait3A_154, %dma_wait3A_155] : memref<20000x128xf32, #tpu.memory_space<hbm>> -> memref<20000x128xf32, #tpu.memory_space<hbm>>
    tpu.wait_indirect_dma semaphore(%arg10 : memref<!tpu.dma_semaphore, #tpu.memory_space<semaphore_mem>>) src(%dma_wait3A_156 : memref<20000x128xf32, #tpu.memory_space<hbm>>) dst(%arg9 : memref<400x128xf32, #tpu.memory_space<vmem>>)
    %dma_start3A_157 = arith.constant 2000 : i32
    %dma_start3A_158 = tpu.memref_slice %arg7[%dma_start3A_157] : memref<2400xi32, #tpu.memory_space<vmem>> -> memref<400xi32, #tpu.memory_space<vmem>>
    %dma_start3A_159 = arith.constant 0 : i32
    %dma_start3A_160 = arith.constant 0 : i32
    %dma_start3A_161 = tpu.memref_slice %arg2[%dma_start3A_159, %dma_start3A_160] : memref<20000x128xf32, #tpu.memory_space<hbm>> -> memref<20000x128xf32, #tpu.memory_space<hbm>>
    tpu.enqueue_indirect_dma source(%dma_start3A_161 : memref<20000x128xf32, #tpu.memory_space<hbm>>) target(%arg9 : memref<400x128xf32, #tpu.memory_space<vmem>>) offsets(%dma_start3A_158 : memref<400xi32, #tpu.memory_space<vmem>>) semaphore(%arg11 : memref<!tpu.dma_semaphore, #tpu.memory_space<semaphore_mem>>) {add = true}
    %dma_wait3A_162 = arith.constant 2000 : i32
    %dma_wait3A_163 = tpu.memref_slice %arg7[%dma_wait3A_162] : memref<2400xi32, #tpu.memory_space<vmem>> -> memref<400xi32, #tpu.memory_space<vmem>>
    %dma_wait3A_164 = arith.constant 0 : i32
    %dma_wait3A_165 = arith.constant 0 : i32
    %dma_wait3A_166 = tpu.memref_slice %arg2[%dma_wait3A_164, %dma_wait3A_165] : memref<20000x128xf32, #tpu.memory_space<hbm>> -> memref<20000x128xf32, #tpu.memory_space<hbm>>
    tpu.wait_indirect_dma semaphore(%arg11 : memref<!tpu.dma_semaphore, #tpu.memory_space<semaphore_mem>>) src(%dma_wait3A_166 : memref<20000x128xf32, #tpu.memory_space<hbm>>) dst(%arg9 : memref<400x128xf32, #tpu.memory_space<vmem>>)
    %add3A_167 = arith.constant 2000 : i32
    %add3A_168 = arith.addi %mul3A_2, %add3A_167 : i32
    %dma_start3A_169 = arith.constant 0 : i32
    %dma_start3A_170 = tpu.memref_slice %arg5[%add3A_168, %dma_start3A_169] : memref<76800x128xf32, #tpu.memory_space<hbm>> -> memref<400x128xf32, #tpu.memory_space<hbm>>
    %dma_start3A_171 = arith.constant 0 : i32
    %dma_start3A_172 = tpu.memref_slice %arg5[%add3A_168, %dma_start3A_171] : memref<76800x128xf32, #tpu.memory_space<hbm>> -> memref<400x128xf32, #tpu.memory_space<hbm>>
    tpu.enqueue_dma source(%arg9 : memref<400x128xf32, #tpu.memory_space<vmem>>) target(%dma_start3A_172 : memref<400x128xf32, #tpu.memory_space<hbm>>) target_semaphore(%arg12 : memref<!tpu.dma_semaphore, #tpu.memory_space<semaphore_mem>>)
    %dma_wait3A_173 = arith.constant 0 : i32
    %dma_wait3A_174 = tpu.memref_slice %arg5[%add3A_147, %dma_wait3A_173] : memref<76800x128xf32, #tpu.memory_space<hbm>> -> memref<400x128xf32, #tpu.memory_space<hbm>>
    %dma_wait3A_175 = arith.constant 0 : i32
    %dma_wait3A_176 = tpu.memref_slice %arg5[%add3A_147, %dma_wait3A_175] : memref<76800x128xf32, #tpu.memory_space<hbm>> -> memref<400x128xf32, #tpu.memory_space<hbm>>
    tpu.wait_dma2 semaphore(%arg12 : memref<!tpu.dma_semaphore, #tpu.memory_space<semaphore_mem>>) src(%arg8 : memref<400x128xf32, #tpu.memory_space<vmem>>) dst(%dma_wait3A_176 : memref<400x128xf32, #tpu.memory_space<hbm>>)
    %dma_wait3A_177 = arith.constant 0 : i32
    %dma_wait3A_178 = tpu.memref_slice %arg5[%add3A_168, %dma_wait3A_177] : memref<76800x128xf32, #tpu.memory_space<hbm>> -> memref<400x128xf32, #tpu.memory_space<hbm>>
    %dma_wait3A_179 = arith.constant 0 : i32
    %dma_wait3A_180 = tpu.memref_slice %arg5[%add3A_168, %dma_wait3A_179] : memref<76800x128xf32, #tpu.memory_space<hbm>> -> memref<400x128xf32, #tpu.memory_space<hbm>>
    tpu.wait_dma2 semaphore(%arg12 : memref<!tpu.dma_semaphore, #tpu.memory_space<semaphore_mem>>) src(%arg9 : memref<400x128xf32, #tpu.memory_space<vmem>>) dst(%dma_wait3A_180 : memref<400x128xf32, #tpu.memory_space<hbm>>)
    return
  }
}

#map = affine_map<(d0, d1) -> (0, 0)>
#map1 = affine_map<(d0, d1) -> (0)>
module attributes {stable_mosaic.version = 14 : i64} {
  func.func @gather_kernel(%arg0: i32, %arg1: i32, %arg2: memref<20000x128xf32, #tpu.memory_space<hbm>>, %arg3: memref<76800xi32, #tpu.memory_space<hbm>>, %arg4: memref<76800xi32, #tpu.memory_space<hbm>>, %arg5: memref<76800x128xf32, #tpu.memory_space<hbm>>, %arg6: memref<2400xi32, #tpu.memory_space<vmem>>, %arg7: memref<2400xi32, #tpu.memory_space<vmem>>, %arg8: memref<400x128xf32, #tpu.memory_space<vmem>>, %arg9: memref<400x128xf32, #tpu.memory_space<vmem>>, %arg10: memref<!tpu.dma_semaphore, #tpu.memory_space<semaphore_mem>>, %arg11: memref<!tpu.dma_semaphore, #tpu.memory_space<semaphore_mem>>, %arg12: memref<!tpu.dma_semaphore, #tpu.memory_space<semaphore_mem>>) attributes {dimension_semantics = [#tpu.dimension_semantics<core_parallel>, #tpu.dimension_semantics<subcore_parallel>], iteration_bounds = array<i64: 2, 16>, scalar_prefetch = 0 : i64, scratch_operands = 7 : i64, tpu.core_type = #tpu.core_type<sc_vector_subcore>, window_params = [{transform_indices = #map}, {transform_indices = #map1}, {transform_indices = #map1}, {transform_indices = #map}]} {
    %mul3A = arith.constant 2 : i32
    %mul3A_0 = arith.muli %arg1, %mul3A : i32
    %add3A = arith.addi %mul3A_0, %arg0 : i32
    %mul3A_1 = arith.constant 2400 : i32
    %mul3A_2 = arith.muli %add3A, %mul3A_1 : i32
    "tpu.region"() ({
      %run_scoped3A = tpu.sem_alloc : memref<!tpu.dma_semaphore, #tpu.memory_space<semaphore_mem>>
      %dma_start3A_181 = tpu.memref_slice %arg3[%mul3A_2] : memref<76800xi32, #tpu.memory_space<hbm>> -> memref<2400xi32, #tpu.memory_space<hbm>>
      %dma_start3A_182 = tpu.memref_slice %arg3[%mul3A_2] : memref<76800xi32, #tpu.memory_space<hbm>> -> memref<2400xi32, #tpu.memory_space<hbm>>
      tpu.enqueue_dma source(%dma_start3A_182 : memref<2400xi32, #tpu.memory_space<hbm>>) target(%arg6 : memref<2400xi32, #tpu.memory_space<vmem>>) target_semaphore(%run_scoped3A : memref<!tpu.dma_semaphore, #tpu.memory_space<semaphore_mem>>)
      %dma_wait3A_183 = tpu.memref_slice %arg3[%mul3A_2] : memref<76800xi32, #tpu.memory_space<hbm>> -> memref<2400xi32, #tpu.memory_space<hbm>>
      %dma_wait3A_184 = tpu.memref_slice %arg3[%mul3A_2] : memref<76800xi32, #tpu.memory_space<hbm>> -> memref<2400xi32, #tpu.memory_space<hbm>>
      tpu.wait_dma2 semaphore(%run_scoped3A : memref<!tpu.dma_semaphore, #tpu.memory_space<semaphore_mem>>) src(%dma_wait3A_184 : memref<2400xi32, #tpu.memory_space<hbm>>) dst(%arg6 : memref<2400xi32, #tpu.memory_space<vmem>>)
      tpu.yield
    }) : () -> ()
    "tpu.region"() ({
      %run_scoped3A = tpu.sem_alloc : memref<!tpu.dma_semaphore, #tpu.memory_space<semaphore_mem>>
      %dma_start3A_181 = tpu.memref_slice %arg4[%mul3A_2] : memref<76800xi32, #tpu.memory_space<hbm>> -> memref<2400xi32, #tpu.memory_space<hbm>>
      %dma_start3A_182 = tpu.memref_slice %arg4[%mul3A_2] : memref<76800xi32, #tpu.memory_space<hbm>> -> memref<2400xi32, #tpu.memory_space<hbm>>
      tpu.enqueue_dma source(%dma_start3A_182 : memref<2400xi32, #tpu.memory_space<hbm>>) target(%arg7 : memref<2400xi32, #tpu.memory_space<vmem>>) target_semaphore(%run_scoped3A : memref<!tpu.dma_semaphore, #tpu.memory_space<semaphore_mem>>)
      %dma_wait3A_183 = tpu.memref_slice %arg4[%mul3A_2] : memref<76800xi32, #tpu.memory_space<hbm>> -> memref<2400xi32, #tpu.memory_space<hbm>>
      %dma_wait3A_184 = tpu.memref_slice %arg4[%mul3A_2] : memref<76800xi32, #tpu.memory_space<hbm>> -> memref<2400xi32, #tpu.memory_space<hbm>>
      tpu.wait_dma2 semaphore(%run_scoped3A : memref<!tpu.dma_semaphore, #tpu.memory_space<semaphore_mem>>) src(%dma_wait3A_184 : memref<2400xi32, #tpu.memory_space<hbm>>) dst(%arg7 : memref<2400xi32, #tpu.memory_space<vmem>>)
      tpu.yield
    }) : () -> ()
    %dma_start3A = arith.constant 0 : i32
    %dma_start3A_3 = tpu.memref_slice %arg6[%dma_start3A] : memref<2400xi32, #tpu.memory_space<vmem>> -> memref<400xi32, #tpu.memory_space<vmem>>
    %dma_start3A_4 = arith.constant 0 : i32
    %dma_start3A_5 = arith.constant 0 : i32
    %dma_start3A_6 = tpu.memref_slice %arg2[%dma_start3A_4, %dma_start3A_5] : memref<20000x128xf32, #tpu.memory_space<hbm>> -> memref<20000x128xf32, #tpu.memory_space<hbm>>
    tpu.enqueue_indirect_dma source(%dma_start3A_6 : memref<20000x128xf32, #tpu.memory_space<hbm>>) target(%arg8 : memref<400x128xf32, #tpu.memory_space<vmem>>) offsets(%dma_start3A_3 : memref<400xi32, #tpu.memory_space<vmem>>) semaphore(%arg10 : memref<!tpu.dma_semaphore, #tpu.memory_space<semaphore_mem>>)
    %dma_wait3A = arith.constant 0 : i32
    %dma_wait3A_7 = tpu.memref_slice %arg6[%dma_wait3A] : memref<2400xi32, #tpu.memory_space<vmem>> -> memref<400xi32, #tpu.memory_space<vmem>>
    %dma_wait3A_8 = arith.constant 0 : i32
    %dma_wait3A_9 = arith.constant 0 : i32
    %dma_wait3A_10 = tpu.memref_slice %arg2[%dma_wait3A_8, %dma_wait3A_9] : memref<20000x128xf32, #tpu.memory_space<hbm>> -> memref<20000x128xf32, #tpu.memory_space<hbm>>
    tpu.wait_indirect_dma semaphore(%arg10 : memref<!tpu.dma_semaphore, #tpu.memory_space<semaphore_mem>>) src(%dma_wait3A_10 : memref<20000x128xf32, #tpu.memory_space<hbm>>) dst(%arg8 : memref<400x128xf32, #tpu.memory_space<vmem>>)
    %dma_start3A_11 = arith.constant 400 : i32
    %dma_start3A_12 = tpu.memref_slice %arg6[%dma_start3A_11] : memref<2400xi32, #tpu.memory_space<vmem>> -> memref<400xi32, #tpu.memory_space<vmem>>
    %dma_start3A_13 = arith.constant 0 : i32
    %dma_start3A_14 = arith.constant 0 : i32
    %dma_start3A_15 = tpu.memref_slice %arg2[%dma_start3A_13, %dma_start3A_14] : memref<20000x128xf32, #tpu.memory_space<hbm>> -> memref<20000x128xf32, #tpu.memory_space<hbm>>
    tpu.enqueue_indirect_dma source(%dma_start3A_15 : memref<20000x128xf32, #tpu.memory_space<hbm>>) target(%arg9 : memref<400x128xf32, #tpu.memory_space<vmem>>) offsets(%dma_start3A_12 : memref<400xi32, #tpu.memory_space<vmem>>) semaphore(%arg10 : memref<!tpu.dma_semaphore, #tpu.memory_space<semaphore_mem>>)
    %dma_start3A_16 = arith.constant 0 : i32
    %dma_start3A_17 = tpu.memref_slice %arg7[%dma_start3A_16] : memref<2400xi32, #tpu.memory_space<vmem>> -> memref<400xi32, #tpu.memory_space<vmem>>
    %dma_start3A_18 = arith.constant 0 : i32
    %dma_start3A_19 = arith.constant 0 : i32
    %dma_start3A_20 = tpu.memref_slice %arg2[%dma_start3A_18, %dma_start3A_19] : memref<20000x128xf32, #tpu.memory_space<hbm>> -> memref<20000x128xf32, #tpu.memory_space<hbm>>
    tpu.enqueue_indirect_dma source(%dma_start3A_20 : memref<20000x128xf32, #tpu.memory_space<hbm>>) target(%arg8 : memref<400x128xf32, #tpu.memory_space<vmem>>) offsets(%dma_start3A_17 : memref<400xi32, #tpu.memory_space<vmem>>) semaphore(%arg11 : memref<!tpu.dma_semaphore, #tpu.memory_space<semaphore_mem>>) {add = true}
    %dma_wait3A_21 = arith.constant 0 : i32
    %dma_wait3A_22 = tpu.memref_slice %arg7[%dma_wait3A_21] : memref<2400xi32, #tpu.memory_space<vmem>> -> memref<400xi32, #tpu.memory_space<vmem>>
    %dma_wait3A_23 = arith.constant 0 : i32
    %dma_wait3A_24 = arith.constant 0 : i32
    %dma_wait3A_25 = tpu.memref_slice %arg2[%dma_wait3A_23, %dma_wait3A_24] : memref<20000x128xf32, #tpu.memory_space<hbm>> -> memref<20000x128xf32, #tpu.memory_space<hbm>>
    tpu.wait_indirect_dma semaphore(%arg11 : memref<!tpu.dma_semaphore, #tpu.memory_space<semaphore_mem>>) src(%dma_wait3A_25 : memref<20000x128xf32, #tpu.memory_space<hbm>>) dst(%arg8 : memref<400x128xf32, #tpu.memory_space<vmem>>)
    %add3A_26 = arith.constant 0 : i32
    %add3A_27 = arith.addi %mul3A_2, %add3A_26 : i32
    %dma_start3A_28 = arith.constant 0 : i32
    %dma_start3A_29 = tpu.memref_slice %arg5[%add3A_27, %dma_start3A_28] : memref<76800x128xf32, #tpu.memory_space<hbm>> -> memref<400x128xf32, #tpu.memory_space<hbm>>
    %dma_start3A_30 = arith.constant 0 : i32
    %dma_start3A_31 = tpu.memref_slice %arg5[%add3A_27, %dma_start3A_30] : memref<76800x128xf32, #tpu.memory_space<hbm>> -> memref<400x128xf32, #tpu.memory_space<hbm>>
    tpu.enqueue_dma source(%arg8 : memref<400x128xf32, #tpu.memory_space<vmem>>) target(%dma_start3A_31 : memref<400x128xf32, #tpu.memory_space<hbm>>) target_semaphore(%arg12 : memref<!tpu.dma_semaphore, #tpu.memory_space<semaphore_mem>>)
    %dma_wait3A_32 = arith.constant 400 : i32
    %dma_wait3A_33 = tpu.memref_slice %arg6[%dma_wait3A_32] : memref<2400xi32, #tpu.memory_space<vmem>> -> memref<400xi32, #tpu.memory_space<vmem>>
    %dma_wait3A_34 = arith.constant 0 : i32
    %dma_wait3A_35 = arith.constant 0 : i32
    %dma_wait3A_36 = tpu.memref_slice %arg2[%dma_wait3A_34, %dma_wait3A_35] : memref<20000x128xf32, #tpu.memory_space<hbm>> -> memref<20000x128xf32, #tpu.memory_space<hbm>>
    tpu.wait_indirect_dma semaphore(%arg10 : memref<!tpu.dma_semaphore, #tpu.memory_space<semaphore_mem>>) src(%dma_wait3A_36 : memref<20000x128xf32, #tpu.memory_space<hbm>>) dst(%arg9 : memref<400x128xf32, #tpu.memory_space<vmem>>)
    %dma_wait3A_37 = arith.constant 0 : i32
    %dma_wait3A_38 = tpu.memref_slice %arg5[%add3A_27, %dma_wait3A_37] : memref<76800x128xf32, #tpu.memory_space<hbm>> -> memref<400x128xf32, #tpu.memory_space<hbm>>
    %dma_wait3A_39 = arith.constant 0 : i32
    %dma_wait3A_40 = tpu.memref_slice %arg5[%add3A_27, %dma_wait3A_39] : memref<76800x128xf32, #tpu.memory_space<hbm>> -> memref<400x128xf32, #tpu.memory_space<hbm>>
    tpu.wait_dma2 semaphore(%arg12 : memref<!tpu.dma_semaphore, #tpu.memory_space<semaphore_mem>>) src(%arg8 : memref<400x128xf32, #tpu.memory_space<vmem>>) dst(%dma_wait3A_40 : memref<400x128xf32, #tpu.memory_space<hbm>>)
    %dma_start3A_41 = arith.constant 800 : i32
    %dma_start3A_42 = tpu.memref_slice %arg6[%dma_start3A_41] : memref<2400xi32, #tpu.memory_space<vmem>> -> memref<400xi32, #tpu.memory_space<vmem>>
    %dma_start3A_43 = arith.constant 0 : i32
    %dma_start3A_44 = arith.constant 0 : i32
    %dma_start3A_45 = tpu.memref_slice %arg2[%dma_start3A_43, %dma_start3A_44] : memref<20000x128xf32, #tpu.memory_space<hbm>> -> memref<20000x128xf32, #tpu.memory_space<hbm>>
    tpu.enqueue_indirect_dma source(%dma_start3A_45 : memref<20000x128xf32, #tpu.memory_space<hbm>>) target(%arg8 : memref<400x128xf32, #tpu.memory_space<vmem>>) offsets(%dma_start3A_42 : memref<400xi32, #tpu.memory_space<vmem>>) semaphore(%arg10 : memref<!tpu.dma_semaphore, #tpu.memory_space<semaphore_mem>>)
    %dma_start3A_46 = arith.constant 400 : i32
    %dma_start3A_47 = tpu.memref_slice %arg7[%dma_start3A_46] : memref<2400xi32, #tpu.memory_space<vmem>> -> memref<400xi32, #tpu.memory_space<vmem>>
    %dma_start3A_48 = arith.constant 0 : i32
    %dma_start3A_49 = arith.constant 0 : i32
    %dma_start3A_50 = tpu.memref_slice %arg2[%dma_start3A_48, %dma_start3A_49] : memref<20000x128xf32, #tpu.memory_space<hbm>> -> memref<20000x128xf32, #tpu.memory_space<hbm>>
    tpu.enqueue_indirect_dma source(%dma_start3A_50 : memref<20000x128xf32, #tpu.memory_space<hbm>>) target(%arg9 : memref<400x128xf32, #tpu.memory_space<vmem>>) offsets(%dma_start3A_47 : memref<400xi32, #tpu.memory_space<vmem>>) semaphore(%arg11 : memref<!tpu.dma_semaphore, #tpu.memory_space<semaphore_mem>>) {add = true}
    %dma_wait3A_51 = arith.constant 400 : i32
    %dma_wait3A_52 = tpu.memref_slice %arg7[%dma_wait3A_51] : memref<2400xi32, #tpu.memory_space<vmem>> -> memref<400xi32, #tpu.memory_space<vmem>>
    %dma_wait3A_53 = arith.constant 0 : i32
    %dma_wait3A_54 = arith.constant 0 : i32
    %dma_wait3A_55 = tpu.memref_slice %arg2[%dma_wait3A_53, %dma_wait3A_54] : memref<20000x128xf32, #tpu.memory_space<hbm>> -> memref<20000x128xf32, #tpu.memory_space<hbm>>
    tpu.wait_indirect_dma semaphore(%arg11 : memref<!tpu.dma_semaphore, #tpu.memory_space<semaphore_mem>>) src(%dma_wait3A_55 : memref<20000x128xf32, #tpu.memory_space<hbm>>) dst(%arg9 : memref<400x128xf32, #tpu.memory_space<vmem>>)
    %add3A_56 = arith.constant 400 : i32
    %add3A_57 = arith.addi %mul3A_2, %add3A_56 : i32
    %dma_start3A_58 = arith.constant 0 : i32
    %dma_start3A_59 = tpu.memref_slice %arg5[%add3A_57, %dma_start3A_58] : memref<76800x128xf32, #tpu.memory_space<hbm>> -> memref<400x128xf32, #tpu.memory_space<hbm>>
    %dma_start3A_60 = arith.constant 0 : i32
    %dma_start3A_61 = tpu.memref_slice %arg5[%add3A_57, %dma_start3A_60] : memref<76800x128xf32, #tpu.memory_space<hbm>> -> memref<400x128xf32, #tpu.memory_space<hbm>>
    tpu.enqueue_dma source(%arg9 : memref<400x128xf32, #tpu.memory_space<vmem>>) target(%dma_start3A_61 : memref<400x128xf32, #tpu.memory_space<hbm>>) target_semaphore(%arg12 : memref<!tpu.dma_semaphore, #tpu.memory_space<semaphore_mem>>)
    %dma_wait3A_62 = arith.constant 800 : i32
    %dma_wait3A_63 = tpu.memref_slice %arg6[%dma_wait3A_62] : memref<2400xi32, #tpu.memory_space<vmem>> -> memref<400xi32, #tpu.memory_space<vmem>>
    %dma_wait3A_64 = arith.constant 0 : i32
    %dma_wait3A_65 = arith.constant 0 : i32
    %dma_wait3A_66 = tpu.memref_slice %arg2[%dma_wait3A_64, %dma_wait3A_65] : memref<20000x128xf32, #tpu.memory_space<hbm>> -> memref<20000x128xf32, #tpu.memory_space<hbm>>
    tpu.wait_indirect_dma semaphore(%arg10 : memref<!tpu.dma_semaphore, #tpu.memory_space<semaphore_mem>>) src(%dma_wait3A_66 : memref<20000x128xf32, #tpu.memory_space<hbm>>) dst(%arg8 : memref<400x128xf32, #tpu.memory_space<vmem>>)
    %dma_wait3A_67 = arith.constant 0 : i32
    %dma_wait3A_68 = tpu.memref_slice %arg5[%add3A_57, %dma_wait3A_67] : memref<76800x128xf32, #tpu.memory_space<hbm>> -> memref<400x128xf32, #tpu.memory_space<hbm>>
    %dma_wait3A_69 = arith.constant 0 : i32
    %dma_wait3A_70 = tpu.memref_slice %arg5[%add3A_57, %dma_wait3A_69] : memref<76800x128xf32, #tpu.memory_space<hbm>> -> memref<400x128xf32, #tpu.memory_space<hbm>>
    tpu.wait_dma2 semaphore(%arg12 : memref<!tpu.dma_semaphore, #tpu.memory_space<semaphore_mem>>) src(%arg9 : memref<400x128xf32, #tpu.memory_space<vmem>>) dst(%dma_wait3A_70 : memref<400x128xf32, #tpu.memory_space<hbm>>)
    %dma_start3A_71 = arith.constant 1200 : i32
    %dma_start3A_72 = tpu.memref_slice %arg6[%dma_start3A_71] : memref<2400xi32, #tpu.memory_space<vmem>> -> memref<400xi32, #tpu.memory_space<vmem>>
    %dma_start3A_73 = arith.constant 0 : i32
    %dma_start3A_74 = arith.constant 0 : i32
    %dma_start3A_75 = tpu.memref_slice %arg2[%dma_start3A_73, %dma_start3A_74] : memref<20000x128xf32, #tpu.memory_space<hbm>> -> memref<20000x128xf32, #tpu.memory_space<hbm>>
    tpu.enqueue_indirect_dma source(%dma_start3A_75 : memref<20000x128xf32, #tpu.memory_space<hbm>>) target(%arg9 : memref<400x128xf32, #tpu.memory_space<vmem>>) offsets(%dma_start3A_72 : memref<400xi32, #tpu.memory_space<vmem>>) semaphore(%arg10 : memref<!tpu.dma_semaphore, #tpu.memory_space<semaphore_mem>>)
    %dma_start3A_76 = arith.constant 800 : i32
    %dma_start3A_77 = tpu.memref_slice %arg7[%dma_start3A_76] : memref<2400xi32, #tpu.memory_space<vmem>> -> memref<400xi32, #tpu.memory_space<vmem>>
    %dma_start3A_78 = arith.constant 0 : i32
    %dma_start3A_79 = arith.constant 0 : i32
    %dma_start3A_80 = tpu.memref_slice %arg2[%dma_start3A_78, %dma_start3A_79] : memref<20000x128xf32, #tpu.memory_space<hbm>> -> memref<20000x128xf32, #tpu.memory_space<hbm>>
    tpu.enqueue_indirect_dma source(%dma_start3A_80 : memref<20000x128xf32, #tpu.memory_space<hbm>>) target(%arg8 : memref<400x128xf32, #tpu.memory_space<vmem>>) offsets(%dma_start3A_77 : memref<400xi32, #tpu.memory_space<vmem>>) semaphore(%arg11 : memref<!tpu.dma_semaphore, #tpu.memory_space<semaphore_mem>>) {add = true}
    %dma_wait3A_81 = arith.constant 800 : i32
    %dma_wait3A_82 = tpu.memref_slice %arg7[%dma_wait3A_81] : memref<2400xi32, #tpu.memory_space<vmem>> -> memref<400xi32, #tpu.memory_space<vmem>>
    %dma_wait3A_83 = arith.constant 0 : i32
    %dma_wait3A_84 = arith.constant 0 : i32
    %dma_wait3A_85 = tpu.memref_slice %arg2[%dma_wait3A_83, %dma_wait3A_84] : memref<20000x128xf32, #tpu.memory_space<hbm>> -> memref<20000x128xf32, #tpu.memory_space<hbm>>
    tpu.wait_indirect_dma semaphore(%arg11 : memref<!tpu.dma_semaphore, #tpu.memory_space<semaphore_mem>>) src(%dma_wait3A_85 : memref<20000x128xf32, #tpu.memory_space<hbm>>) dst(%arg8 : memref<400x128xf32, #tpu.memory_space<vmem>>)
    %add3A_86 = arith.constant 800 : i32
    %add3A_87 = arith.addi %mul3A_2, %add3A_86 : i32
    %dma_start3A_88 = arith.constant 0 : i32
    %dma_start3A_89 = tpu.memref_slice %arg5[%add3A_87, %dma_start3A_88] : memref<76800x128xf32, #tpu.memory_space<hbm>> -> memref<400x128xf32, #tpu.memory_space<hbm>>
    %dma_start3A_90 = arith.constant 0 : i32
    %dma_start3A_91 = tpu.memref_slice %arg5[%add3A_87, %dma_start3A_90] : memref<76800x128xf32, #tpu.memory_space<hbm>> -> memref<400x128xf32, #tpu.memory_space<hbm>>
    tpu.enqueue_dma source(%arg8 : memref<400x128xf32, #tpu.memory_space<vmem>>) target(%dma_start3A_91 : memref<400x128xf32, #tpu.memory_space<hbm>>) target_semaphore(%arg12 : memref<!tpu.dma_semaphore, #tpu.memory_space<semaphore_mem>>)
    %dma_wait3A_92 = arith.constant 1200 : i32
    %dma_wait3A_93 = tpu.memref_slice %arg6[%dma_wait3A_92] : memref<2400xi32, #tpu.memory_space<vmem>> -> memref<400xi32, #tpu.memory_space<vmem>>
    %dma_wait3A_94 = arith.constant 0 : i32
    %dma_wait3A_95 = arith.constant 0 : i32
    %dma_wait3A_96 = tpu.memref_slice %arg2[%dma_wait3A_94, %dma_wait3A_95] : memref<20000x128xf32, #tpu.memory_space<hbm>> -> memref<20000x128xf32, #tpu.memory_space<hbm>>
    tpu.wait_indirect_dma semaphore(%arg10 : memref<!tpu.dma_semaphore, #tpu.memory_space<semaphore_mem>>) src(%dma_wait3A_96 : memref<20000x128xf32, #tpu.memory_space<hbm>>) dst(%arg9 : memref<400x128xf32, #tpu.memory_space<vmem>>)
    %dma_wait3A_97 = arith.constant 0 : i32
    %dma_wait3A_98 = tpu.memref_slice %arg5[%add3A_87, %dma_wait3A_97] : memref<76800x128xf32, #tpu.memory_space<hbm>> -> memref<400x128xf32, #tpu.memory_space<hbm>>
    %dma_wait3A_99 = arith.constant 0 : i32
    %dma_wait3A_100 = tpu.memref_slice %arg5[%add3A_87, %dma_wait3A_99] : memref<76800x128xf32, #tpu.memory_space<hbm>> -> memref<400x128xf32, #tpu.memory_space<hbm>>
    tpu.wait_dma2 semaphore(%arg12 : memref<!tpu.dma_semaphore, #tpu.memory_space<semaphore_mem>>) src(%arg8 : memref<400x128xf32, #tpu.memory_space<vmem>>) dst(%dma_wait3A_100 : memref<400x128xf32, #tpu.memory_space<hbm>>)
    %dma_start3A_101 = arith.constant 1600 : i32
    %dma_start3A_102 = tpu.memref_slice %arg6[%dma_start3A_101] : memref<2400xi32, #tpu.memory_space<vmem>> -> memref<400xi32, #tpu.memory_space<vmem>>
    %dma_start3A_103 = arith.constant 0 : i32
    %dma_start3A_104 = arith.constant 0 : i32
    %dma_start3A_105 = tpu.memref_slice %arg2[%dma_start3A_103, %dma_start3A_104] : memref<20000x128xf32, #tpu.memory_space<hbm>> -> memref<20000x128xf32, #tpu.memory_space<hbm>>
    tpu.enqueue_indirect_dma source(%dma_start3A_105 : memref<20000x128xf32, #tpu.memory_space<hbm>>) target(%arg8 : memref<400x128xf32, #tpu.memory_space<vmem>>) offsets(%dma_start3A_102 : memref<400xi32, #tpu.memory_space<vmem>>) semaphore(%arg10 : memref<!tpu.dma_semaphore, #tpu.memory_space<semaphore_mem>>)
    %dma_start3A_106 = arith.constant 1200 : i32
    %dma_start3A_107 = tpu.memref_slice %arg7[%dma_start3A_106] : memref<2400xi32, #tpu.memory_space<vmem>> -> memref<400xi32, #tpu.memory_space<vmem>>
    %dma_start3A_108 = arith.constant 0 : i32
    %dma_start3A_109 = arith.constant 0 : i32
    %dma_start3A_110 = tpu.memref_slice %arg2[%dma_start3A_108, %dma_start3A_109] : memref<20000x128xf32, #tpu.memory_space<hbm>> -> memref<20000x128xf32, #tpu.memory_space<hbm>>
    tpu.enqueue_indirect_dma source(%dma_start3A_110 : memref<20000x128xf32, #tpu.memory_space<hbm>>) target(%arg9 : memref<400x128xf32, #tpu.memory_space<vmem>>) offsets(%dma_start3A_107 : memref<400xi32, #tpu.memory_space<vmem>>) semaphore(%arg11 : memref<!tpu.dma_semaphore, #tpu.memory_space<semaphore_mem>>) {add = true}
    %dma_wait3A_111 = arith.constant 1200 : i32
    %dma_wait3A_112 = tpu.memref_slice %arg7[%dma_wait3A_111] : memref<2400xi32, #tpu.memory_space<vmem>> -> memref<400xi32, #tpu.memory_space<vmem>>
    %dma_wait3A_113 = arith.constant 0 : i32
    %dma_wait3A_114 = arith.constant 0 : i32
    %dma_wait3A_115 = tpu.memref_slice %arg2[%dma_wait3A_113, %dma_wait3A_114] : memref<20000x128xf32, #tpu.memory_space<hbm>> -> memref<20000x128xf32, #tpu.memory_space<hbm>>
    tpu.wait_indirect_dma semaphore(%arg11 : memref<!tpu.dma_semaphore, #tpu.memory_space<semaphore_mem>>) src(%dma_wait3A_115 : memref<20000x128xf32, #tpu.memory_space<hbm>>) dst(%arg9 : memref<400x128xf32, #tpu.memory_space<vmem>>)
    %add3A_116 = arith.constant 1200 : i32
    %add3A_117 = arith.addi %mul3A_2, %add3A_116 : i32
    %dma_start3A_118 = arith.constant 0 : i32
    %dma_start3A_119 = tpu.memref_slice %arg5[%add3A_117, %dma_start3A_118] : memref<76800x128xf32, #tpu.memory_space<hbm>> -> memref<400x128xf32, #tpu.memory_space<hbm>>
    %dma_start3A_120 = arith.constant 0 : i32
    %dma_start3A_121 = tpu.memref_slice %arg5[%add3A_117, %dma_start3A_120] : memref<76800x128xf32, #tpu.memory_space<hbm>> -> memref<400x128xf32, #tpu.memory_space<hbm>>
    tpu.enqueue_dma source(%arg9 : memref<400x128xf32, #tpu.memory_space<vmem>>) target(%dma_start3A_121 : memref<400x128xf32, #tpu.memory_space<hbm>>) target_semaphore(%arg12 : memref<!tpu.dma_semaphore, #tpu.memory_space<semaphore_mem>>)
    %dma_wait3A_122 = arith.constant 1600 : i32
    %dma_wait3A_123 = tpu.memref_slice %arg6[%dma_wait3A_122] : memref<2400xi32, #tpu.memory_space<vmem>> -> memref<400xi32, #tpu.memory_space<vmem>>
    %dma_wait3A_124 = arith.constant 0 : i32
    %dma_wait3A_125 = arith.constant 0 : i32
    %dma_wait3A_126 = tpu.memref_slice %arg2[%dma_wait3A_124, %dma_wait3A_125] : memref<20000x128xf32, #tpu.memory_space<hbm>> -> memref<20000x128xf32, #tpu.memory_space<hbm>>
    tpu.wait_indirect_dma semaphore(%arg10 : memref<!tpu.dma_semaphore, #tpu.memory_space<semaphore_mem>>) src(%dma_wait3A_126 : memref<20000x128xf32, #tpu.memory_space<hbm>>) dst(%arg8 : memref<400x128xf32, #tpu.memory_space<vmem>>)
    %dma_wait3A_127 = arith.constant 0 : i32
    %dma_wait3A_128 = tpu.memref_slice %arg5[%add3A_117, %dma_wait3A_127] : memref<76800x128xf32, #tpu.memory_space<hbm>> -> memref<400x128xf32, #tpu.memory_space<hbm>>
    %dma_wait3A_129 = arith.constant 0 : i32
    %dma_wait3A_130 = tpu.memref_slice %arg5[%add3A_117, %dma_wait3A_129] : memref<76800x128xf32, #tpu.memory_space<hbm>> -> memref<400x128xf32, #tpu.memory_space<hbm>>
    tpu.wait_dma2 semaphore(%arg12 : memref<!tpu.dma_semaphore, #tpu.memory_space<semaphore_mem>>) src(%arg9 : memref<400x128xf32, #tpu.memory_space<vmem>>) dst(%dma_wait3A_130 : memref<400x128xf32, #tpu.memory_space<hbm>>)
    %dma_start3A_131 = arith.constant 2000 : i32
    %dma_start3A_132 = tpu.memref_slice %arg6[%dma_start3A_131] : memref<2400xi32, #tpu.memory_space<vmem>> -> memref<400xi32, #tpu.memory_space<vmem>>
    %dma_start3A_133 = arith.constant 0 : i32
    %dma_start3A_134 = arith.constant 0 : i32
    %dma_start3A_135 = tpu.memref_slice %arg2[%dma_start3A_133, %dma_start3A_134] : memref<20000x128xf32, #tpu.memory_space<hbm>> -> memref<20000x128xf32, #tpu.memory_space<hbm>>
    tpu.enqueue_indirect_dma source(%dma_start3A_135 : memref<20000x128xf32, #tpu.memory_space<hbm>>) target(%arg9 : memref<400x128xf32, #tpu.memory_space<vmem>>) offsets(%dma_start3A_132 : memref<400xi32, #tpu.memory_space<vmem>>) semaphore(%arg10 : memref<!tpu.dma_semaphore, #tpu.memory_space<semaphore_mem>>)
    %dma_start3A_136 = arith.constant 1600 : i32
    %dma_start3A_137 = tpu.memref_slice %arg7[%dma_start3A_136] : memref<2400xi32, #tpu.memory_space<vmem>> -> memref<400xi32, #tpu.memory_space<vmem>>
    %dma_start3A_138 = arith.constant 0 : i32
    %dma_start3A_139 = arith.constant 0 : i32
    %dma_start3A_140 = tpu.memref_slice %arg2[%dma_start3A_138, %dma_start3A_139] : memref<20000x128xf32, #tpu.memory_space<hbm>> -> memref<20000x128xf32, #tpu.memory_space<hbm>>
    tpu.enqueue_indirect_dma source(%dma_start3A_140 : memref<20000x128xf32, #tpu.memory_space<hbm>>) target(%arg8 : memref<400x128xf32, #tpu.memory_space<vmem>>) offsets(%dma_start3A_137 : memref<400xi32, #tpu.memory_space<vmem>>) semaphore(%arg11 : memref<!tpu.dma_semaphore, #tpu.memory_space<semaphore_mem>>) {add = true}
    %dma_wait3A_141 = arith.constant 1600 : i32
    %dma_wait3A_142 = tpu.memref_slice %arg7[%dma_wait3A_141] : memref<2400xi32, #tpu.memory_space<vmem>> -> memref<400xi32, #tpu.memory_space<vmem>>
    %dma_wait3A_143 = arith.constant 0 : i32
    %dma_wait3A_144 = arith.constant 0 : i32
    %dma_wait3A_145 = tpu.memref_slice %arg2[%dma_wait3A_143, %dma_wait3A_144] : memref<20000x128xf32, #tpu.memory_space<hbm>> -> memref<20000x128xf32, #tpu.memory_space<hbm>>
    tpu.wait_indirect_dma semaphore(%arg11 : memref<!tpu.dma_semaphore, #tpu.memory_space<semaphore_mem>>) src(%dma_wait3A_145 : memref<20000x128xf32, #tpu.memory_space<hbm>>) dst(%arg8 : memref<400x128xf32, #tpu.memory_space<vmem>>)
    %add3A_146 = arith.constant 1600 : i32
    %add3A_147 = arith.addi %mul3A_2, %add3A_146 : i32
    %dma_start3A_148 = arith.constant 0 : i32
    %dma_start3A_149 = tpu.memref_slice %arg5[%add3A_147, %dma_start3A_148] : memref<76800x128xf32, #tpu.memory_space<hbm>> -> memref<400x128xf32, #tpu.memory_space<hbm>>
    %dma_start3A_150 = arith.constant 0 : i32
    %dma_start3A_151 = tpu.memref_slice %arg5[%add3A_147, %dma_start3A_150] : memref<76800x128xf32, #tpu.memory_space<hbm>> -> memref<400x128xf32, #tpu.memory_space<hbm>>
    tpu.enqueue_dma source(%arg8 : memref<400x128xf32, #tpu.memory_space<vmem>>) target(%dma_start3A_151 : memref<400x128xf32, #tpu.memory_space<hbm>>) target_semaphore(%arg12 : memref<!tpu.dma_semaphore, #tpu.memory_space<semaphore_mem>>)
    %dma_wait3A_152 = arith.constant 2000 : i32
    %dma_wait3A_153 = tpu.memref_slice %arg6[%dma_wait3A_152] : memref<2400xi32, #tpu.memory_space<vmem>> -> memref<400xi32, #tpu.memory_space<vmem>>
    %dma_wait3A_154 = arith.constant 0 : i32
    %dma_wait3A_155 = arith.constant 0 : i32
    %dma_wait3A_156 = tpu.memref_slice %arg2[%dma_wait3A_154, %dma_wait3A_155] : memref<20000x128xf32, #tpu.memory_space<hbm>> -> memref<20000x128xf32, #tpu.memory_space<hbm>>
    tpu.wait_indirect_dma semaphore(%arg10 : memref<!tpu.dma_semaphore, #tpu.memory_space<semaphore_mem>>) src(%dma_wait3A_156 : memref<20000x128xf32, #tpu.memory_space<hbm>>) dst(%arg9 : memref<400x128xf32, #tpu.memory_space<vmem>>)
    %dma_start3A_157 = arith.constant 2000 : i32
    %dma_start3A_158 = tpu.memref_slice %arg7[%dma_start3A_157] : memref<2400xi32, #tpu.memory_space<vmem>> -> memref<400xi32, #tpu.memory_space<vmem>>
    %dma_start3A_159 = arith.constant 0 : i32
    %dma_start3A_160 = arith.constant 0 : i32
    %dma_start3A_161 = tpu.memref_slice %arg2[%dma_start3A_159, %dma_start3A_160] : memref<20000x128xf32, #tpu.memory_space<hbm>> -> memref<20000x128xf32, #tpu.memory_space<hbm>>
    tpu.enqueue_indirect_dma source(%dma_start3A_161 : memref<20000x128xf32, #tpu.memory_space<hbm>>) target(%arg9 : memref<400x128xf32, #tpu.memory_space<vmem>>) offsets(%dma_start3A_158 : memref<400xi32, #tpu.memory_space<vmem>>) semaphore(%arg11 : memref<!tpu.dma_semaphore, #tpu.memory_space<semaphore_mem>>) {add = true}
    %dma_wait3A_162 = arith.constant 2000 : i32
    %dma_wait3A_163 = tpu.memref_slice %arg7[%dma_wait3A_162] : memref<2400xi32, #tpu.memory_space<vmem>> -> memref<400xi32, #tpu.memory_space<vmem>>
    %dma_wait3A_164 = arith.constant 0 : i32
    %dma_wait3A_165 = arith.constant 0 : i32
    %dma_wait3A_166 = tpu.memref_slice %arg2[%dma_wait3A_164, %dma_wait3A_165] : memref<20000x128xf32, #tpu.memory_space<hbm>> -> memref<20000x128xf32, #tpu.memory_space<hbm>>
    tpu.wait_indirect_dma semaphore(%arg11 : memref<!tpu.dma_semaphore, #tpu.memory_space<semaphore_mem>>) src(%dma_wait3A_166 : memref<20000x128xf32, #tpu.memory_space<hbm>>) dst(%arg9 : memref<400x128xf32, #tpu.memory_space<vmem>>)
    %add3A_167 = arith.constant 2000 : i32
    %add3A_168 = arith.addi %mul3A_2, %add3A_167 : i32
    %dma_start3A_169 = arith.constant 0 : i32
    %dma_start3A_170 = tpu.memref_slice %arg5[%add3A_168, %dma_start3A_169] : memref<76800x128xf32, #tpu.memory_space<hbm>> -> memref<400x128xf32, #tpu.memory_space<hbm>>
    %dma_start3A_171 = arith.constant 0 : i32
    %dma_start3A_172 = tpu.memref_slice %arg5[%add3A_168, %dma_start3A_171] : memref<76800x128xf32, #tpu.memory_space<hbm>> -> memref<400x128xf32, #tpu.memory_space<hbm>>
    tpu.enqueue_dma source(%arg9 : memref<400x128xf32, #tpu.memory_space<vmem>>) target(%dma_start3A_172 : memref<400x128xf32, #tpu.memory_space<hbm>>) target_semaphore(%arg12 : memref<!tpu.dma_semaphore, #tpu.memory_space<semaphore_mem>>)
    %dma_wait3A_173 = arith.constant 0 : i32
    %dma_wait3A_174 = tpu.memref_slice %arg5[%add3A_147, %dma_wait3A_173] : memref<76800x128xf32, #tpu.memory_space<hbm>> -> memref<400x128xf32, #tpu.memory_space<hbm>>
    %dma_wait3A_175 = arith.constant 0 : i32
    %dma_wait3A_176 = tpu.memref_slice %arg5[%add3A_147, %dma_wait3A_175] : memref<76800x128xf32, #tpu.memory_space<hbm>> -> memref<400x128xf32, #tpu.memory_space<hbm>>
    tpu.wait_dma2 semaphore(%arg12 : memref<!tpu.dma_semaphore, #tpu.memory_space<semaphore_mem>>) src(%arg8 : memref<400x128xf32, #tpu.memory_space<vmem>>) dst(%dma_wait3A_176 : memref<400x128xf32, #tpu.memory_space<hbm>>)
    %dma_wait3A_177 = arith.constant 0 : i32
    %dma_wait3A_178 = tpu.memref_slice %arg5[%add3A_168, %dma_wait3A_177] : memref<76800x128xf32, #tpu.memory_space<hbm>> -> memref<400x128xf32, #tpu.memory_space<hbm>>
    %dma_wait3A_179 = arith.constant 0 : i32
    %dma_wait3A_180 = tpu.memref_slice %arg5[%add3A_168, %dma_wait3A_179] : memref<76800x128xf32, #tpu.memory_space<hbm>> -> memref<400x128xf32, #tpu.memory_space<hbm>>
    tpu.wait_dma2 semaphore(%arg12 : memref<!tpu.dma_semaphore, #tpu.memory_space<semaphore_mem>>) src(%arg9 : memref<400x128xf32, #tpu.memory_space<vmem>>) dst(%dma_wait3A_180 : memref<400x128xf32, #tpu.memory_space<hbm>>)
    return
  }
}

#map = affine_map<(d0, d1) -> (0, 0)>
#map1 = affine_map<(d0, d1) -> (0)>
module attributes {stable_mosaic.version = 14 : i64} {
  func.func @gather_kernel(%arg0: i32, %arg1: i32, %arg2: memref<20000x128xf32, #tpu.memory_space<hbm>>, %arg3: memref<51200xi32, #tpu.memory_space<hbm>>, %arg4: memref<51200xi32, #tpu.memory_space<hbm>>, %arg5: memref<51200x128xf32, #tpu.memory_space<hbm>>, %arg6: memref<1600xi32, #tpu.memory_space<vmem>>, %arg7: memref<1600xi32, #tpu.memory_space<vmem>>, %arg8: memref<400x128xf32, #tpu.memory_space<vmem>>, %arg9: memref<400x128xf32, #tpu.memory_space<vmem>>, %arg10: memref<!tpu.dma_semaphore, #tpu.memory_space<semaphore_mem>>, %arg11: memref<!tpu.dma_semaphore, #tpu.memory_space<semaphore_mem>>, %arg12: memref<!tpu.dma_semaphore, #tpu.memory_space<semaphore_mem>>) attributes {dimension_semantics = [#tpu.dimension_semantics<core_parallel>, #tpu.dimension_semantics<subcore_parallel>], iteration_bounds = array<i64: 2, 16>, scalar_prefetch = 0 : i64, scratch_operands = 7 : i64, tpu.core_type = #tpu.core_type<sc_vector_subcore>, window_params = [{transform_indices = #map}, {transform_indices = #map1}, {transform_indices = #map1}, {transform_indices = #map}]} {
    %mul3A = arith.constant 2 : i32
    %mul3A_0 = arith.muli %arg1, %mul3A : i32
    %add3A = arith.addi %mul3A_0, %arg0 : i32
    %mul3A_1 = arith.constant 1600 : i32
    %mul3A_2 = arith.muli %add3A, %mul3A_1 : i32
    "tpu.region"() ({
      %run_scoped3A = tpu.sem_alloc : memref<!tpu.dma_semaphore, #tpu.memory_space<semaphore_mem>>
      %dma_start3A_121 = tpu.memref_slice %arg3[%mul3A_2] : memref<51200xi32, #tpu.memory_space<hbm>> -> memref<1600xi32, #tpu.memory_space<hbm>>
      %dma_start3A_122 = tpu.memref_slice %arg3[%mul3A_2] : memref<51200xi32, #tpu.memory_space<hbm>> -> memref<1600xi32, #tpu.memory_space<hbm>>
      tpu.enqueue_dma source(%dma_start3A_122 : memref<1600xi32, #tpu.memory_space<hbm>>) target(%arg6 : memref<1600xi32, #tpu.memory_space<vmem>>) target_semaphore(%run_scoped3A : memref<!tpu.dma_semaphore, #tpu.memory_space<semaphore_mem>>)
      %dma_wait3A_123 = tpu.memref_slice %arg3[%mul3A_2] : memref<51200xi32, #tpu.memory_space<hbm>> -> memref<1600xi32, #tpu.memory_space<hbm>>
      %dma_wait3A_124 = tpu.memref_slice %arg3[%mul3A_2] : memref<51200xi32, #tpu.memory_space<hbm>> -> memref<1600xi32, #tpu.memory_space<hbm>>
      tpu.wait_dma2 semaphore(%run_scoped3A : memref<!tpu.dma_semaphore, #tpu.memory_space<semaphore_mem>>) src(%dma_wait3A_124 : memref<1600xi32, #tpu.memory_space<hbm>>) dst(%arg6 : memref<1600xi32, #tpu.memory_space<vmem>>)
      tpu.yield
    }) : () -> ()
    "tpu.region"() ({
      %run_scoped3A = tpu.sem_alloc : memref<!tpu.dma_semaphore, #tpu.memory_space<semaphore_mem>>
      %dma_start3A_121 = tpu.memref_slice %arg4[%mul3A_2] : memref<51200xi32, #tpu.memory_space<hbm>> -> memref<1600xi32, #tpu.memory_space<hbm>>
      %dma_start3A_122 = tpu.memref_slice %arg4[%mul3A_2] : memref<51200xi32, #tpu.memory_space<hbm>> -> memref<1600xi32, #tpu.memory_space<hbm>>
      tpu.enqueue_dma source(%dma_start3A_122 : memref<1600xi32, #tpu.memory_space<hbm>>) target(%arg7 : memref<1600xi32, #tpu.memory_space<vmem>>) target_semaphore(%run_scoped3A : memref<!tpu.dma_semaphore, #tpu.memory_space<semaphore_mem>>)
      %dma_wait3A_123 = tpu.memref_slice %arg4[%mul3A_2] : memref<51200xi32, #tpu.memory_space<hbm>> -> memref<1600xi32, #tpu.memory_space<hbm>>
      %dma_wait3A_124 = tpu.memref_slice %arg4[%mul3A_2] : memref<51200xi32, #tpu.memory_space<hbm>> -> memref<1600xi32, #tpu.memory_space<hbm>>
      tpu.wait_dma2 semaphore(%run_scoped3A : memref<!tpu.dma_semaphore, #tpu.memory_space<semaphore_mem>>) src(%dma_wait3A_124 : memref<1600xi32, #tpu.memory_space<hbm>>) dst(%arg7 : memref<1600xi32, #tpu.memory_space<vmem>>)
      tpu.yield
    }) : () -> ()
    %dma_start3A = arith.constant 0 : i32
    %dma_start3A_3 = tpu.memref_slice %arg6[%dma_start3A] : memref<1600xi32, #tpu.memory_space<vmem>> -> memref<400xi32, #tpu.memory_space<vmem>>
    %dma_start3A_4 = arith.constant 0 : i32
    %dma_start3A_5 = arith.constant 0 : i32
    %dma_start3A_6 = tpu.memref_slice %arg2[%dma_start3A_4, %dma_start3A_5] : memref<20000x128xf32, #tpu.memory_space<hbm>> -> memref<20000x128xf32, #tpu.memory_space<hbm>>
    tpu.enqueue_indirect_dma source(%dma_start3A_6 : memref<20000x128xf32, #tpu.memory_space<hbm>>) target(%arg8 : memref<400x128xf32, #tpu.memory_space<vmem>>) offsets(%dma_start3A_3 : memref<400xi32, #tpu.memory_space<vmem>>) semaphore(%arg10 : memref<!tpu.dma_semaphore, #tpu.memory_space<semaphore_mem>>)
    %dma_wait3A = arith.constant 0 : i32
    %dma_wait3A_7 = tpu.memref_slice %arg6[%dma_wait3A] : memref<1600xi32, #tpu.memory_space<vmem>> -> memref<400xi32, #tpu.memory_space<vmem>>
    %dma_wait3A_8 = arith.constant 0 : i32
    %dma_wait3A_9 = arith.constant 0 : i32
    %dma_wait3A_10 = tpu.memref_slice %arg2[%dma_wait3A_8, %dma_wait3A_9] : memref<20000x128xf32, #tpu.memory_space<hbm>> -> memref<20000x128xf32, #tpu.memory_space<hbm>>
    tpu.wait_indirect_dma semaphore(%arg10 : memref<!tpu.dma_semaphore, #tpu.memory_space<semaphore_mem>>) src(%dma_wait3A_10 : memref<20000x128xf32, #tpu.memory_space<hbm>>) dst(%arg8 : memref<400x128xf32, #tpu.memory_space<vmem>>)
    %dma_start3A_11 = arith.constant 400 : i32
    %dma_start3A_12 = tpu.memref_slice %arg6[%dma_start3A_11] : memref<1600xi32, #tpu.memory_space<vmem>> -> memref<400xi32, #tpu.memory_space<vmem>>
    %dma_start3A_13 = arith.constant 0 : i32
    %dma_start3A_14 = arith.constant 0 : i32
    %dma_start3A_15 = tpu.memref_slice %arg2[%dma_start3A_13, %dma_start3A_14] : memref<20000x128xf32, #tpu.memory_space<hbm>> -> memref<20000x128xf32, #tpu.memory_space<hbm>>
    tpu.enqueue_indirect_dma source(%dma_start3A_15 : memref<20000x128xf32, #tpu.memory_space<hbm>>) target(%arg9 : memref<400x128xf32, #tpu.memory_space<vmem>>) offsets(%dma_start3A_12 : memref<400xi32, #tpu.memory_space<vmem>>) semaphore(%arg10 : memref<!tpu.dma_semaphore, #tpu.memory_space<semaphore_mem>>)
    %dma_start3A_16 = arith.constant 0 : i32
    %dma_start3A_17 = tpu.memref_slice %arg7[%dma_start3A_16] : memref<1600xi32, #tpu.memory_space<vmem>> -> memref<400xi32, #tpu.memory_space<vmem>>
    %dma_start3A_18 = arith.constant 0 : i32
    %dma_start3A_19 = arith.constant 0 : i32
    %dma_start3A_20 = tpu.memref_slice %arg2[%dma_start3A_18, %dma_start3A_19] : memref<20000x128xf32, #tpu.memory_space<hbm>> -> memref<20000x128xf32, #tpu.memory_space<hbm>>
    tpu.enqueue_indirect_dma source(%dma_start3A_20 : memref<20000x128xf32, #tpu.memory_space<hbm>>) target(%arg8 : memref<400x128xf32, #tpu.memory_space<vmem>>) offsets(%dma_start3A_17 : memref<400xi32, #tpu.memory_space<vmem>>) semaphore(%arg11 : memref<!tpu.dma_semaphore, #tpu.memory_space<semaphore_mem>>) {add = true}
    %dma_wait3A_21 = arith.constant 0 : i32
    %dma_wait3A_22 = tpu.memref_slice %arg7[%dma_wait3A_21] : memref<1600xi32, #tpu.memory_space<vmem>> -> memref<400xi32, #tpu.memory_space<vmem>>
    %dma_wait3A_23 = arith.constant 0 : i32
    %dma_wait3A_24 = arith.constant 0 : i32
    %dma_wait3A_25 = tpu.memref_slice %arg2[%dma_wait3A_23, %dma_wait3A_24] : memref<20000x128xf32, #tpu.memory_space<hbm>> -> memref<20000x128xf32, #tpu.memory_space<hbm>>
    tpu.wait_indirect_dma semaphore(%arg11 : memref<!tpu.dma_semaphore, #tpu.memory_space<semaphore_mem>>) src(%dma_wait3A_25 : memref<20000x128xf32, #tpu.memory_space<hbm>>) dst(%arg8 : memref<400x128xf32, #tpu.memory_space<vmem>>)
    %add3A_26 = arith.constant 0 : i32
    %add3A_27 = arith.addi %mul3A_2, %add3A_26 : i32
    %dma_start3A_28 = arith.constant 0 : i32
    %dma_start3A_29 = tpu.memref_slice %arg5[%add3A_27, %dma_start3A_28] : memref<51200x128xf32, #tpu.memory_space<hbm>> -> memref<400x128xf32, #tpu.memory_space<hbm>>
    %dma_start3A_30 = arith.constant 0 : i32
    %dma_start3A_31 = tpu.memref_slice %arg5[%add3A_27, %dma_start3A_30] : memref<51200x128xf32, #tpu.memory_space<hbm>> -> memref<400x128xf32, #tpu.memory_space<hbm>>
    tpu.enqueue_dma source(%arg8 : memref<400x128xf32, #tpu.memory_space<vmem>>) target(%dma_start3A_31 : memref<400x128xf32, #tpu.memory_space<hbm>>) target_semaphore(%arg12 : memref<!tpu.dma_semaphore, #tpu.memory_space<semaphore_mem>>)
    %dma_wait3A_32 = arith.constant 400 : i32
    %dma_wait3A_33 = tpu.memref_slice %arg6[%dma_wait3A_32] : memref<1600xi32, #tpu.memory_space<vmem>> -> memref<400xi32, #tpu.memory_space<vmem>>
    %dma_wait3A_34 = arith.constant 0 : i32
    %dma_wait3A_35 = arith.constant 0 : i32
    %dma_wait3A_36 = tpu.memref_slice %arg2[%dma_wait3A_34, %dma_wait3A_35] : memref<20000x128xf32, #tpu.memory_space<hbm>> -> memref<20000x128xf32, #tpu.memory_space<hbm>>
    tpu.wait_indirect_dma semaphore(%arg10 : memref<!tpu.dma_semaphore, #tpu.memory_space<semaphore_mem>>) src(%dma_wait3A_36 : memref<20000x128xf32, #tpu.memory_space<hbm>>) dst(%arg9 : memref<400x128xf32, #tpu.memory_space<vmem>>)
    %dma_wait3A_37 = arith.constant 0 : i32
    %dma_wait3A_38 = tpu.memref_slice %arg5[%add3A_27, %dma_wait3A_37] : memref<51200x128xf32, #tpu.memory_space<hbm>> -> memref<400x128xf32, #tpu.memory_space<hbm>>
    %dma_wait3A_39 = arith.constant 0 : i32
    %dma_wait3A_40 = tpu.memref_slice %arg5[%add3A_27, %dma_wait3A_39] : memref<51200x128xf32, #tpu.memory_space<hbm>> -> memref<400x128xf32, #tpu.memory_space<hbm>>
    tpu.wait_dma2 semaphore(%arg12 : memref<!tpu.dma_semaphore, #tpu.memory_space<semaphore_mem>>) src(%arg8 : memref<400x128xf32, #tpu.memory_space<vmem>>) dst(%dma_wait3A_40 : memref<400x128xf32, #tpu.memory_space<hbm>>)
    %dma_start3A_41 = arith.constant 800 : i32
    %dma_start3A_42 = tpu.memref_slice %arg6[%dma_start3A_41] : memref<1600xi32, #tpu.memory_space<vmem>> -> memref<400xi32, #tpu.memory_space<vmem>>
    %dma_start3A_43 = arith.constant 0 : i32
    %dma_start3A_44 = arith.constant 0 : i32
    %dma_start3A_45 = tpu.memref_slice %arg2[%dma_start3A_43, %dma_start3A_44] : memref<20000x128xf32, #tpu.memory_space<hbm>> -> memref<20000x128xf32, #tpu.memory_space<hbm>>
    tpu.enqueue_indirect_dma source(%dma_start3A_45 : memref<20000x128xf32, #tpu.memory_space<hbm>>) target(%arg8 : memref<400x128xf32, #tpu.memory_space<vmem>>) offsets(%dma_start3A_42 : memref<400xi32, #tpu.memory_space<vmem>>) semaphore(%arg10 : memref<!tpu.dma_semaphore, #tpu.memory_space<semaphore_mem>>)
    %dma_start3A_46 = arith.constant 400 : i32
    %dma_start3A_47 = tpu.memref_slice %arg7[%dma_start3A_46] : memref<1600xi32, #tpu.memory_space<vmem>> -> memref<400xi32, #tpu.memory_space<vmem>>
    %dma_start3A_48 = arith.constant 0 : i32
    %dma_start3A_49 = arith.constant 0 : i32
    %dma_start3A_50 = tpu.memref_slice %arg2[%dma_start3A_48, %dma_start3A_49] : memref<20000x128xf32, #tpu.memory_space<hbm>> -> memref<20000x128xf32, #tpu.memory_space<hbm>>
    tpu.enqueue_indirect_dma source(%dma_start3A_50 : memref<20000x128xf32, #tpu.memory_space<hbm>>) target(%arg9 : memref<400x128xf32, #tpu.memory_space<vmem>>) offsets(%dma_start3A_47 : memref<400xi32, #tpu.memory_space<vmem>>) semaphore(%arg11 : memref<!tpu.dma_semaphore, #tpu.memory_space<semaphore_mem>>) {add = true}
    %dma_wait3A_51 = arith.constant 400 : i32
    %dma_wait3A_52 = tpu.memref_slice %arg7[%dma_wait3A_51] : memref<1600xi32, #tpu.memory_space<vmem>> -> memref<400xi32, #tpu.memory_space<vmem>>
    %dma_wait3A_53 = arith.constant 0 : i32
    %dma_wait3A_54 = arith.constant 0 : i32
    %dma_wait3A_55 = tpu.memref_slice %arg2[%dma_wait3A_53, %dma_wait3A_54] : memref<20000x128xf32, #tpu.memory_space<hbm>> -> memref<20000x128xf32, #tpu.memory_space<hbm>>
    tpu.wait_indirect_dma semaphore(%arg11 : memref<!tpu.dma_semaphore, #tpu.memory_space<semaphore_mem>>) src(%dma_wait3A_55 : memref<20000x128xf32, #tpu.memory_space<hbm>>) dst(%arg9 : memref<400x128xf32, #tpu.memory_space<vmem>>)
    %add3A_56 = arith.constant 400 : i32
    %add3A_57 = arith.addi %mul3A_2, %add3A_56 : i32
    %dma_start3A_58 = arith.constant 0 : i32
    %dma_start3A_59 = tpu.memref_slice %arg5[%add3A_57, %dma_start3A_58] : memref<51200x128xf32, #tpu.memory_space<hbm>> -> memref<400x128xf32, #tpu.memory_space<hbm>>
    %dma_start3A_60 = arith.constant 0 : i32
    %dma_start3A_61 = tpu.memref_slice %arg5[%add3A_57, %dma_start3A_60] : memref<51200x128xf32, #tpu.memory_space<hbm>> -> memref<400x128xf32, #tpu.memory_space<hbm>>
    tpu.enqueue_dma source(%arg9 : memref<400x128xf32, #tpu.memory_space<vmem>>) target(%dma_start3A_61 : memref<400x128xf32, #tpu.memory_space<hbm>>) target_semaphore(%arg12 : memref<!tpu.dma_semaphore, #tpu.memory_space<semaphore_mem>>)
    %dma_wait3A_62 = arith.constant 800 : i32
    %dma_wait3A_63 = tpu.memref_slice %arg6[%dma_wait3A_62] : memref<1600xi32, #tpu.memory_space<vmem>> -> memref<400xi32, #tpu.memory_space<vmem>>
    %dma_wait3A_64 = arith.constant 0 : i32
    %dma_wait3A_65 = arith.constant 0 : i32
    %dma_wait3A_66 = tpu.memref_slice %arg2[%dma_wait3A_64, %dma_wait3A_65] : memref<20000x128xf32, #tpu.memory_space<hbm>> -> memref<20000x128xf32, #tpu.memory_space<hbm>>
    tpu.wait_indirect_dma semaphore(%arg10 : memref<!tpu.dma_semaphore, #tpu.memory_space<semaphore_mem>>) src(%dma_wait3A_66 : memref<20000x128xf32, #tpu.memory_space<hbm>>) dst(%arg8 : memref<400x128xf32, #tpu.memory_space<vmem>>)
    %dma_wait3A_67 = arith.constant 0 : i32
    %dma_wait3A_68 = tpu.memref_slice %arg5[%add3A_57, %dma_wait3A_67] : memref<51200x128xf32, #tpu.memory_space<hbm>> -> memref<400x128xf32, #tpu.memory_space<hbm>>
    %dma_wait3A_69 = arith.constant 0 : i32
    %dma_wait3A_70 = tpu.memref_slice %arg5[%add3A_57, %dma_wait3A_69] : memref<51200x128xf32, #tpu.memory_space<hbm>> -> memref<400x128xf32, #tpu.memory_space<hbm>>
    tpu.wait_dma2 semaphore(%arg12 : memref<!tpu.dma_semaphore, #tpu.memory_space<semaphore_mem>>) src(%arg9 : memref<400x128xf32, #tpu.memory_space<vmem>>) dst(%dma_wait3A_70 : memref<400x128xf32, #tpu.memory_space<hbm>>)
    %dma_start3A_71 = arith.constant 1200 : i32
    %dma_start3A_72 = tpu.memref_slice %arg6[%dma_start3A_71] : memref<1600xi32, #tpu.memory_space<vmem>> -> memref<400xi32, #tpu.memory_space<vmem>>
    %dma_start3A_73 = arith.constant 0 : i32
    %dma_start3A_74 = arith.constant 0 : i32
    %dma_start3A_75 = tpu.memref_slice %arg2[%dma_start3A_73, %dma_start3A_74] : memref<20000x128xf32, #tpu.memory_space<hbm>> -> memref<20000x128xf32, #tpu.memory_space<hbm>>
    tpu.enqueue_indirect_dma source(%dma_start3A_75 : memref<20000x128xf32, #tpu.memory_space<hbm>>) target(%arg9 : memref<400x128xf32, #tpu.memory_space<vmem>>) offsets(%dma_start3A_72 : memref<400xi32, #tpu.memory_space<vmem>>) semaphore(%arg10 : memref<!tpu.dma_semaphore, #tpu.memory_space<semaphore_mem>>)
    %dma_start3A_76 = arith.constant 800 : i32
    %dma_start3A_77 = tpu.memref_slice %arg7[%dma_start3A_76] : memref<1600xi32, #tpu.memory_space<vmem>> -> memref<400xi32, #tpu.memory_space<vmem>>
    %dma_start3A_78 = arith.constant 0 : i32
    %dma_start3A_79 = arith.constant 0 : i32
    %dma_start3A_80 = tpu.memref_slice %arg2[%dma_start3A_78, %dma_start3A_79] : memref<20000x128xf32, #tpu.memory_space<hbm>> -> memref<20000x128xf32, #tpu.memory_space<hbm>>
    tpu.enqueue_indirect_dma source(%dma_start3A_80 : memref<20000x128xf32, #tpu.memory_space<hbm>>) target(%arg8 : memref<400x128xf32, #tpu.memory_space<vmem>>) offsets(%dma_start3A_77 : memref<400xi32, #tpu.memory_space<vmem>>) semaphore(%arg11 : memref<!tpu.dma_semaphore, #tpu.memory_space<semaphore_mem>>) {add = true}
    %dma_wait3A_81 = arith.constant 800 : i32
    %dma_wait3A_82 = tpu.memref_slice %arg7[%dma_wait3A_81] : memref<1600xi32, #tpu.memory_space<vmem>> -> memref<400xi32, #tpu.memory_space<vmem>>
    %dma_wait3A_83 = arith.constant 0 : i32
    %dma_wait3A_84 = arith.constant 0 : i32
    %dma_wait3A_85 = tpu.memref_slice %arg2[%dma_wait3A_83, %dma_wait3A_84] : memref<20000x128xf32, #tpu.memory_space<hbm>> -> memref<20000x128xf32, #tpu.memory_space<hbm>>
    tpu.wait_indirect_dma semaphore(%arg11 : memref<!tpu.dma_semaphore, #tpu.memory_space<semaphore_mem>>) src(%dma_wait3A_85 : memref<20000x128xf32, #tpu.memory_space<hbm>>) dst(%arg8 : memref<400x128xf32, #tpu.memory_space<vmem>>)
    %add3A_86 = arith.constant 800 : i32
    %add3A_87 = arith.addi %mul3A_2, %add3A_86 : i32
    %dma_start3A_88 = arith.constant 0 : i32
    %dma_start3A_89 = tpu.memref_slice %arg5[%add3A_87, %dma_start3A_88] : memref<51200x128xf32, #tpu.memory_space<hbm>> -> memref<400x128xf32, #tpu.memory_space<hbm>>
    %dma_start3A_90 = arith.constant 0 : i32
    %dma_start3A_91 = tpu.memref_slice %arg5[%add3A_87, %dma_start3A_90] : memref<51200x128xf32, #tpu.memory_space<hbm>> -> memref<400x128xf32, #tpu.memory_space<hbm>>
    tpu.enqueue_dma source(%arg8 : memref<400x128xf32, #tpu.memory_space<vmem>>) target(%dma_start3A_91 : memref<400x128xf32, #tpu.memory_space<hbm>>) target_semaphore(%arg12 : memref<!tpu.dma_semaphore, #tpu.memory_space<semaphore_mem>>)
    %dma_wait3A_92 = arith.constant 1200 : i32
    %dma_wait3A_93 = tpu.memref_slice %arg6[%dma_wait3A_92] : memref<1600xi32, #tpu.memory_space<vmem>> -> memref<400xi32, #tpu.memory_space<vmem>>
    %dma_wait3A_94 = arith.constant 0 : i32
    %dma_wait3A_95 = arith.constant 0 : i32
    %dma_wait3A_96 = tpu.memref_slice %arg2[%dma_wait3A_94, %dma_wait3A_95] : memref<20000x128xf32, #tpu.memory_space<hbm>> -> memref<20000x128xf32, #tpu.memory_space<hbm>>
    tpu.wait_indirect_dma semaphore(%arg10 : memref<!tpu.dma_semaphore, #tpu.memory_space<semaphore_mem>>) src(%dma_wait3A_96 : memref<20000x128xf32, #tpu.memory_space<hbm>>) dst(%arg9 : memref<400x128xf32, #tpu.memory_space<vmem>>)
    %dma_start3A_97 = arith.constant 1200 : i32
    %dma_start3A_98 = tpu.memref_slice %arg7[%dma_start3A_97] : memref<1600xi32, #tpu.memory_space<vmem>> -> memref<400xi32, #tpu.memory_space<vmem>>
    %dma_start3A_99 = arith.constant 0 : i32
    %dma_start3A_100 = arith.constant 0 : i32
    %dma_start3A_101 = tpu.memref_slice %arg2[%dma_start3A_99, %dma_start3A_100] : memref<20000x128xf32, #tpu.memory_space<hbm>> -> memref<20000x128xf32, #tpu.memory_space<hbm>>
    tpu.enqueue_indirect_dma source(%dma_start3A_101 : memref<20000x128xf32, #tpu.memory_space<hbm>>) target(%arg9 : memref<400x128xf32, #tpu.memory_space<vmem>>) offsets(%dma_start3A_98 : memref<400xi32, #tpu.memory_space<vmem>>) semaphore(%arg11 : memref<!tpu.dma_semaphore, #tpu.memory_space<semaphore_mem>>) {add = true}
    %dma_wait3A_102 = arith.constant 1200 : i32
    %dma_wait3A_103 = tpu.memref_slice %arg7[%dma_wait3A_102] : memref<1600xi32, #tpu.memory_space<vmem>> -> memref<400xi32, #tpu.memory_space<vmem>>
    %dma_wait3A_104 = arith.constant 0 : i32
    %dma_wait3A_105 = arith.constant 0 : i32
    %dma_wait3A_106 = tpu.memref_slice %arg2[%dma_wait3A_104, %dma_wait3A_105] : memref<20000x128xf32, #tpu.memory_space<hbm>> -> memref<20000x128xf32, #tpu.memory_space<hbm>>
    tpu.wait_indirect_dma semaphore(%arg11 : memref<!tpu.dma_semaphore, #tpu.memory_space<semaphore_mem>>) src(%dma_wait3A_106 : memref<20000x128xf32, #tpu.memory_space<hbm>>) dst(%arg9 : memref<400x128xf32, #tpu.memory_space<vmem>>)
    %add3A_107 = arith.constant 1200 : i32
    %add3A_108 = arith.addi %mul3A_2, %add3A_107 : i32
    %dma_start3A_109 = arith.constant 0 : i32
    %dma_start3A_110 = tpu.memref_slice %arg5[%add3A_108, %dma_start3A_109] : memref<51200x128xf32, #tpu.memory_space<hbm>> -> memref<400x128xf32, #tpu.memory_space<hbm>>
    %dma_start3A_111 = arith.constant 0 : i32
    %dma_start3A_112 = tpu.memref_slice %arg5[%add3A_108, %dma_start3A_111] : memref<51200x128xf32, #tpu.memory_space<hbm>> -> memref<400x128xf32, #tpu.memory_space<hbm>>
    tpu.enqueue_dma source(%arg9 : memref<400x128xf32, #tpu.memory_space<vmem>>) target(%dma_start3A_112 : memref<400x128xf32, #tpu.memory_space<hbm>>) target_semaphore(%arg12 : memref<!tpu.dma_semaphore, #tpu.memory_space<semaphore_mem>>)
    %dma_wait3A_113 = arith.constant 0 : i32
    %dma_wait3A_114 = tpu.memref_slice %arg5[%add3A_87, %dma_wait3A_113] : memref<51200x128xf32, #tpu.memory_space<hbm>> -> memref<400x128xf32, #tpu.memory_space<hbm>>
    %dma_wait3A_115 = arith.constant 0 : i32
    %dma_wait3A_116 = tpu.memref_slice %arg5[%add3A_87, %dma_wait3A_115] : memref<51200x128xf32, #tpu.memory_space<hbm>> -> memref<400x128xf32, #tpu.memory_space<hbm>>
    tpu.wait_dma2 semaphore(%arg12 : memref<!tpu.dma_semaphore, #tpu.memory_space<semaphore_mem>>) src(%arg8 : memref<400x128xf32, #tpu.memory_space<vmem>>) dst(%dma_wait3A_116 : memref<400x128xf32, #tpu.memory_space<hbm>>)
    %dma_wait3A_117 = arith.constant 0 : i32
    %dma_wait3A_118 = tpu.memref_slice %arg5[%add3A_108, %dma_wait3A_117] : memref<51200x128xf32, #tpu.memory_space<hbm>> -> memref<400x128xf32, #tpu.memory_space<hbm>>
    %dma_wait3A_119 = arith.constant 0 : i32
    %dma_wait3A_120 = tpu.memref_slice %arg5[%add3A_108, %dma_wait3A_119] : memref<51200x128xf32, #tpu.memory_space<hbm>> -> memref<400x128xf32, #tpu.memory_space<hbm>>
    tpu.wait_dma2 semaphore(%arg12 : memref<!tpu.dma_semaphore, #tpu.memory_space<semaphore_mem>>) src(%arg9 : memref<400x128xf32, #tpu.memory_space<vmem>>) dst(%dma_wait3A_120 : memref<400x128xf32, #tpu.memory_space<hbm>>)
    return
  }
}

#map = affine_map<(d0, d1) -> (0, 0)>
#map1 = affine_map<(d0, d1) -> (0)>
module attributes {stable_mosaic.version = 14 : i64} {
  func.func @gather_kernel(%arg0: i32, %arg1: i32, %arg2: memref<20000x128xf32, #tpu.memory_space<hbm>>, %arg3: memref<38400xi32, #tpu.memory_space<hbm>>, %arg4: memref<38400xi32, #tpu.memory_space<hbm>>, %arg5: memref<38400x128xf32, #tpu.memory_space<hbm>>, %arg6: memref<1200xi32, #tpu.memory_space<vmem>>, %arg7: memref<1200xi32, #tpu.memory_space<vmem>>, %arg8: memref<400x128xf32, #tpu.memory_space<vmem>>, %arg9: memref<400x128xf32, #tpu.memory_space<vmem>>, %arg10: memref<!tpu.dma_semaphore, #tpu.memory_space<semaphore_mem>>, %arg11: memref<!tpu.dma_semaphore, #tpu.memory_space<semaphore_mem>>, %arg12: memref<!tpu.dma_semaphore, #tpu.memory_space<semaphore_mem>>) attributes {dimension_semantics = [#tpu.dimension_semantics<core_parallel>, #tpu.dimension_semantics<subcore_parallel>], iteration_bounds = array<i64: 2, 16>, scalar_prefetch = 0 : i64, scratch_operands = 7 : i64, tpu.core_type = #tpu.core_type<sc_vector_subcore>, window_params = [{transform_indices = #map}, {transform_indices = #map1}, {transform_indices = #map1}, {transform_indices = #map}]} {
    %mul3A = arith.constant 2 : i32
    %mul3A_0 = arith.muli %arg1, %mul3A : i32
    %add3A = arith.addi %mul3A_0, %arg0 : i32
    %mul3A_1 = arith.constant 1200 : i32
    %mul3A_2 = arith.muli %add3A, %mul3A_1 : i32
    "tpu.region"() ({
      %run_scoped3A = tpu.sem_alloc : memref<!tpu.dma_semaphore, #tpu.memory_space<semaphore_mem>>
      %dma_start3A_91 = tpu.memref_slice %arg3[%mul3A_2] : memref<38400xi32, #tpu.memory_space<hbm>> -> memref<1200xi32, #tpu.memory_space<hbm>>
      %dma_start3A_92 = tpu.memref_slice %arg3[%mul3A_2] : memref<38400xi32, #tpu.memory_space<hbm>> -> memref<1200xi32, #tpu.memory_space<hbm>>
      tpu.enqueue_dma source(%dma_start3A_92 : memref<1200xi32, #tpu.memory_space<hbm>>) target(%arg6 : memref<1200xi32, #tpu.memory_space<vmem>>) target_semaphore(%run_scoped3A : memref<!tpu.dma_semaphore, #tpu.memory_space<semaphore_mem>>)
      %dma_wait3A_93 = tpu.memref_slice %arg3[%mul3A_2] : memref<38400xi32, #tpu.memory_space<hbm>> -> memref<1200xi32, #tpu.memory_space<hbm>>
      %dma_wait3A_94 = tpu.memref_slice %arg3[%mul3A_2] : memref<38400xi32, #tpu.memory_space<hbm>> -> memref<1200xi32, #tpu.memory_space<hbm>>
      tpu.wait_dma2 semaphore(%run_scoped3A : memref<!tpu.dma_semaphore, #tpu.memory_space<semaphore_mem>>) src(%dma_wait3A_94 : memref<1200xi32, #tpu.memory_space<hbm>>) dst(%arg6 : memref<1200xi32, #tpu.memory_space<vmem>>)
      tpu.yield
    }) : () -> ()
    "tpu.region"() ({
      %run_scoped3A = tpu.sem_alloc : memref<!tpu.dma_semaphore, #tpu.memory_space<semaphore_mem>>
      %dma_start3A_91 = tpu.memref_slice %arg4[%mul3A_2] : memref<38400xi32, #tpu.memory_space<hbm>> -> memref<1200xi32, #tpu.memory_space<hbm>>
      %dma_start3A_92 = tpu.memref_slice %arg4[%mul3A_2] : memref<38400xi32, #tpu.memory_space<hbm>> -> memref<1200xi32, #tpu.memory_space<hbm>>
      tpu.enqueue_dma source(%dma_start3A_92 : memref<1200xi32, #tpu.memory_space<hbm>>) target(%arg7 : memref<1200xi32, #tpu.memory_space<vmem>>) target_semaphore(%run_scoped3A : memref<!tpu.dma_semaphore, #tpu.memory_space<semaphore_mem>>)
      %dma_wait3A_93 = tpu.memref_slice %arg4[%mul3A_2] : memref<38400xi32, #tpu.memory_space<hbm>> -> memref<1200xi32, #tpu.memory_space<hbm>>
      %dma_wait3A_94 = tpu.memref_slice %arg4[%mul3A_2] : memref<38400xi32, #tpu.memory_space<hbm>> -> memref<1200xi32, #tpu.memory_space<hbm>>
      tpu.wait_dma2 semaphore(%run_scoped3A : memref<!tpu.dma_semaphore, #tpu.memory_space<semaphore_mem>>) src(%dma_wait3A_94 : memref<1200xi32, #tpu.memory_space<hbm>>) dst(%arg7 : memref<1200xi32, #tpu.memory_space<vmem>>)
      tpu.yield
    }) : () -> ()
    %dma_start3A = arith.constant 0 : i32
    %dma_start3A_3 = tpu.memref_slice %arg6[%dma_start3A] : memref<1200xi32, #tpu.memory_space<vmem>> -> memref<400xi32, #tpu.memory_space<vmem>>
    %dma_start3A_4 = arith.constant 0 : i32
    %dma_start3A_5 = arith.constant 0 : i32
    %dma_start3A_6 = tpu.memref_slice %arg2[%dma_start3A_4, %dma_start3A_5] : memref<20000x128xf32, #tpu.memory_space<hbm>> -> memref<20000x128xf32, #tpu.memory_space<hbm>>
    tpu.enqueue_indirect_dma source(%dma_start3A_6 : memref<20000x128xf32, #tpu.memory_space<hbm>>) target(%arg8 : memref<400x128xf32, #tpu.memory_space<vmem>>) offsets(%dma_start3A_3 : memref<400xi32, #tpu.memory_space<vmem>>) semaphore(%arg10 : memref<!tpu.dma_semaphore, #tpu.memory_space<semaphore_mem>>)
    %dma_wait3A = arith.constant 0 : i32
    %dma_wait3A_7 = tpu.memref_slice %arg6[%dma_wait3A] : memref<1200xi32, #tpu.memory_space<vmem>> -> memref<400xi32, #tpu.memory_space<vmem>>
    %dma_wait3A_8 = arith.constant 0 : i32
    %dma_wait3A_9 = arith.constant 0 : i32
    %dma_wait3A_10 = tpu.memref_slice %arg2[%dma_wait3A_8, %dma_wait3A_9] : memref<20000x128xf32, #tpu.memory_space<hbm>> -> memref<20000x128xf32, #tpu.memory_space<hbm>>
    tpu.wait_indirect_dma semaphore(%arg10 : memref<!tpu.dma_semaphore, #tpu.memory_space<semaphore_mem>>) src(%dma_wait3A_10 : memref<20000x128xf32, #tpu.memory_space<hbm>>) dst(%arg8 : memref<400x128xf32, #tpu.memory_space<vmem>>)
    %dma_start3A_11 = arith.constant 400 : i32
    %dma_start3A_12 = tpu.memref_slice %arg6[%dma_start3A_11] : memref<1200xi32, #tpu.memory_space<vmem>> -> memref<400xi32, #tpu.memory_space<vmem>>
    %dma_start3A_13 = arith.constant 0 : i32
    %dma_start3A_14 = arith.constant 0 : i32
    %dma_start3A_15 = tpu.memref_slice %arg2[%dma_start3A_13, %dma_start3A_14] : memref<20000x128xf32, #tpu.memory_space<hbm>> -> memref<20000x128xf32, #tpu.memory_space<hbm>>
    tpu.enqueue_indirect_dma source(%dma_start3A_15 : memref<20000x128xf32, #tpu.memory_space<hbm>>) target(%arg9 : memref<400x128xf32, #tpu.memory_space<vmem>>) offsets(%dma_start3A_12 : memref<400xi32, #tpu.memory_space<vmem>>) semaphore(%arg10 : memref<!tpu.dma_semaphore, #tpu.memory_space<semaphore_mem>>)
    %dma_start3A_16 = arith.constant 0 : i32
    %dma_start3A_17 = tpu.memref_slice %arg7[%dma_start3A_16] : memref<1200xi32, #tpu.memory_space<vmem>> -> memref<400xi32, #tpu.memory_space<vmem>>
    %dma_start3A_18 = arith.constant 0 : i32
    %dma_start3A_19 = arith.constant 0 : i32
    %dma_start3A_20 = tpu.memref_slice %arg2[%dma_start3A_18, %dma_start3A_19] : memref<20000x128xf32, #tpu.memory_space<hbm>> -> memref<20000x128xf32, #tpu.memory_space<hbm>>
    tpu.enqueue_indirect_dma source(%dma_start3A_20 : memref<20000x128xf32, #tpu.memory_space<hbm>>) target(%arg8 : memref<400x128xf32, #tpu.memory_space<vmem>>) offsets(%dma_start3A_17 : memref<400xi32, #tpu.memory_space<vmem>>) semaphore(%arg11 : memref<!tpu.dma_semaphore, #tpu.memory_space<semaphore_mem>>) {add = true}
    %dma_wait3A_21 = arith.constant 0 : i32
    %dma_wait3A_22 = tpu.memref_slice %arg7[%dma_wait3A_21] : memref<1200xi32, #tpu.memory_space<vmem>> -> memref<400xi32, #tpu.memory_space<vmem>>
    %dma_wait3A_23 = arith.constant 0 : i32
    %dma_wait3A_24 = arith.constant 0 : i32
    %dma_wait3A_25 = tpu.memref_slice %arg2[%dma_wait3A_23, %dma_wait3A_24] : memref<20000x128xf32, #tpu.memory_space<hbm>> -> memref<20000x128xf32, #tpu.memory_space<hbm>>
    tpu.wait_indirect_dma semaphore(%arg11 : memref<!tpu.dma_semaphore, #tpu.memory_space<semaphore_mem>>) src(%dma_wait3A_25 : memref<20000x128xf32, #tpu.memory_space<hbm>>) dst(%arg8 : memref<400x128xf32, #tpu.memory_space<vmem>>)
    %add3A_26 = arith.constant 0 : i32
    %add3A_27 = arith.addi %mul3A_2, %add3A_26 : i32
    %dma_start3A_28 = arith.constant 0 : i32
    %dma_start3A_29 = tpu.memref_slice %arg5[%add3A_27, %dma_start3A_28] : memref<38400x128xf32, #tpu.memory_space<hbm>> -> memref<400x128xf32, #tpu.memory_space<hbm>>
    %dma_start3A_30 = arith.constant 0 : i32
    %dma_start3A_31 = tpu.memref_slice %arg5[%add3A_27, %dma_start3A_30] : memref<38400x128xf32, #tpu.memory_space<hbm>> -> memref<400x128xf32, #tpu.memory_space<hbm>>
    tpu.enqueue_dma source(%arg8 : memref<400x128xf32, #tpu.memory_space<vmem>>) target(%dma_start3A_31 : memref<400x128xf32, #tpu.memory_space<hbm>>) target_semaphore(%arg12 : memref<!tpu.dma_semaphore, #tpu.memory_space<semaphore_mem>>)
    %dma_wait3A_32 = arith.constant 400 : i32
    %dma_wait3A_33 = tpu.memref_slice %arg6[%dma_wait3A_32] : memref<1200xi32, #tpu.memory_space<vmem>> -> memref<400xi32, #tpu.memory_space<vmem>>
    %dma_wait3A_34 = arith.constant 0 : i32
    %dma_wait3A_35 = arith.constant 0 : i32
    %dma_wait3A_36 = tpu.memref_slice %arg2[%dma_wait3A_34, %dma_wait3A_35] : memref<20000x128xf32, #tpu.memory_space<hbm>> -> memref<20000x128xf32, #tpu.memory_space<hbm>>
    tpu.wait_indirect_dma semaphore(%arg10 : memref<!tpu.dma_semaphore, #tpu.memory_space<semaphore_mem>>) src(%dma_wait3A_36 : memref<20000x128xf32, #tpu.memory_space<hbm>>) dst(%arg9 : memref<400x128xf32, #tpu.memory_space<vmem>>)
    %dma_wait3A_37 = arith.constant 0 : i32
    %dma_wait3A_38 = tpu.memref_slice %arg5[%add3A_27, %dma_wait3A_37] : memref<38400x128xf32, #tpu.memory_space<hbm>> -> memref<400x128xf32, #tpu.memory_space<hbm>>
    %dma_wait3A_39 = arith.constant 0 : i32
    %dma_wait3A_40 = tpu.memref_slice %arg5[%add3A_27, %dma_wait3A_39] : memref<38400x128xf32, #tpu.memory_space<hbm>> -> memref<400x128xf32, #tpu.memory_space<hbm>>
    tpu.wait_dma2 semaphore(%arg12 : memref<!tpu.dma_semaphore, #tpu.memory_space<semaphore_mem>>) src(%arg8 : memref<400x128xf32, #tpu.memory_space<vmem>>) dst(%dma_wait3A_40 : memref<400x128xf32, #tpu.memory_space<hbm>>)
    %dma_start3A_41 = arith.constant 800 : i32
    %dma_start3A_42 = tpu.memref_slice %arg6[%dma_start3A_41] : memref<1200xi32, #tpu.memory_space<vmem>> -> memref<400xi32, #tpu.memory_space<vmem>>
    %dma_start3A_43 = arith.constant 0 : i32
    %dma_start3A_44 = arith.constant 0 : i32
    %dma_start3A_45 = tpu.memref_slice %arg2[%dma_start3A_43, %dma_start3A_44] : memref<20000x128xf32, #tpu.memory_space<hbm>> -> memref<20000x128xf32, #tpu.memory_space<hbm>>
    tpu.enqueue_indirect_dma source(%dma_start3A_45 : memref<20000x128xf32, #tpu.memory_space<hbm>>) target(%arg8 : memref<400x128xf32, #tpu.memory_space<vmem>>) offsets(%dma_start3A_42 : memref<400xi32, #tpu.memory_space<vmem>>) semaphore(%arg10 : memref<!tpu.dma_semaphore, #tpu.memory_space<semaphore_mem>>)
    %dma_start3A_46 = arith.constant 400 : i32
    %dma_start3A_47 = tpu.memref_slice %arg7[%dma_start3A_46] : memref<1200xi32, #tpu.memory_space<vmem>> -> memref<400xi32, #tpu.memory_space<vmem>>
    %dma_start3A_48 = arith.constant 0 : i32
    %dma_start3A_49 = arith.constant 0 : i32
    %dma_start3A_50 = tpu.memref_slice %arg2[%dma_start3A_48, %dma_start3A_49] : memref<20000x128xf32, #tpu.memory_space<hbm>> -> memref<20000x128xf32, #tpu.memory_space<hbm>>
    tpu.enqueue_indirect_dma source(%dma_start3A_50 : memref<20000x128xf32, #tpu.memory_space<hbm>>) target(%arg9 : memref<400x128xf32, #tpu.memory_space<vmem>>) offsets(%dma_start3A_47 : memref<400xi32, #tpu.memory_space<vmem>>) semaphore(%arg11 : memref<!tpu.dma_semaphore, #tpu.memory_space<semaphore_mem>>) {add = true}
    %dma_wait3A_51 = arith.constant 400 : i32
    %dma_wait3A_52 = tpu.memref_slice %arg7[%dma_wait3A_51] : memref<1200xi32, #tpu.memory_space<vmem>> -> memref<400xi32, #tpu.memory_space<vmem>>
    %dma_wait3A_53 = arith.constant 0 : i32
    %dma_wait3A_54 = arith.constant 0 : i32
    %dma_wait3A_55 = tpu.memref_slice %arg2[%dma_wait3A_53, %dma_wait3A_54] : memref<20000x128xf32, #tpu.memory_space<hbm>> -> memref<20000x128xf32, #tpu.memory_space<hbm>>
    tpu.wait_indirect_dma semaphore(%arg11 : memref<!tpu.dma_semaphore, #tpu.memory_space<semaphore_mem>>) src(%dma_wait3A_55 : memref<20000x128xf32, #tpu.memory_space<hbm>>) dst(%arg9 : memref<400x128xf32, #tpu.memory_space<vmem>>)
    %add3A_56 = arith.constant 400 : i32
    %add3A_57 = arith.addi %mul3A_2, %add3A_56 : i32
    %dma_start3A_58 = arith.constant 0 : i32
    %dma_start3A_59 = tpu.memref_slice %arg5[%add3A_57, %dma_start3A_58] : memref<38400x128xf32, #tpu.memory_space<hbm>> -> memref<400x128xf32, #tpu.memory_space<hbm>>
    %dma_start3A_60 = arith.constant 0 : i32
    %dma_start3A_61 = tpu.memref_slice %arg5[%add3A_57, %dma_start3A_60] : memref<38400x128xf32, #tpu.memory_space<hbm>> -> memref<400x128xf32, #tpu.memory_space<hbm>>
    tpu.enqueue_dma source(%arg9 : memref<400x128xf32, #tpu.memory_space<vmem>>) target(%dma_start3A_61 : memref<400x128xf32, #tpu.memory_space<hbm>>) target_semaphore(%arg12 : memref<!tpu.dma_semaphore, #tpu.memory_space<semaphore_mem>>)
    %dma_wait3A_62 = arith.constant 800 : i32
    %dma_wait3A_63 = tpu.memref_slice %arg6[%dma_wait3A_62] : memref<1200xi32, #tpu.memory_space<vmem>> -> memref<400xi32, #tpu.memory_space<vmem>>
    %dma_wait3A_64 = arith.constant 0 : i32
    %dma_wait3A_65 = arith.constant 0 : i32
    %dma_wait3A_66 = tpu.memref_slice %arg2[%dma_wait3A_64, %dma_wait3A_65] : memref<20000x128xf32, #tpu.memory_space<hbm>> -> memref<20000x128xf32, #tpu.memory_space<hbm>>
    tpu.wait_indirect_dma semaphore(%arg10 : memref<!tpu.dma_semaphore, #tpu.memory_space<semaphore_mem>>) src(%dma_wait3A_66 : memref<20000x128xf32, #tpu.memory_space<hbm>>) dst(%arg8 : memref<400x128xf32, #tpu.memory_space<vmem>>)
    %dma_start3A_67 = arith.constant 800 : i32
    %dma_start3A_68 = tpu.memref_slice %arg7[%dma_start3A_67] : memref<1200xi32, #tpu.memory_space<vmem>> -> memref<400xi32, #tpu.memory_space<vmem>>
    %dma_start3A_69 = arith.constant 0 : i32
    %dma_start3A_70 = arith.constant 0 : i32
    %dma_start3A_71 = tpu.memref_slice %arg2[%dma_start3A_69, %dma_start3A_70] : memref<20000x128xf32, #tpu.memory_space<hbm>> -> memref<20000x128xf32, #tpu.memory_space<hbm>>
    tpu.enqueue_indirect_dma source(%dma_start3A_71 : memref<20000x128xf32, #tpu.memory_space<hbm>>) target(%arg8 : memref<400x128xf32, #tpu.memory_space<vmem>>) offsets(%dma_start3A_68 : memref<400xi32, #tpu.memory_space<vmem>>) semaphore(%arg11 : memref<!tpu.dma_semaphore, #tpu.memory_space<semaphore_mem>>) {add = true}
    %dma_wait3A_72 = arith.constant 800 : i32
    %dma_wait3A_73 = tpu.memref_slice %arg7[%dma_wait3A_72] : memref<1200xi32, #tpu.memory_space<vmem>> -> memref<400xi32, #tpu.memory_space<vmem>>
    %dma_wait3A_74 = arith.constant 0 : i32
    %dma_wait3A_75 = arith.constant 0 : i32
    %dma_wait3A_76 = tpu.memref_slice %arg2[%dma_wait3A_74, %dma_wait3A_75] : memref<20000x128xf32, #tpu.memory_space<hbm>> -> memref<20000x128xf32, #tpu.memory_space<hbm>>
    tpu.wait_indirect_dma semaphore(%arg11 : memref<!tpu.dma_semaphore, #tpu.memory_space<semaphore_mem>>) src(%dma_wait3A_76 : memref<20000x128xf32, #tpu.memory_space<hbm>>) dst(%arg8 : memref<400x128xf32, #tpu.memory_space<vmem>>)
    %add3A_77 = arith.constant 800 : i32
    %add3A_78 = arith.addi %mul3A_2, %add3A_77 : i32
    %dma_start3A_79 = arith.constant 0 : i32
    %dma_start3A_80 = tpu.memref_slice %arg5[%add3A_78, %dma_start3A_79] : memref<38400x128xf32, #tpu.memory_space<hbm>> -> memref<400x128xf32, #tpu.memory_space<hbm>>
    %dma_start3A_81 = arith.constant 0 : i32
    %dma_start3A_82 = tpu.memref_slice %arg5[%add3A_78, %dma_start3A_81] : memref<38400x128xf32, #tpu.memory_space<hbm>> -> memref<400x128xf32, #tpu.memory_space<hbm>>
    tpu.enqueue_dma source(%arg8 : memref<400x128xf32, #tpu.memory_space<vmem>>) target(%dma_start3A_82 : memref<400x128xf32, #tpu.memory_space<hbm>>) target_semaphore(%arg12 : memref<!tpu.dma_semaphore, #tpu.memory_space<semaphore_mem>>)
    %dma_wait3A_83 = arith.constant 0 : i32
    %dma_wait3A_84 = tpu.memref_slice %arg5[%add3A_57, %dma_wait3A_83] : memref<38400x128xf32, #tpu.memory_space<hbm>> -> memref<400x128xf32, #tpu.memory_space<hbm>>
    %dma_wait3A_85 = arith.constant 0 : i32
    %dma_wait3A_86 = tpu.memref_slice %arg5[%add3A_57, %dma_wait3A_85] : memref<38400x128xf32, #tpu.memory_space<hbm>> -> memref<400x128xf32, #tpu.memory_space<hbm>>
    tpu.wait_dma2 semaphore(%arg12 : memref<!tpu.dma_semaphore, #tpu.memory_space<semaphore_mem>>) src(%arg9 : memref<400x128xf32, #tpu.memory_space<vmem>>) dst(%dma_wait3A_86 : memref<400x128xf32, #tpu.memory_space<hbm>>)
    %dma_wait3A_87 = arith.constant 0 : i32
    %dma_wait3A_88 = tpu.memref_slice %arg5[%add3A_78, %dma_wait3A_87] : memref<38400x128xf32, #tpu.memory_space<hbm>> -> memref<400x128xf32, #tpu.memory_space<hbm>>
    %dma_wait3A_89 = arith.constant 0 : i32
    %dma_wait3A_90 = tpu.memref_slice %arg5[%add3A_78, %dma_wait3A_89] : memref<38400x128xf32, #tpu.memory_space<hbm>> -> memref<400x128xf32, #tpu.memory_space<hbm>>
    tpu.wait_dma2 semaphore(%arg12 : memref<!tpu.dma_semaphore, #tpu.memory_space<semaphore_mem>>) src(%arg8 : memref<400x128xf32, #tpu.memory_space<vmem>>) dst(%dma_wait3A_90 : memref<400x128xf32, #tpu.memory_space<hbm>>)
    return
  }
}

#map = affine_map<(d0, d1) -> (0, 0)>
#map1 = affine_map<(d0, d1) -> (0)>
module attributes {stable_mosaic.version = 14 : i64} {
  func.func @gather_kernel(%arg0: i32, %arg1: i32, %arg2: memref<20000x128xf32, #tpu.memory_space<hbm>>, %arg3: memref<76800xi32, #tpu.memory_space<hbm>>, %arg4: memref<76800xi32, #tpu.memory_space<hbm>>, %arg5: memref<76800x128xf32, #tpu.memory_space<hbm>>, %arg6: memref<2400xi32, #tpu.memory_space<vmem>>, %arg7: memref<2400xi32, #tpu.memory_space<vmem>>, %arg8: memref<400x128xf32, #tpu.memory_space<vmem>>, %arg9: memref<400x128xf32, #tpu.memory_space<vmem>>, %arg10: memref<!tpu.dma_semaphore, #tpu.memory_space<semaphore_mem>>, %arg11: memref<!tpu.dma_semaphore, #tpu.memory_space<semaphore_mem>>, %arg12: memref<!tpu.dma_semaphore, #tpu.memory_space<semaphore_mem>>) attributes {dimension_semantics = [#tpu.dimension_semantics<core_parallel>, #tpu.dimension_semantics<subcore_parallel>], iteration_bounds = array<i64: 2, 16>, scalar_prefetch = 0 : i64, scratch_operands = 7 : i64, tpu.core_type = #tpu.core_type<sc_vector_subcore>, window_params = [{transform_indices = #map}, {transform_indices = #map1}, {transform_indices = #map1}, {transform_indices = #map}]} {
    %mul3A = arith.constant 2 : i32
    %mul3A_0 = arith.muli %arg1, %mul3A : i32
    %add3A = arith.addi %mul3A_0, %arg0 : i32
    %mul3A_1 = arith.constant 2400 : i32
    %mul3A_2 = arith.muli %add3A, %mul3A_1 : i32
    "tpu.region"() ({
      %run_scoped3A = tpu.sem_alloc : memref<!tpu.dma_semaphore, #tpu.memory_space<semaphore_mem>>
      %dma_start3A_181 = tpu.memref_slice %arg3[%mul3A_2] : memref<76800xi32, #tpu.memory_space<hbm>> -> memref<2400xi32, #tpu.memory_space<hbm>>
      %dma_start3A_182 = tpu.memref_slice %arg3[%mul3A_2] : memref<76800xi32, #tpu.memory_space<hbm>> -> memref<2400xi32, #tpu.memory_space<hbm>>
      tpu.enqueue_dma source(%dma_start3A_182 : memref<2400xi32, #tpu.memory_space<hbm>>) target(%arg6 : memref<2400xi32, #tpu.memory_space<vmem>>) target_semaphore(%run_scoped3A : memref<!tpu.dma_semaphore, #tpu.memory_space<semaphore_mem>>)
      %dma_wait3A_183 = tpu.memref_slice %arg3[%mul3A_2] : memref<76800xi32, #tpu.memory_space<hbm>> -> memref<2400xi32, #tpu.memory_space<hbm>>
      %dma_wait3A_184 = tpu.memref_slice %arg3[%mul3A_2] : memref<76800xi32, #tpu.memory_space<hbm>> -> memref<2400xi32, #tpu.memory_space<hbm>>
      tpu.wait_dma2 semaphore(%run_scoped3A : memref<!tpu.dma_semaphore, #tpu.memory_space<semaphore_mem>>) src(%dma_wait3A_184 : memref<2400xi32, #tpu.memory_space<hbm>>) dst(%arg6 : memref<2400xi32, #tpu.memory_space<vmem>>)
      tpu.yield
    }) : () -> ()
    "tpu.region"() ({
      %run_scoped3A = tpu.sem_alloc : memref<!tpu.dma_semaphore, #tpu.memory_space<semaphore_mem>>
      %dma_start3A_181 = tpu.memref_slice %arg4[%mul3A_2] : memref<76800xi32, #tpu.memory_space<hbm>> -> memref<2400xi32, #tpu.memory_space<hbm>>
      %dma_start3A_182 = tpu.memref_slice %arg4[%mul3A_2] : memref<76800xi32, #tpu.memory_space<hbm>> -> memref<2400xi32, #tpu.memory_space<hbm>>
      tpu.enqueue_dma source(%dma_start3A_182 : memref<2400xi32, #tpu.memory_space<hbm>>) target(%arg7 : memref<2400xi32, #tpu.memory_space<vmem>>) target_semaphore(%run_scoped3A : memref<!tpu.dma_semaphore, #tpu.memory_space<semaphore_mem>>)
      %dma_wait3A_183 = tpu.memref_slice %arg4[%mul3A_2] : memref<76800xi32, #tpu.memory_space<hbm>> -> memref<2400xi32, #tpu.memory_space<hbm>>
      %dma_wait3A_184 = tpu.memref_slice %arg4[%mul3A_2] : memref<76800xi32, #tpu.memory_space<hbm>> -> memref<2400xi32, #tpu.memory_space<hbm>>
      tpu.wait_dma2 semaphore(%run_scoped3A : memref<!tpu.dma_semaphore, #tpu.memory_space<semaphore_mem>>) src(%dma_wait3A_184 : memref<2400xi32, #tpu.memory_space<hbm>>) dst(%arg7 : memref<2400xi32, #tpu.memory_space<vmem>>)
      tpu.yield
    }) : () -> ()
    %dma_start3A = arith.constant 0 : i32
    %dma_start3A_3 = tpu.memref_slice %arg6[%dma_start3A] : memref<2400xi32, #tpu.memory_space<vmem>> -> memref<400xi32, #tpu.memory_space<vmem>>
    %dma_start3A_4 = arith.constant 0 : i32
    %dma_start3A_5 = arith.constant 0 : i32
    %dma_start3A_6 = tpu.memref_slice %arg2[%dma_start3A_4, %dma_start3A_5] : memref<20000x128xf32, #tpu.memory_space<hbm>> -> memref<20000x128xf32, #tpu.memory_space<hbm>>
    tpu.enqueue_indirect_dma source(%dma_start3A_6 : memref<20000x128xf32, #tpu.memory_space<hbm>>) target(%arg8 : memref<400x128xf32, #tpu.memory_space<vmem>>) offsets(%dma_start3A_3 : memref<400xi32, #tpu.memory_space<vmem>>) semaphore(%arg10 : memref<!tpu.dma_semaphore, #tpu.memory_space<semaphore_mem>>)
    %dma_wait3A = arith.constant 0 : i32
    %dma_wait3A_7 = tpu.memref_slice %arg6[%dma_wait3A] : memref<2400xi32, #tpu.memory_space<vmem>> -> memref<400xi32, #tpu.memory_space<vmem>>
    %dma_wait3A_8 = arith.constant 0 : i32
    %dma_wait3A_9 = arith.constant 0 : i32
    %dma_wait3A_10 = tpu.memref_slice %arg2[%dma_wait3A_8, %dma_wait3A_9] : memref<20000x128xf32, #tpu.memory_space<hbm>> -> memref<20000x128xf32, #tpu.memory_space<hbm>>
    tpu.wait_indirect_dma semaphore(%arg10 : memref<!tpu.dma_semaphore, #tpu.memory_space<semaphore_mem>>) src(%dma_wait3A_10 : memref<20000x128xf32, #tpu.memory_space<hbm>>) dst(%arg8 : memref<400x128xf32, #tpu.memory_space<vmem>>)
    %dma_start3A_11 = arith.constant 400 : i32
    %dma_start3A_12 = tpu.memref_slice %arg6[%dma_start3A_11] : memref<2400xi32, #tpu.memory_space<vmem>> -> memref<400xi32, #tpu.memory_space<vmem>>
    %dma_start3A_13 = arith.constant 0 : i32
    %dma_start3A_14 = arith.constant 0 : i32
    %dma_start3A_15 = tpu.memref_slice %arg2[%dma_start3A_13, %dma_start3A_14] : memref<20000x128xf32, #tpu.memory_space<hbm>> -> memref<20000x128xf32, #tpu.memory_space<hbm>>
    tpu.enqueue_indirect_dma source(%dma_start3A_15 : memref<20000x128xf32, #tpu.memory_space<hbm>>) target(%arg9 : memref<400x128xf32, #tpu.memory_space<vmem>>) offsets(%dma_start3A_12 : memref<400xi32, #tpu.memory_space<vmem>>) semaphore(%arg10 : memref<!tpu.dma_semaphore, #tpu.memory_space<semaphore_mem>>)
    %dma_start3A_16 = arith.constant 0 : i32
    %dma_start3A_17 = tpu.memref_slice %arg7[%dma_start3A_16] : memref<2400xi32, #tpu.memory_space<vmem>> -> memref<400xi32, #tpu.memory_space<vmem>>
    %dma_start3A_18 = arith.constant 0 : i32
    %dma_start3A_19 = arith.constant 0 : i32
    %dma_start3A_20 = tpu.memref_slice %arg2[%dma_start3A_18, %dma_start3A_19] : memref<20000x128xf32, #tpu.memory_space<hbm>> -> memref<20000x128xf32, #tpu.memory_space<hbm>>
    tpu.enqueue_indirect_dma source(%dma_start3A_20 : memref<20000x128xf32, #tpu.memory_space<hbm>>) target(%arg8 : memref<400x128xf32, #tpu.memory_space<vmem>>) offsets(%dma_start3A_17 : memref<400xi32, #tpu.memory_space<vmem>>) semaphore(%arg11 : memref<!tpu.dma_semaphore, #tpu.memory_space<semaphore_mem>>) {add = true}
    %dma_wait3A_21 = arith.constant 0 : i32
    %dma_wait3A_22 = tpu.memref_slice %arg7[%dma_wait3A_21] : memref<2400xi32, #tpu.memory_space<vmem>> -> memref<400xi32, #tpu.memory_space<vmem>>
    %dma_wait3A_23 = arith.constant 0 : i32
    %dma_wait3A_24 = arith.constant 0 : i32
    %dma_wait3A_25 = tpu.memref_slice %arg2[%dma_wait3A_23, %dma_wait3A_24] : memref<20000x128xf32, #tpu.memory_space<hbm>> -> memref<20000x128xf32, #tpu.memory_space<hbm>>
    tpu.wait_indirect_dma semaphore(%arg11 : memref<!tpu.dma_semaphore, #tpu.memory_space<semaphore_mem>>) src(%dma_wait3A_25 : memref<20000x128xf32, #tpu.memory_space<hbm>>) dst(%arg8 : memref<400x128xf32, #tpu.memory_space<vmem>>)
    %add3A_26 = arith.constant 0 : i32
    %add3A_27 = arith.addi %mul3A_2, %add3A_26 : i32
    %dma_start3A_28 = arith.constant 0 : i32
    %dma_start3A_29 = tpu.memref_slice %arg5[%add3A_27, %dma_start3A_28] : memref<76800x128xf32, #tpu.memory_space<hbm>> -> memref<400x128xf32, #tpu.memory_space<hbm>>
    %dma_start3A_30 = arith.constant 0 : i32
    %dma_start3A_31 = tpu.memref_slice %arg5[%add3A_27, %dma_start3A_30] : memref<76800x128xf32, #tpu.memory_space<hbm>> -> memref<400x128xf32, #tpu.memory_space<hbm>>
    tpu.enqueue_dma source(%arg8 : memref<400x128xf32, #tpu.memory_space<vmem>>) target(%dma_start3A_31 : memref<400x128xf32, #tpu.memory_space<hbm>>) target_semaphore(%arg12 : memref<!tpu.dma_semaphore, #tpu.memory_space<semaphore_mem>>)
    %dma_wait3A_32 = arith.constant 400 : i32
    %dma_wait3A_33 = tpu.memref_slice %arg6[%dma_wait3A_32] : memref<2400xi32, #tpu.memory_space<vmem>> -> memref<400xi32, #tpu.memory_space<vmem>>
    %dma_wait3A_34 = arith.constant 0 : i32
    %dma_wait3A_35 = arith.constant 0 : i32
    %dma_wait3A_36 = tpu.memref_slice %arg2[%dma_wait3A_34, %dma_wait3A_35] : memref<20000x128xf32, #tpu.memory_space<hbm>> -> memref<20000x128xf32, #tpu.memory_space<hbm>>
    tpu.wait_indirect_dma semaphore(%arg10 : memref<!tpu.dma_semaphore, #tpu.memory_space<semaphore_mem>>) src(%dma_wait3A_36 : memref<20000x128xf32, #tpu.memory_space<hbm>>) dst(%arg9 : memref<400x128xf32, #tpu.memory_space<vmem>>)
    %dma_wait3A_37 = arith.constant 0 : i32
    %dma_wait3A_38 = tpu.memref_slice %arg5[%add3A_27, %dma_wait3A_37] : memref<76800x128xf32, #tpu.memory_space<hbm>> -> memref<400x128xf32, #tpu.memory_space<hbm>>
    %dma_wait3A_39 = arith.constant 0 : i32
    %dma_wait3A_40 = tpu.memref_slice %arg5[%add3A_27, %dma_wait3A_39] : memref<76800x128xf32, #tpu.memory_space<hbm>> -> memref<400x128xf32, #tpu.memory_space<hbm>>
    tpu.wait_dma2 semaphore(%arg12 : memref<!tpu.dma_semaphore, #tpu.memory_space<semaphore_mem>>) src(%arg8 : memref<400x128xf32, #tpu.memory_space<vmem>>) dst(%dma_wait3A_40 : memref<400x128xf32, #tpu.memory_space<hbm>>)
    %dma_start3A_41 = arith.constant 800 : i32
    %dma_start3A_42 = tpu.memref_slice %arg6[%dma_start3A_41] : memref<2400xi32, #tpu.memory_space<vmem>> -> memref<400xi32, #tpu.memory_space<vmem>>
    %dma_start3A_43 = arith.constant 0 : i32
    %dma_start3A_44 = arith.constant 0 : i32
    %dma_start3A_45 = tpu.memref_slice %arg2[%dma_start3A_43, %dma_start3A_44] : memref<20000x128xf32, #tpu.memory_space<hbm>> -> memref<20000x128xf32, #tpu.memory_space<hbm>>
    tpu.enqueue_indirect_dma source(%dma_start3A_45 : memref<20000x128xf32, #tpu.memory_space<hbm>>) target(%arg8 : memref<400x128xf32, #tpu.memory_space<vmem>>) offsets(%dma_start3A_42 : memref<400xi32, #tpu.memory_space<vmem>>) semaphore(%arg10 : memref<!tpu.dma_semaphore, #tpu.memory_space<semaphore_mem>>)
    %dma_start3A_46 = arith.constant 400 : i32
    %dma_start3A_47 = tpu.memref_slice %arg7[%dma_start3A_46] : memref<2400xi32, #tpu.memory_space<vmem>> -> memref<400xi32, #tpu.memory_space<vmem>>
    %dma_start3A_48 = arith.constant 0 : i32
    %dma_start3A_49 = arith.constant 0 : i32
    %dma_start3A_50 = tpu.memref_slice %arg2[%dma_start3A_48, %dma_start3A_49] : memref<20000x128xf32, #tpu.memory_space<hbm>> -> memref<20000x128xf32, #tpu.memory_space<hbm>>
    tpu.enqueue_indirect_dma source(%dma_start3A_50 : memref<20000x128xf32, #tpu.memory_space<hbm>>) target(%arg9 : memref<400x128xf32, #tpu.memory_space<vmem>>) offsets(%dma_start3A_47 : memref<400xi32, #tpu.memory_space<vmem>>) semaphore(%arg11 : memref<!tpu.dma_semaphore, #tpu.memory_space<semaphore_mem>>) {add = true}
    %dma_wait3A_51 = arith.constant 400 : i32
    %dma_wait3A_52 = tpu.memref_slice %arg7[%dma_wait3A_51] : memref<2400xi32, #tpu.memory_space<vmem>> -> memref<400xi32, #tpu.memory_space<vmem>>
    %dma_wait3A_53 = arith.constant 0 : i32
    %dma_wait3A_54 = arith.constant 0 : i32
    %dma_wait3A_55 = tpu.memref_slice %arg2[%dma_wait3A_53, %dma_wait3A_54] : memref<20000x128xf32, #tpu.memory_space<hbm>> -> memref<20000x128xf32, #tpu.memory_space<hbm>>
    tpu.wait_indirect_dma semaphore(%arg11 : memref<!tpu.dma_semaphore, #tpu.memory_space<semaphore_mem>>) src(%dma_wait3A_55 : memref<20000x128xf32, #tpu.memory_space<hbm>>) dst(%arg9 : memref<400x128xf32, #tpu.memory_space<vmem>>)
    %add3A_56 = arith.constant 400 : i32
    %add3A_57 = arith.addi %mul3A_2, %add3A_56 : i32
    %dma_start3A_58 = arith.constant 0 : i32
    %dma_start3A_59 = tpu.memref_slice %arg5[%add3A_57, %dma_start3A_58] : memref<76800x128xf32, #tpu.memory_space<hbm>> -> memref<400x128xf32, #tpu.memory_space<hbm>>
    %dma_start3A_60 = arith.constant 0 : i32
    %dma_start3A_61 = tpu.memref_slice %arg5[%add3A_57, %dma_start3A_60] : memref<76800x128xf32, #tpu.memory_space<hbm>> -> memref<400x128xf32, #tpu.memory_space<hbm>>
    tpu.enqueue_dma source(%arg9 : memref<400x128xf32, #tpu.memory_space<vmem>>) target(%dma_start3A_61 : memref<400x128xf32, #tpu.memory_space<hbm>>) target_semaphore(%arg12 : memref<!tpu.dma_semaphore, #tpu.memory_space<semaphore_mem>>)
    %dma_wait3A_62 = arith.constant 800 : i32
    %dma_wait3A_63 = tpu.memref_slice %arg6[%dma_wait3A_62] : memref<2400xi32, #tpu.memory_space<vmem>> -> memref<400xi32, #tpu.memory_space<vmem>>
    %dma_wait3A_64 = arith.constant 0 : i32
    %dma_wait3A_65 = arith.constant 0 : i32
    %dma_wait3A_66 = tpu.memref_slice %arg2[%dma_wait3A_64, %dma_wait3A_65] : memref<20000x128xf32, #tpu.memory_space<hbm>> -> memref<20000x128xf32, #tpu.memory_space<hbm>>
    tpu.wait_indirect_dma semaphore(%arg10 : memref<!tpu.dma_semaphore, #tpu.memory_space<semaphore_mem>>) src(%dma_wait3A_66 : memref<20000x128xf32, #tpu.memory_space<hbm>>) dst(%arg8 : memref<400x128xf32, #tpu.memory_space<vmem>>)
    %dma_wait3A_67 = arith.constant 0 : i32
    %dma_wait3A_68 = tpu.memref_slice %arg5[%add3A_57, %dma_wait3A_67] : memref<76800x128xf32, #tpu.memory_space<hbm>> -> memref<400x128xf32, #tpu.memory_space<hbm>>
    %dma_wait3A_69 = arith.constant 0 : i32
    %dma_wait3A_70 = tpu.memref_slice %arg5[%add3A_57, %dma_wait3A_69] : memref<76800x128xf32, #tpu.memory_space<hbm>> -> memref<400x128xf32, #tpu.memory_space<hbm>>
    tpu.wait_dma2 semaphore(%arg12 : memref<!tpu.dma_semaphore, #tpu.memory_space<semaphore_mem>>) src(%arg9 : memref<400x128xf32, #tpu.memory_space<vmem>>) dst(%dma_wait3A_70 : memref<400x128xf32, #tpu.memory_space<hbm>>)
    %dma_start3A_71 = arith.constant 1200 : i32
    %dma_start3A_72 = tpu.memref_slice %arg6[%dma_start3A_71] : memref<2400xi32, #tpu.memory_space<vmem>> -> memref<400xi32, #tpu.memory_space<vmem>>
    %dma_start3A_73 = arith.constant 0 : i32
    %dma_start3A_74 = arith.constant 0 : i32
    %dma_start3A_75 = tpu.memref_slice %arg2[%dma_start3A_73, %dma_start3A_74] : memref<20000x128xf32, #tpu.memory_space<hbm>> -> memref<20000x128xf32, #tpu.memory_space<hbm>>
    tpu.enqueue_indirect_dma source(%dma_start3A_75 : memref<20000x128xf32, #tpu.memory_space<hbm>>) target(%arg9 : memref<400x128xf32, #tpu.memory_space<vmem>>) offsets(%dma_start3A_72 : memref<400xi32, #tpu.memory_space<vmem>>) semaphore(%arg10 : memref<!tpu.dma_semaphore, #tpu.memory_space<semaphore_mem>>)
    %dma_start3A_76 = arith.constant 800 : i32
    %dma_start3A_77 = tpu.memref_slice %arg7[%dma_start3A_76] : memref<2400xi32, #tpu.memory_space<vmem>> -> memref<400xi32, #tpu.memory_space<vmem>>
    %dma_start3A_78 = arith.constant 0 : i32
    %dma_start3A_79 = arith.constant 0 : i32
    %dma_start3A_80 = tpu.memref_slice %arg2[%dma_start3A_78, %dma_start3A_79] : memref<20000x128xf32, #tpu.memory_space<hbm>> -> memref<20000x128xf32, #tpu.memory_space<hbm>>
    tpu.enqueue_indirect_dma source(%dma_start3A_80 : memref<20000x128xf32, #tpu.memory_space<hbm>>) target(%arg8 : memref<400x128xf32, #tpu.memory_space<vmem>>) offsets(%dma_start3A_77 : memref<400xi32, #tpu.memory_space<vmem>>) semaphore(%arg11 : memref<!tpu.dma_semaphore, #tpu.memory_space<semaphore_mem>>) {add = true}
    %dma_wait3A_81 = arith.constant 800 : i32
    %dma_wait3A_82 = tpu.memref_slice %arg7[%dma_wait3A_81] : memref<2400xi32, #tpu.memory_space<vmem>> -> memref<400xi32, #tpu.memory_space<vmem>>
    %dma_wait3A_83 = arith.constant 0 : i32
    %dma_wait3A_84 = arith.constant 0 : i32
    %dma_wait3A_85 = tpu.memref_slice %arg2[%dma_wait3A_83, %dma_wait3A_84] : memref<20000x128xf32, #tpu.memory_space<hbm>> -> memref<20000x128xf32, #tpu.memory_space<hbm>>
    tpu.wait_indirect_dma semaphore(%arg11 : memref<!tpu.dma_semaphore, #tpu.memory_space<semaphore_mem>>) src(%dma_wait3A_85 : memref<20000x128xf32, #tpu.memory_space<hbm>>) dst(%arg8 : memref<400x128xf32, #tpu.memory_space<vmem>>)
    %add3A_86 = arith.constant 800 : i32
    %add3A_87 = arith.addi %mul3A_2, %add3A_86 : i32
    %dma_start3A_88 = arith.constant 0 : i32
    %dma_start3A_89 = tpu.memref_slice %arg5[%add3A_87, %dma_start3A_88] : memref<76800x128xf32, #tpu.memory_space<hbm>> -> memref<400x128xf32, #tpu.memory_space<hbm>>
    %dma_start3A_90 = arith.constant 0 : i32
    %dma_start3A_91 = tpu.memref_slice %arg5[%add3A_87, %dma_start3A_90] : memref<76800x128xf32, #tpu.memory_space<hbm>> -> memref<400x128xf32, #tpu.memory_space<hbm>>
    tpu.enqueue_dma source(%arg8 : memref<400x128xf32, #tpu.memory_space<vmem>>) target(%dma_start3A_91 : memref<400x128xf32, #tpu.memory_space<hbm>>) target_semaphore(%arg12 : memref<!tpu.dma_semaphore, #tpu.memory_space<semaphore_mem>>)
    %dma_wait3A_92 = arith.constant 1200 : i32
    %dma_wait3A_93 = tpu.memref_slice %arg6[%dma_wait3A_92] : memref<2400xi32, #tpu.memory_space<vmem>> -> memref<400xi32, #tpu.memory_space<vmem>>
    %dma_wait3A_94 = arith.constant 0 : i32
    %dma_wait3A_95 = arith.constant 0 : i32
    %dma_wait3A_96 = tpu.memref_slice %arg2[%dma_wait3A_94, %dma_wait3A_95] : memref<20000x128xf32, #tpu.memory_space<hbm>> -> memref<20000x128xf32, #tpu.memory_space<hbm>>
    tpu.wait_indirect_dma semaphore(%arg10 : memref<!tpu.dma_semaphore, #tpu.memory_space<semaphore_mem>>) src(%dma_wait3A_96 : memref<20000x128xf32, #tpu.memory_space<hbm>>) dst(%arg9 : memref<400x128xf32, #tpu.memory_space<vmem>>)
    %dma_wait3A_97 = arith.constant 0 : i32
    %dma_wait3A_98 = tpu.memref_slice %arg5[%add3A_87, %dma_wait3A_97] : memref<76800x128xf32, #tpu.memory_space<hbm>> -> memref<400x128xf32, #tpu.memory_space<hbm>>
    %dma_wait3A_99 = arith.constant 0 : i32
    %dma_wait3A_100 = tpu.memref_slice %arg5[%add3A_87, %dma_wait3A_99] : memref<76800x128xf32, #tpu.memory_space<hbm>> -> memref<400x128xf32, #tpu.memory_space<hbm>>
    tpu.wait_dma2 semaphore(%arg12 : memref<!tpu.dma_semaphore, #tpu.memory_space<semaphore_mem>>) src(%arg8 : memref<400x128xf32, #tpu.memory_space<vmem>>) dst(%dma_wait3A_100 : memref<400x128xf32, #tpu.memory_space<hbm>>)
    %dma_start3A_101 = arith.constant 1600 : i32
    %dma_start3A_102 = tpu.memref_slice %arg6[%dma_start3A_101] : memref<2400xi32, #tpu.memory_space<vmem>> -> memref<400xi32, #tpu.memory_space<vmem>>
    %dma_start3A_103 = arith.constant 0 : i32
    %dma_start3A_104 = arith.constant 0 : i32
    %dma_start3A_105 = tpu.memref_slice %arg2[%dma_start3A_103, %dma_start3A_104] : memref<20000x128xf32, #tpu.memory_space<hbm>> -> memref<20000x128xf32, #tpu.memory_space<hbm>>
    tpu.enqueue_indirect_dma source(%dma_start3A_105 : memref<20000x128xf32, #tpu.memory_space<hbm>>) target(%arg8 : memref<400x128xf32, #tpu.memory_space<vmem>>) offsets(%dma_start3A_102 : memref<400xi32, #tpu.memory_space<vmem>>) semaphore(%arg10 : memref<!tpu.dma_semaphore, #tpu.memory_space<semaphore_mem>>)
    %dma_start3A_106 = arith.constant 1200 : i32
    %dma_start3A_107 = tpu.memref_slice %arg7[%dma_start3A_106] : memref<2400xi32, #tpu.memory_space<vmem>> -> memref<400xi32, #tpu.memory_space<vmem>>
    %dma_start3A_108 = arith.constant 0 : i32
    %dma_start3A_109 = arith.constant 0 : i32
    %dma_start3A_110 = tpu.memref_slice %arg2[%dma_start3A_108, %dma_start3A_109] : memref<20000x128xf32, #tpu.memory_space<hbm>> -> memref<20000x128xf32, #tpu.memory_space<hbm>>
    tpu.enqueue_indirect_dma source(%dma_start3A_110 : memref<20000x128xf32, #tpu.memory_space<hbm>>) target(%arg9 : memref<400x128xf32, #tpu.memory_space<vmem>>) offsets(%dma_start3A_107 : memref<400xi32, #tpu.memory_space<vmem>>) semaphore(%arg11 : memref<!tpu.dma_semaphore, #tpu.memory_space<semaphore_mem>>) {add = true}
    %dma_wait3A_111 = arith.constant 1200 : i32
    %dma_wait3A_112 = tpu.memref_slice %arg7[%dma_wait3A_111] : memref<2400xi32, #tpu.memory_space<vmem>> -> memref<400xi32, #tpu.memory_space<vmem>>
    %dma_wait3A_113 = arith.constant 0 : i32
    %dma_wait3A_114 = arith.constant 0 : i32
    %dma_wait3A_115 = tpu.memref_slice %arg2[%dma_wait3A_113, %dma_wait3A_114] : memref<20000x128xf32, #tpu.memory_space<hbm>> -> memref<20000x128xf32, #tpu.memory_space<hbm>>
    tpu.wait_indirect_dma semaphore(%arg11 : memref<!tpu.dma_semaphore, #tpu.memory_space<semaphore_mem>>) src(%dma_wait3A_115 : memref<20000x128xf32, #tpu.memory_space<hbm>>) dst(%arg9 : memref<400x128xf32, #tpu.memory_space<vmem>>)
    %add3A_116 = arith.constant 1200 : i32
    %add3A_117 = arith.addi %mul3A_2, %add3A_116 : i32
    %dma_start3A_118 = arith.constant 0 : i32
    %dma_start3A_119 = tpu.memref_slice %arg5[%add3A_117, %dma_start3A_118] : memref<76800x128xf32, #tpu.memory_space<hbm>> -> memref<400x128xf32, #tpu.memory_space<hbm>>
    %dma_start3A_120 = arith.constant 0 : i32
    %dma_start3A_121 = tpu.memref_slice %arg5[%add3A_117, %dma_start3A_120] : memref<76800x128xf32, #tpu.memory_space<hbm>> -> memref<400x128xf32, #tpu.memory_space<hbm>>
    tpu.enqueue_dma source(%arg9 : memref<400x128xf32, #tpu.memory_space<vmem>>) target(%dma_start3A_121 : memref<400x128xf32, #tpu.memory_space<hbm>>) target_semaphore(%arg12 : memref<!tpu.dma_semaphore, #tpu.memory_space<semaphore_mem>>)
    %dma_wait3A_122 = arith.constant 1600 : i32
    %dma_wait3A_123 = tpu.memref_slice %arg6[%dma_wait3A_122] : memref<2400xi32, #tpu.memory_space<vmem>> -> memref<400xi32, #tpu.memory_space<vmem>>
    %dma_wait3A_124 = arith.constant 0 : i32
    %dma_wait3A_125 = arith.constant 0 : i32
    %dma_wait3A_126 = tpu.memref_slice %arg2[%dma_wait3A_124, %dma_wait3A_125] : memref<20000x128xf32, #tpu.memory_space<hbm>> -> memref<20000x128xf32, #tpu.memory_space<hbm>>
    tpu.wait_indirect_dma semaphore(%arg10 : memref<!tpu.dma_semaphore, #tpu.memory_space<semaphore_mem>>) src(%dma_wait3A_126 : memref<20000x128xf32, #tpu.memory_space<hbm>>) dst(%arg8 : memref<400x128xf32, #tpu.memory_space<vmem>>)
    %dma_wait3A_127 = arith.constant 0 : i32
    %dma_wait3A_128 = tpu.memref_slice %arg5[%add3A_117, %dma_wait3A_127] : memref<76800x128xf32, #tpu.memory_space<hbm>> -> memref<400x128xf32, #tpu.memory_space<hbm>>
    %dma_wait3A_129 = arith.constant 0 : i32
    %dma_wait3A_130 = tpu.memref_slice %arg5[%add3A_117, %dma_wait3A_129] : memref<76800x128xf32, #tpu.memory_space<hbm>> -> memref<400x128xf32, #tpu.memory_space<hbm>>
    tpu.wait_dma2 semaphore(%arg12 : memref<!tpu.dma_semaphore, #tpu.memory_space<semaphore_mem>>) src(%arg9 : memref<400x128xf32, #tpu.memory_space<vmem>>) dst(%dma_wait3A_130 : memref<400x128xf32, #tpu.memory_space<hbm>>)
    %dma_start3A_131 = arith.constant 2000 : i32
    %dma_start3A_132 = tpu.memref_slice %arg6[%dma_start3A_131] : memref<2400xi32, #tpu.memory_space<vmem>> -> memref<400xi32, #tpu.memory_space<vmem>>
    %dma_start3A_133 = arith.constant 0 : i32
    %dma_start3A_134 = arith.constant 0 : i32
    %dma_start3A_135 = tpu.memref_slice %arg2[%dma_start3A_133, %dma_start3A_134] : memref<20000x128xf32, #tpu.memory_space<hbm>> -> memref<20000x128xf32, #tpu.memory_space<hbm>>
    tpu.enqueue_indirect_dma source(%dma_start3A_135 : memref<20000x128xf32, #tpu.memory_space<hbm>>) target(%arg9 : memref<400x128xf32, #tpu.memory_space<vmem>>) offsets(%dma_start3A_132 : memref<400xi32, #tpu.memory_space<vmem>>) semaphore(%arg10 : memref<!tpu.dma_semaphore, #tpu.memory_space<semaphore_mem>>)
    %dma_start3A_136 = arith.constant 1600 : i32
    %dma_start3A_137 = tpu.memref_slice %arg7[%dma_start3A_136] : memref<2400xi32, #tpu.memory_space<vmem>> -> memref<400xi32, #tpu.memory_space<vmem>>
    %dma_start3A_138 = arith.constant 0 : i32
    %dma_start3A_139 = arith.constant 0 : i32
    %dma_start3A_140 = tpu.memref_slice %arg2[%dma_start3A_138, %dma_start3A_139] : memref<20000x128xf32, #tpu.memory_space<hbm>> -> memref<20000x128xf32, #tpu.memory_space<hbm>>
    tpu.enqueue_indirect_dma source(%dma_start3A_140 : memref<20000x128xf32, #tpu.memory_space<hbm>>) target(%arg8 : memref<400x128xf32, #tpu.memory_space<vmem>>) offsets(%dma_start3A_137 : memref<400xi32, #tpu.memory_space<vmem>>) semaphore(%arg11 : memref<!tpu.dma_semaphore, #tpu.memory_space<semaphore_mem>>) {add = true}
    %dma_wait3A_141 = arith.constant 1600 : i32
    %dma_wait3A_142 = tpu.memref_slice %arg7[%dma_wait3A_141] : memref<2400xi32, #tpu.memory_space<vmem>> -> memref<400xi32, #tpu.memory_space<vmem>>
    %dma_wait3A_143 = arith.constant 0 : i32
    %dma_wait3A_144 = arith.constant 0 : i32
    %dma_wait3A_145 = tpu.memref_slice %arg2[%dma_wait3A_143, %dma_wait3A_144] : memref<20000x128xf32, #tpu.memory_space<hbm>> -> memref<20000x128xf32, #tpu.memory_space<hbm>>
    tpu.wait_indirect_dma semaphore(%arg11 : memref<!tpu.dma_semaphore, #tpu.memory_space<semaphore_mem>>) src(%dma_wait3A_145 : memref<20000x128xf32, #tpu.memory_space<hbm>>) dst(%arg8 : memref<400x128xf32, #tpu.memory_space<vmem>>)
    %add3A_146 = arith.constant 1600 : i32
    %add3A_147 = arith.addi %mul3A_2, %add3A_146 : i32
    %dma_start3A_148 = arith.constant 0 : i32
    %dma_start3A_149 = tpu.memref_slice %arg5[%add3A_147, %dma_start3A_148] : memref<76800x128xf32, #tpu.memory_space<hbm>> -> memref<400x128xf32, #tpu.memory_space<hbm>>
    %dma_start3A_150 = arith.constant 0 : i32
    %dma_start3A_151 = tpu.memref_slice %arg5[%add3A_147, %dma_start3A_150] : memref<76800x128xf32, #tpu.memory_space<hbm>> -> memref<400x128xf32, #tpu.memory_space<hbm>>
    tpu.enqueue_dma source(%arg8 : memref<400x128xf32, #tpu.memory_space<vmem>>) target(%dma_start3A_151 : memref<400x128xf32, #tpu.memory_space<hbm>>) target_semaphore(%arg12 : memref<!tpu.dma_semaphore, #tpu.memory_space<semaphore_mem>>)
    %dma_wait3A_152 = arith.constant 2000 : i32
    %dma_wait3A_153 = tpu.memref_slice %arg6[%dma_wait3A_152] : memref<2400xi32, #tpu.memory_space<vmem>> -> memref<400xi32, #tpu.memory_space<vmem>>
    %dma_wait3A_154 = arith.constant 0 : i32
    %dma_wait3A_155 = arith.constant 0 : i32
    %dma_wait3A_156 = tpu.memref_slice %arg2[%dma_wait3A_154, %dma_wait3A_155] : memref<20000x128xf32, #tpu.memory_space<hbm>> -> memref<20000x128xf32, #tpu.memory_space<hbm>>
    tpu.wait_indirect_dma semaphore(%arg10 : memref<!tpu.dma_semaphore, #tpu.memory_space<semaphore_mem>>) src(%dma_wait3A_156 : memref<20000x128xf32, #tpu.memory_space<hbm>>) dst(%arg9 : memref<400x128xf32, #tpu.memory_space<vmem>>)
    %dma_start3A_157 = arith.constant 2000 : i32
    %dma_start3A_158 = tpu.memref_slice %arg7[%dma_start3A_157] : memref<2400xi32, #tpu.memory_space<vmem>> -> memref<400xi32, #tpu.memory_space<vmem>>
    %dma_start3A_159 = arith.constant 0 : i32
    %dma_start3A_160 = arith.constant 0 : i32
    %dma_start3A_161 = tpu.memref_slice %arg2[%dma_start3A_159, %dma_start3A_160] : memref<20000x128xf32, #tpu.memory_space<hbm>> -> memref<20000x128xf32, #tpu.memory_space<hbm>>
    tpu.enqueue_indirect_dma source(%dma_start3A_161 : memref<20000x128xf32, #tpu.memory_space<hbm>>) target(%arg9 : memref<400x128xf32, #tpu.memory_space<vmem>>) offsets(%dma_start3A_158 : memref<400xi32, #tpu.memory_space<vmem>>) semaphore(%arg11 : memref<!tpu.dma_semaphore, #tpu.memory_space<semaphore_mem>>) {add = true}
    %dma_wait3A_162 = arith.constant 2000 : i32
    %dma_wait3A_163 = tpu.memref_slice %arg7[%dma_wait3A_162] : memref<2400xi32, #tpu.memory_space<vmem>> -> memref<400xi32, #tpu.memory_space<vmem>>
    %dma_wait3A_164 = arith.constant 0 : i32
    %dma_wait3A_165 = arith.constant 0 : i32
    %dma_wait3A_166 = tpu.memref_slice %arg2[%dma_wait3A_164, %dma_wait3A_165] : memref<20000x128xf32, #tpu.memory_space<hbm>> -> memref<20000x128xf32, #tpu.memory_space<hbm>>
    tpu.wait_indirect_dma semaphore(%arg11 : memref<!tpu.dma_semaphore, #tpu.memory_space<semaphore_mem>>) src(%dma_wait3A_166 : memref<20000x128xf32, #tpu.memory_space<hbm>>) dst(%arg9 : memref<400x128xf32, #tpu.memory_space<vmem>>)
    %add3A_167 = arith.constant 2000 : i32
    %add3A_168 = arith.addi %mul3A_2, %add3A_167 : i32
    %dma_start3A_169 = arith.constant 0 : i32
    %dma_start3A_170 = tpu.memref_slice %arg5[%add3A_168, %dma_start3A_169] : memref<76800x128xf32, #tpu.memory_space<hbm>> -> memref<400x128xf32, #tpu.memory_space<hbm>>
    %dma_start3A_171 = arith.constant 0 : i32
    %dma_start3A_172 = tpu.memref_slice %arg5[%add3A_168, %dma_start3A_171] : memref<76800x128xf32, #tpu.memory_space<hbm>> -> memref<400x128xf32, #tpu.memory_space<hbm>>
    tpu.enqueue_dma source(%arg9 : memref<400x128xf32, #tpu.memory_space<vmem>>) target(%dma_start3A_172 : memref<400x128xf32, #tpu.memory_space<hbm>>) target_semaphore(%arg12 : memref<!tpu.dma_semaphore, #tpu.memory_space<semaphore_mem>>)
    %dma_wait3A_173 = arith.constant 0 : i32
    %dma_wait3A_174 = tpu.memref_slice %arg5[%add3A_147, %dma_wait3A_173] : memref<76800x128xf32, #tpu.memory_space<hbm>> -> memref<400x128xf32, #tpu.memory_space<hbm>>
    %dma_wait3A_175 = arith.constant 0 : i32
    %dma_wait3A_176 = tpu.memref_slice %arg5[%add3A_147, %dma_wait3A_175] : memref<76800x128xf32, #tpu.memory_space<hbm>> -> memref<400x128xf32, #tpu.memory_space<hbm>>
    tpu.wait_dma2 semaphore(%arg12 : memref<!tpu.dma_semaphore, #tpu.memory_space<semaphore_mem>>) src(%arg8 : memref<400x128xf32, #tpu.memory_space<vmem>>) dst(%dma_wait3A_176 : memref<400x128xf32, #tpu.memory_space<hbm>>)
    %dma_wait3A_177 = arith.constant 0 : i32
    %dma_wait3A_178 = tpu.memref_slice %arg5[%add3A_168, %dma_wait3A_177] : memref<76800x128xf32, #tpu.memory_space<hbm>> -> memref<400x128xf32, #tpu.memory_space<hbm>>
    %dma_wait3A_179 = arith.constant 0 : i32
    %dma_wait3A_180 = tpu.memref_slice %arg5[%add3A_168, %dma_wait3A_179] : memref<76800x128xf32, #tpu.memory_space<hbm>> -> memref<400x128xf32, #tpu.memory_space<hbm>>
    tpu.wait_dma2 semaphore(%arg12 : memref<!tpu.dma_semaphore, #tpu.memory_space<semaphore_mem>>) src(%arg9 : memref<400x128xf32, #tpu.memory_space<vmem>>) dst(%dma_wait3A_180 : memref<400x128xf32, #tpu.memory_space<hbm>>)
    return
  }
}

module attributes {stable_mosaic.version = 14 : i64} {
  func.func @_precompute_body(%arg0: memref<10000x128xf32, #tpu.memory_space<vmem>>, %arg1: memref<512x128xf32, #tpu.memory_space<vmem>>, %arg2: memref<1x128xf32, #tpu.memory_space<vmem>>, %arg3: memref<1x128xf32, #tpu.memory_space<vmem>>, %arg4: memref<2x10000x128xf32, #tpu.memory_space<vmem>>, %arg5: memref<1x128xf32, #tpu.memory_space<vmem>>) attributes {dimension_semantics = [], scalar_prefetch = 0 : i64, scratch_operands = 0 : i64, tpu.core_type = #tpu.core_type<tc>} {
    %get3A = arith.constant 0 : index
    %get3A_0 = arith.constant 0 : index
    %get3A_1 = vector.load %arg0[%get3A, %get3A_0] : memref<10000x128xf32, #tpu.memory_space<vmem>>, vector<10000x128xf32>
    %get3A_2 = arith.constant 0 : index
    %get3A_3 = arith.constant 0 : index
    %get3A_4 = vector.load %arg1[%get3A_2, %get3A_3] : memref<512x128xf32, #tpu.memory_space<vmem>>, vector<128x128xf32>
    %dot_general3A = arith.constant dense<0.000000e+00> : vector<10000x128xf32>
    %dot_general3A_5 = tpu.matmul %get3A_1, %get3A_4, %dot_general3A {dimension_numbers = #tpu.dot_dimension_numbers<[1], [0], [0], [1], [0, 0, 1, 1], [], []>, transpose_lhs_hint = false} : vector<10000x128xf32>, vector<128x128xf32>, vector<10000x128xf32> -> vector<10000x128xf32>
    %swap3A = arith.constant 0 : index
    %swap3A_6 = arith.constant 0 : index
    %swap3A_7 = arith.constant 0 : index
    %swap3A_8 = vector.load %arg4[%swap3A, %swap3A_6, %swap3A_7] : memref<2x10000x128xf32, #tpu.memory_space<vmem>>, vector<1x10000x128xf32>
    %swap3A_9 = vector.shape_cast %swap3A_8 : vector<1x10000x128xf32> to vector<10000x128xf32>
    %swap3A_10 = vector.shape_cast %dot_general3A_5 : vector<10000x128xf32> to vector<1x10000x128xf32>
    tpu.vector_store %arg4[%swap3A, %swap3A_6, %swap3A_7], %swap3A_10 {strides = array<i32>} : memref<2x10000x128xf32, #tpu.memory_space<vmem>>, vector<1x10000x128xf32>,
    %get3A_11 = arith.constant 128 : index
    %get3A_12 = arith.constant 0 : index
    %get3A_13 = vector.load %arg1[%get3A_11, %get3A_12] : memref<512x128xf32, #tpu.memory_space<vmem>>, vector<128x128xf32>
    %dot_general3A_14 = arith.constant dense<0.000000e+00> : vector<10000x128xf32>
    %dot_general3A_15 = tpu.matmul %get3A_1, %get3A_13, %dot_general3A_14 {dimension_numbers = #tpu.dot_dimension_numbers<[1], [0], [0], [1], [0, 0, 1, 1], [], []>, transpose_lhs_hint = false} : vector<10000x128xf32>, vector<128x128xf32>, vector<10000x128xf32> -> vector<10000x128xf32>
    %swap3A_16 = arith.constant 1 : index
    %swap3A_17 = arith.constant 0 : index
    %swap3A_18 = arith.constant 0 : index
    %swap3A_19 = vector.load %arg4[%swap3A_16, %swap3A_17, %swap3A_18] : memref<2x10000x128xf32, #tpu.memory_space<vmem>>, vector<1x10000x128xf32>
    %swap3A_20 = vector.shape_cast %swap3A_19 : vector<1x10000x128xf32> to vector<10000x128xf32>
    %swap3A_21 = vector.shape_cast %dot_general3A_15 : vector<10000x128xf32> to vector<1x10000x128xf32>
    tpu.vector_store %arg4[%swap3A_16, %swap3A_17, %swap3A_18], %swap3A_21 {strides = array<i32>} : memref<2x10000x128xf32, #tpu.memory_space<vmem>>, vector<1x10000x128xf32>,
    %get3A_22 = arith.constant 0 : index
    %get3A_23 = arith.constant 0 : index
    %get3A_24 = vector.load %arg2[%get3A_22, %get3A_23] : memref<1x128xf32, #tpu.memory_space<vmem>>, vector<1x128xf32>
    %get3A_25 = arith.constant 384 : index
    %get3A_26 = arith.constant 0 : index
    %get3A_27 = vector.load %arg1[%get3A_25, %get3A_26] : memref<512x128xf32, #tpu.memory_space<vmem>>, vector<128x128xf32>
    %dot_general3A_28 = arith.constant dense<0.000000e+00> : vector<1x128xf32>
    %dot_general3A_29 = tpu.matmul %get3A_24, %get3A_27, %dot_general3A_28 {dimension_numbers = #tpu.dot_dimension_numbers<[1], [0], [0], [1], [0, 0, 1, 1], [], []>, transpose_lhs_hint = false} : vector<1x128xf32>, vector<128x128xf32>, vector<1x128xf32> -> vector<1x128xf32>
    %get3A_30 = arith.constant 0 : index
    %get3A_31 = arith.constant 0 : index
    %get3A_32 = vector.load %arg3[%get3A_30, %get3A_31] : memref<1x128xf32, #tpu.memory_space<vmem>>, vector<1x128xf32>
    %add3A = arith.addf %dot_general3A_29, %get3A_32 : vector<1x128xf32>
    %swap3A_33 = arith.constant 0 : index
    %swap3A_34 = arith.constant 0 : index
    %swap3A_35 = vector.load %arg5[%swap3A_33, %swap3A_34] : memref<1x128xf32, #tpu.memory_space<vmem>>, vector<1x128xf32>
    tpu.vector_store %arg5[%swap3A_33, %swap3A_34], %add3A {strides = array<i32>} : memref<1x128xf32, #tpu.memory_space<vmem>>, vector<1x128xf32>,
    return
  }
}

module attributes {stable_mosaic.version = 14 : i64} {
  func.func @_mlp_body(%arg0: i32, %arg1: memref<6400x128xf32, #tpu.memory_space<vmem>>, %arg2: memref<6400x128xf32, #tpu.memory_space<vmem>>, %arg3: memref<128x128xf32, #tpu.memory_space<vmem>>, %arg4: memref<1x128xf32, #tpu.memory_space<vmem>>, %arg5: memref<128x128xf32, #tpu.memory_space<vmem>>, %arg6: memref<1x128xf32, #tpu.memory_space<vmem>>, %arg7: memref<1x128xf32, #tpu.memory_space<vmem>>, %arg8: memref<1x128xf32, #tpu.memory_space<vmem>>, %arg9: memref<6400x128xf32, #tpu.memory_space<vmem>>) attributes {dimension_semantics = [#tpu.dimension_semantics<arbitrary>], iteration_bounds = array<i64: 6>, scalar_prefetch = 0 : i64, scratch_operands = 0 : i64, tpu.core_type = #tpu.core_type<tc>, window_params = [{transform_indices = @transform_0, window_bounds = array<i64: 6400, 128>}, {transform_indices = @transform_1, window_bounds = array<i64: 6400, 128>}, {pipeline_mode = #tpu.pipeline_mode<synchronous>, transform_indices = @transform_2, window_bounds = array<i64: 128, 128>}, {pipeline_mode = #tpu.pipeline_mode<synchronous>, transform_indices = @transform_3, window_bounds = array<i64: 1, 128>}, {pipeline_mode = #tpu.pipeline_mode<synchronous>, transform_indices = @transform_4, window_bounds = array<i64: 128, 128>}, {pipeline_mode = #tpu.pipeline_mode<synchronous>, transform_indices = @transform_5, window_bounds = array<i64: 1, 128>}, {pipeline_mode = #tpu.pipeline_mode<synchronous>, transform_indices = @transform_6, window_bounds = array<i64: 1, 128>}, {pipeline_mode = #tpu.pipeline_mode<synchronous>, transform_indices = @transform_7, window_bounds = array<i64: 1, 128>}, {transform_indices = @transform_8, window_bounds = array<i64: 6400, 128>}]} {
    %get3A = arith.constant 0 : index
    %get3A_0 = arith.constant 0 : index
    %get3A_1 = vector.load %arg1[%get3A, %get3A_0] : memref<6400x128xf32, #tpu.memory_space<vmem>>, vector<6400x128xf32>
    %get3A_2 = arith.constant 0 : index
    %get3A_3 = arith.constant 0 : index
    %get3A_4 = vector.load %arg2[%get3A_2, %get3A_3] : memref<6400x128xf32, #tpu.memory_space<vmem>>, vector<6400x128xf32>
    %get3A_5 = arith.constant 0 : index
    %get3A_6 = arith.constant 0 : index
    %get3A_7 = vector.load %arg3[%get3A_5, %get3A_6] : memref<128x128xf32, #tpu.memory_space<vmem>>, vector<128x128xf32>
    %dot_general3A = arith.constant dense<0.000000e+00> : vector<6400x128xf32>
    %dot_general3A_8 = tpu.matmul %get3A_4, %get3A_7, %dot_general3A {dimension_numbers = #tpu.dot_dimension_numbers<[1], [0], [0], [1], [0, 0, 1, 1], [], []>, transpose_lhs_hint = false} : vector<6400x128xf32>, vector<128x128xf32>, vector<6400x128xf32> -> vector<6400x128xf32>
    %add3A = arith.addf %get3A_1, %dot_general3A_8 : vector<6400x128xf32>
    %get3A_9 = arith.constant 0 : index
    %get3A_10 = arith.constant 0 : index
    %get3A_11 = vector.load %arg4[%get3A_9, %get3A_10] : memref<1x128xf32, #tpu.memory_space<vmem>>, vector<1x128xf32>
    %add3A_12 = vector.broadcast %get3A_11 : vector<1x128xf32> to vector<6400x128xf32>
    %add3A_13 = arith.addf %add3A, %add3A_12 : vector<6400x128xf32>
    %max3A = arith.constant 0.000000e+00 : f32
    %max3A_14 = vector.broadcast %max3A : f32 to vector<6400x128xf32>
    %max3A_15 = arith.maximumf %add3A_13, %max3A_14 : vector<6400x128xf32>
    %get3A_16 = arith.constant 0 : index
    %get3A_17 = arith.constant 0 : index
    %get3A_18 = vector.load %arg5[%get3A_16, %get3A_17] : memref<128x128xf32, #tpu.memory_space<vmem>>, vector<128x128xf32>
    %dot_general3A_19 = arith.constant dense<0.000000e+00> : vector<6400x128xf32>
    %dot_general3A_20 = tpu.matmul %max3A_15, %get3A_18, %dot_general3A_19 {dimension_numbers = #tpu.dot_dimension_numbers<[1], [0], [0], [1], [0, 0, 1, 1], [], []>, transpose_lhs_hint = false} : vector<6400x128xf32>, vector<128x128xf32>, vector<6400x128xf32> -> vector<6400x128xf32>
    %get3A_21 = arith.constant 0 : index
    %get3A_22 = arith.constant 0 : index
    %get3A_23 = vector.load %arg6[%get3A_21, %get3A_22] : memref<1x128xf32, #tpu.memory_space<vmem>>, vector<1x128xf32>
    %add3A_24 = vector.broadcast %get3A_23 : vector<1x128xf32> to vector<6400x128xf32>
    %add3A_25 = arith.addf %dot_general3A_20, %add3A_24 : vector<6400x128xf32>
    %reduce_sum3A = arith.constant dense<0.000000e+00> : vector<6400xf32>
    %reduce_sum3A_26 = vector.multi_reduction <add>, %add3A_25, %reduce_sum3A [1] : vector<6400x128xf32> to vector<6400xf32>
    %broadcast_in_dim3A = vector.shape_cast %reduce_sum3A_26 : vector<6400xf32> to vector<6400x1xf32>
    %div3A = arith.constant 1.280000e+02 : f32
    %div3A_27 = vector.broadcast %div3A : f32 to vector<6400x1xf32>
    %div3A_28 = arith.divf %broadcast_in_dim3A, %div3A_27 : vector<6400x1xf32>
    %sub3A = vector.broadcast %div3A_28 : vector<6400x1xf32> to vector<6400x128xf32>
    %sub3A_29 = arith.subf %add3A_25, %sub3A : vector<6400x128xf32>
    %mul3A = arith.mulf %sub3A_29, %sub3A_29 : vector<6400x128xf32>
    %reduce_sum3A_30 = arith.constant dense<0.000000e+00> : vector<6400xf32>
    %reduce_sum3A_31 = vector.multi_reduction <add>, %mul3A, %reduce_sum3A_30 [1] : vector<6400x128xf32> to vector<6400xf32>
    %broadcast_in_dim3A_32 = vector.shape_cast %reduce_sum3A_31 : vector<6400xf32> to vector<6400x1xf32>
    %div3A_33 = arith.constant 1.280000e+02 : f32
    %div3A_34 = vector.broadcast %div3A_33 : f32 to vector<6400x1xf32>
    %div3A_35 = arith.divf %broadcast_in_dim3A_32, %div3A_34 : vector<6400x1xf32>
    %add3A_36 = arith.constant 9.99999974E-6 : f32
    %add3A_37 = vector.broadcast %add3A_36 : f32 to vector<6400x1xf32>
    %add3A_38 = arith.addf %div3A_35, %add3A_37 : vector<6400x1xf32>
    %rsqrt3A = math.rsqrt %add3A_38 : vector<6400x1xf32>
    %mul3A_39 = vector.broadcast %rsqrt3A : vector<6400x1xf32> to vector<6400x128xf32>
    %mul3A_40 = arith.mulf %sub3A_29, %mul3A_39 : vector<6400x128xf32>
    %get3A_41 = arith.constant 0 : index
    %get3A_42 = arith.constant 0 : index
    %get3A_43 = vector.load %arg7[%get3A_41, %get3A_42] : memref<1x128xf32, #tpu.memory_space<vmem>>, vector<1x128xf32>
    %mul3A_44 = vector.broadcast %get3A_43 : vector<1x128xf32> to vector<6400x128xf32>
    %mul3A_45 = arith.mulf %mul3A_40, %mul3A_44 : vector<6400x128xf32>
    %get3A_46 = arith.constant 0 : index
    %get3A_47 = arith.constant 0 : index
    %get3A_48 = vector.load %arg8[%get3A_46, %get3A_47] : memref<1x128xf32, #tpu.memory_space<vmem>>, vector<1x128xf32>
    %add3A_49 = vector.broadcast %get3A_48 : vector<1x128xf32> to vector<6400x128xf32>
    %add3A_50 = arith.addf %mul3A_45, %add3A_49 : vector<6400x128xf32>
    %swap3A = arith.constant 0 : index
    %swap3A_51 = arith.constant 0 : index
    %swap3A_52 = vector.load %arg9[%swap3A, %swap3A_51] : memref<6400x128xf32, #tpu.memory_space<vmem>>, vector<6400x128xf32>
    tpu.vector_store %arg9[%swap3A, %swap3A_51], %add3A_50 {strides = array<i32>} : memref<6400x128xf32, #tpu.memory_space<vmem>>, vector<6400x128xf32>,
    return
  }
  func.func @transform_0(%arg0: i32) -> (i32, i32) {
    %c0_i32 = arith.constant 0 : i32
    %c0_i32_0 = arith.constant 0 : i32
    return %arg0, %c0_i32 : i32, i32
  }
  func.func @transform_1(%arg0: i32) -> (i32, i32) {
    %add3A = arith.constant 0 : i32
    %add3A_0 = arith.addi %add3A, %arg0 : i32
    %c0_i32 = arith.constant 0 : i32
    %c0_i32_1 = arith.constant 0 : i32
    return %add3A_0, %c0_i32 : i32, i32
  }
  func.func @transform_2(%arg0: i32) -> (i32, i32) {
    %c0_i32 = arith.constant 0 : i32
    %c0_i32_0 = arith.constant 0 : i32
    %c0_i32_1 = arith.constant 0 : i32
    return %c0_i32, %c0_i32_0 : i32, i32
  }
  func.func @transform_3(%arg0: i32) -> (i32, i32) {
    %c0_i32 = arith.constant 0 : i32
    %c0_i32_0 = arith.constant 0 : i32
    %c0_i32_1 = arith.constant 0 : i32
    return %c0_i32, %c0_i32_0 : i32, i32
  }
  func.func @transform_4(%arg0: i32) -> (i32, i32) {
    %c0_i32 = arith.constant 0 : i32
    %c0_i32_0 = arith.constant 0 : i32
    %c0_i32_1 = arith.constant 0 : i32
    return %c0_i32, %c0_i32_0 : i32, i32
  }
  func.func @transform_5(%arg0: i32) -> (i32, i32) {
    %c0_i32 = arith.constant 0 : i32
    %c0_i32_0 = arith.constant 0 : i32
    %c0_i32_1 = arith.constant 0 : i32
    return %c0_i32, %c0_i32_0 : i32, i32
  }
  func.func @transform_6(%arg0: i32) -> (i32, i32) {
    %c0_i32 = arith.constant 0 : i32
    %c0_i32_0 = arith.constant 0 : i32
    %c0_i32_1 = arith.constant 0 : i32
    return %c0_i32, %c0_i32_0 : i32, i32
  }
  func.func @transform_7(%arg0: i32) -> (i32, i32) {
    %c0_i32 = arith.constant 0 : i32
    %c0_i32_0 = arith.constant 0 : i32
    %c0_i32_1 = arith.constant 0 : i32
    return %c0_i32, %c0_i32_0 : i32, i32
  }
  func.func @transform_8(%arg0: i32) -> (i32, i32) {
    %c0_i32 = arith.constant 0 : i32
    %c0_i32_0 = arith.constant 0 : i32
    return %arg0, %c0_i32 : i32, i32
  }
}

module attributes {stable_mosaic.version = 14 : i64} {
  func.func @_mlp_body_aliased(%arg0: i32, %arg1: memref<320000x128xf32, #tpu.memory_space<hbm>>, %arg2: memref<6400x128xf32, #tpu.memory_space<vmem>>, %arg3: memref<6400x128xf32, #tpu.memory_space<vmem>>, %arg4: memref<128x128xf32, #tpu.memory_space<vmem>>, %arg5: memref<1x128xf32, #tpu.memory_space<vmem>>, %arg6: memref<128x128xf32, #tpu.memory_space<vmem>>, %arg7: memref<1x128xf32, #tpu.memory_space<vmem>>, %arg8: memref<1x128xf32, #tpu.memory_space<vmem>>, %arg9: memref<1x128xf32, #tpu.memory_space<vmem>>, %arg10: memref<6400x128xf32, #tpu.memory_space<vmem>>) attributes {dimension_semantics = [#tpu.dimension_semantics<arbitrary>], iteration_bounds = array<i64: 8>, scalar_prefetch = 0 : i64, scratch_operands = 0 : i64, tpu.core_type = #tpu.core_type<tc>, window_params = [{}, {transform_indices = @transform_1, window_bounds = array<i64: 6400, 128>}, {transform_indices = @transform_2, window_bounds = array<i64: 6400, 128>}, {pipeline_mode = #tpu.pipeline_mode<synchronous>, transform_indices = @transform_3, window_bounds = array<i64: 128, 128>}, {pipeline_mode = #tpu.pipeline_mode<synchronous>, transform_indices = @transform_4, window_bounds = array<i64: 1, 128>}, {pipeline_mode = #tpu.pipeline_mode<synchronous>, transform_indices = @transform_5, window_bounds = array<i64: 128, 128>}, {pipeline_mode = #tpu.pipeline_mode<synchronous>, transform_indices = @transform_6, window_bounds = array<i64: 1, 128>}, {pipeline_mode = #tpu.pipeline_mode<synchronous>, transform_indices = @transform_7, window_bounds = array<i64: 1, 128>}, {pipeline_mode = #tpu.pipeline_mode<synchronous>, transform_indices = @transform_8, window_bounds = array<i64: 1, 128>}, {transform_indices = @transform_9, window_bounds = array<i64: 6400, 128>}]} {
    %get3A = arith.constant 0 : index
    %get3A_0 = arith.constant 0 : index
    %get3A_1 = vector.load %arg2[%get3A, %get3A_0] : memref<6400x128xf32, #tpu.memory_space<vmem>>, vector<6400x128xf32>
    %get3A_2 = arith.constant 0 : index
    %get3A_3 = arith.constant 0 : index
    %get3A_4 = vector.load %arg3[%get3A_2, %get3A_3] : memref<6400x128xf32, #tpu.memory_space<vmem>>, vector<6400x128xf32>
    %get3A_5 = arith.constant 0 : index
    %get3A_6 = arith.constant 0 : index
    %get3A_7 = vector.load %arg4[%get3A_5, %get3A_6] : memref<128x128xf32, #tpu.memory_space<vmem>>, vector<128x128xf32>
    %dot_general3A = arith.constant dense<0.000000e+00> : vector<6400x128xf32>
    %dot_general3A_8 = tpu.matmul %get3A_4, %get3A_7, %dot_general3A {dimension_numbers = #tpu.dot_dimension_numbers<[1], [0], [0], [1], [0, 0, 1, 1], [], []>, transpose_lhs_hint = false} : vector<6400x128xf32>, vector<128x128xf32>, vector<6400x128xf32> -> vector<6400x128xf32>
    %add3A = arith.addf %get3A_1, %dot_general3A_8 : vector<6400x128xf32>
    %get3A_9 = arith.constant 0 : index
    %get3A_10 = arith.constant 0 : index
    %get3A_11 = vector.load %arg5[%get3A_9, %get3A_10] : memref<1x128xf32, #tpu.memory_space<vmem>>, vector<1x128xf32>
    %add3A_12 = vector.broadcast %get3A_11 : vector<1x128xf32> to vector<6400x128xf32>
    %add3A_13 = arith.addf %add3A, %add3A_12 : vector<6400x128xf32>
    %max3A = arith.constant 0.000000e+00 : f32
    %max3A_14 = vector.broadcast %max3A : f32 to vector<6400x128xf32>
    %max3A_15 = arith.maximumf %add3A_13, %max3A_14 : vector<6400x128xf32>
    %get3A_16 = arith.constant 0 : index
    %get3A_17 = arith.constant 0 : index
    %get3A_18 = vector.load %arg6[%get3A_16, %get3A_17] : memref<128x128xf32, #tpu.memory_space<vmem>>, vector<128x128xf32>
    %dot_general3A_19 = arith.constant dense<0.000000e+00> : vector<6400x128xf32>
    %dot_general3A_20 = tpu.matmul %max3A_15, %get3A_18, %dot_general3A_19 {dimension_numbers = #tpu.dot_dimension_numbers<[1], [0], [0], [1], [0, 0, 1, 1], [], []>, transpose_lhs_hint = false} : vector<6400x128xf32>, vector<128x128xf32>, vector<6400x128xf32> -> vector<6400x128xf32>
    %get3A_21 = arith.constant 0 : index
    %get3A_22 = arith.constant 0 : index
    %get3A_23 = vector.load %arg7[%get3A_21, %get3A_22] : memref<1x128xf32, #tpu.memory_space<vmem>>, vector<1x128xf32>
    %add3A_24 = vector.broadcast %get3A_23 : vector<1x128xf32> to vector<6400x128xf32>
    %add3A_25 = arith.addf %dot_general3A_20, %add3A_24 : vector<6400x128xf32>
    %reduce_sum3A = arith.constant dense<0.000000e+00> : vector<6400xf32>
    %reduce_sum3A_26 = vector.multi_reduction <add>, %add3A_25, %reduce_sum3A [1] : vector<6400x128xf32> to vector<6400xf32>
    %broadcast_in_dim3A = vector.shape_cast %reduce_sum3A_26 : vector<6400xf32> to vector<6400x1xf32>
    %div3A = arith.constant 1.280000e+02 : f32
    %div3A_27 = vector.broadcast %div3A : f32 to vector<6400x1xf32>
    %div3A_28 = arith.divf %broadcast_in_dim3A, %div3A_27 : vector<6400x1xf32>
    %sub3A = vector.broadcast %div3A_28 : vector<6400x1xf32> to vector<6400x128xf32>
    %sub3A_29 = arith.subf %add3A_25, %sub3A : vector<6400x128xf32>
    %mul3A = arith.mulf %sub3A_29, %sub3A_29 : vector<6400x128xf32>
    %reduce_sum3A_30 = arith.constant dense<0.000000e+00> : vector<6400xf32>
    %reduce_sum3A_31 = vector.multi_reduction <add>, %mul3A, %reduce_sum3A_30 [1] : vector<6400x128xf32> to vector<6400xf32>
    %broadcast_in_dim3A_32 = vector.shape_cast %reduce_sum3A_31 : vector<6400xf32> to vector<6400x1xf32>
    %div3A_33 = arith.constant 1.280000e+02 : f32
    %div3A_34 = vector.broadcast %div3A_33 : f32 to vector<6400x1xf32>
    %div3A_35 = arith.divf %broadcast_in_dim3A_32, %div3A_34 : vector<6400x1xf32>
    %add3A_36 = arith.constant 9.99999974E-6 : f32
    %add3A_37 = vector.broadcast %add3A_36 : f32 to vector<6400x1xf32>
    %add3A_38 = arith.addf %div3A_35, %add3A_37 : vector<6400x1xf32>
    %rsqrt3A = math.rsqrt %add3A_38 : vector<6400x1xf32>
    %mul3A_39 = vector.broadcast %rsqrt3A : vector<6400x1xf32> to vector<6400x128xf32>
    %mul3A_40 = arith.mulf %sub3A_29, %mul3A_39 : vector<6400x128xf32>
    %get3A_41 = arith.constant 0 : index
    %get3A_42 = arith.constant 0 : index
    %get3A_43 = vector.load %arg8[%get3A_41, %get3A_42] : memref<1x128xf32, #tpu.memory_space<vmem>>, vector<1x128xf32>
    %mul3A_44 = vector.broadcast %get3A_43 : vector<1x128xf32> to vector<6400x128xf32>
    %mul3A_45 = arith.mulf %mul3A_40, %mul3A_44 : vector<6400x128xf32>
    %get3A_46 = arith.constant 0 : index
    %get3A_47 = arith.constant 0 : index
    %get3A_48 = vector.load %arg9[%get3A_46, %get3A_47] : memref<1x128xf32, #tpu.memory_space<vmem>>, vector<1x128xf32>
    %add3A_49 = vector.broadcast %get3A_48 : vector<1x128xf32> to vector<6400x128xf32>
    %add3A_50 = arith.addf %mul3A_45, %add3A_49 : vector<6400x128xf32>
    %swap3A = arith.constant 0 : index
    %swap3A_51 = arith.constant 0 : index
    %swap3A_52 = vector.load %arg10[%swap3A, %swap3A_51] : memref<6400x128xf32, #tpu.memory_space<vmem>>, vector<6400x128xf32>
    tpu.vector_store %arg10[%swap3A, %swap3A_51], %add3A_50 {strides = array<i32>} : memref<6400x128xf32, #tpu.memory_space<vmem>>, vector<6400x128xf32>,
    return
  }
  func.func @transform_1(%arg0: i32) -> (i32, i32) {
    %c0_i32 = arith.constant 0 : i32
    %c0_i32_0 = arith.constant 0 : i32
    return %arg0, %c0_i32 : i32, i32
  }
  func.func @transform_2(%arg0: i32) -> (i32, i32) {
    %add3A = arith.constant 6 : i32
    %add3A_0 = arith.addi %add3A, %arg0 : i32
    %c0_i32 = arith.constant 0 : i32
    %c0_i32_1 = arith.constant 0 : i32
    return %add3A_0, %c0_i32 : i32, i32
  }
  func.func @transform_3(%arg0: i32) -> (i32, i32) {
    %c0_i32 = arith.constant 0 : i32
    %c0_i32_0 = arith.constant 0 : i32
    %c0_i32_1 = arith.constant 0 : i32
    return %c0_i32, %c0_i32_0 : i32, i32
  }
  func.func @transform_4(%arg0: i32) -> (i32, i32) {
    %c0_i32 = arith.constant 0 : i32
    %c0_i32_0 = arith.constant 0 : i32
    %c0_i32_1 = arith.constant 0 : i32
    return %c0_i32, %c0_i32_0 : i32, i32
  }
  func.func @transform_5(%arg0: i32) -> (i32, i32) {
    %c0_i32 = arith.constant 0 : i32
    %c0_i32_0 = arith.constant 0 : i32
    %c0_i32_1 = arith.constant 0 : i32
    return %c0_i32, %c0_i32_0 : i32, i32
  }
  func.func @transform_6(%arg0: i32) -> (i32, i32) {
    %c0_i32 = arith.constant 0 : i32
    %c0_i32_0 = arith.constant 0 : i32
    %c0_i32_1 = arith.constant 0 : i32
    return %c0_i32, %c0_i32_0 : i32, i32
  }
  func.func @transform_7(%arg0: i32) -> (i32, i32) {
    %c0_i32 = arith.constant 0 : i32
    %c0_i32_0 = arith.constant 0 : i32
    %c0_i32_1 = arith.constant 0 : i32
    return %c0_i32, %c0_i32_0 : i32, i32
  }
  func.func @transform_8(%arg0: i32) -> (i32, i32) {
    %c0_i32 = arith.constant 0 : i32
    %c0_i32_0 = arith.constant 0 : i32
    %c0_i32_1 = arith.constant 0 : i32
    return %c0_i32, %c0_i32_0 : i32, i32
  }
  func.func @transform_9(%arg0: i32) -> (i32, i32) {
    %add3A = arith.constant 6 : i32
    %add3A_0 = arith.addi %add3A, %arg0 : i32
    %c0_i32 = arith.constant 0 : i32
    %c0_i32_1 = arith.constant 0 : i32
    return %add3A_0, %c0_i32 : i32, i32
  }
}

module attributes {stable_mosaic.version = 14 : i64} {
  func.func @_mlp_body_aliased(%arg0: i32, %arg1: memref<320000x128xf32, #tpu.memory_space<hbm>>, %arg2: memref<6400x128xf32, #tpu.memory_space<vmem>>, %arg3: memref<6400x128xf32, #tpu.memory_space<vmem>>, %arg4: memref<128x128xf32, #tpu.memory_space<vmem>>, %arg5: memref<1x128xf32, #tpu.memory_space<vmem>>, %arg6: memref<128x128xf32, #tpu.memory_space<vmem>>, %arg7: memref<1x128xf32, #tpu.memory_space<vmem>>, %arg8: memref<1x128xf32, #tpu.memory_space<vmem>>, %arg9: memref<1x128xf32, #tpu.memory_space<vmem>>, %arg10: memref<6400x128xf32, #tpu.memory_space<vmem>>) attributes {dimension_semantics = [#tpu.dimension_semantics<arbitrary>], iteration_bounds = array<i64: 12>, scalar_prefetch = 0 : i64, scratch_operands = 0 : i64, tpu.core_type = #tpu.core_type<tc>, window_params = [{}, {transform_indices = @transform_1, window_bounds = array<i64: 6400, 128>}, {transform_indices = @transform_2, window_bounds = array<i64: 6400, 128>}, {pipeline_mode = #tpu.pipeline_mode<synchronous>, transform_indices = @transform_3, window_bounds = array<i64: 128, 128>}, {pipeline_mode = #tpu.pipeline_mode<synchronous>, transform_indices = @transform_4, window_bounds = array<i64: 1, 128>}, {pipeline_mode = #tpu.pipeline_mode<synchronous>, transform_indices = @transform_5, window_bounds = array<i64: 128, 128>}, {pipeline_mode = #tpu.pipeline_mode<synchronous>, transform_indices = @transform_6, window_bounds = array<i64: 1, 128>}, {pipeline_mode = #tpu.pipeline_mode<synchronous>, transform_indices = @transform_7, window_bounds = array<i64: 1, 128>}, {pipeline_mode = #tpu.pipeline_mode<synchronous>, transform_indices = @transform_8, window_bounds = array<i64: 1, 128>}, {transform_indices = @transform_9, window_bounds = array<i64: 6400, 128>}]} {
    %get3A = arith.constant 0 : index
    %get3A_0 = arith.constant 0 : index
    %get3A_1 = vector.load %arg2[%get3A, %get3A_0] : memref<6400x128xf32, #tpu.memory_space<vmem>>, vector<6400x128xf32>
    %get3A_2 = arith.constant 0 : index
    %get3A_3 = arith.constant 0 : index
    %get3A_4 = vector.load %arg3[%get3A_2, %get3A_3] : memref<6400x128xf32, #tpu.memory_space<vmem>>, vector<6400x128xf32>
    %get3A_5 = arith.constant 0 : index
    %get3A_6 = arith.constant 0 : index
    %get3A_7 = vector.load %arg4[%get3A_5, %get3A_6] : memref<128x128xf32, #tpu.memory_space<vmem>>, vector<128x128xf32>
    %dot_general3A = arith.constant dense<0.000000e+00> : vector<6400x128xf32>
    %dot_general3A_8 = tpu.matmul %get3A_4, %get3A_7, %dot_general3A {dimension_numbers = #tpu.dot_dimension_numbers<[1], [0], [0], [1], [0, 0, 1, 1], [], []>, transpose_lhs_hint = false} : vector<6400x128xf32>, vector<128x128xf32>, vector<6400x128xf32> -> vector<6400x128xf32>
    %add3A = arith.addf %get3A_1, %dot_general3A_8 : vector<6400x128xf32>
    %get3A_9 = arith.constant 0 : index
    %get3A_10 = arith.constant 0 : index
    %get3A_11 = vector.load %arg5[%get3A_9, %get3A_10] : memref<1x128xf32, #tpu.memory_space<vmem>>, vector<1x128xf32>
    %add3A_12 = vector.broadcast %get3A_11 : vector<1x128xf32> to vector<6400x128xf32>
    %add3A_13 = arith.addf %add3A, %add3A_12 : vector<6400x128xf32>
    %max3A = arith.constant 0.000000e+00 : f32
    %max3A_14 = vector.broadcast %max3A : f32 to vector<6400x128xf32>
    %max3A_15 = arith.maximumf %add3A_13, %max3A_14 : vector<6400x128xf32>
    %get3A_16 = arith.constant 0 : index
    %get3A_17 = arith.constant 0 : index
    %get3A_18 = vector.load %arg6[%get3A_16, %get3A_17] : memref<128x128xf32, #tpu.memory_space<vmem>>, vector<128x128xf32>
    %dot_general3A_19 = arith.constant dense<0.000000e+00> : vector<6400x128xf32>
    %dot_general3A_20 = tpu.matmul %max3A_15, %get3A_18, %dot_general3A_19 {dimension_numbers = #tpu.dot_dimension_numbers<[1], [0], [0], [1], [0, 0, 1, 1], [], []>, transpose_lhs_hint = false} : vector<6400x128xf32>, vector<128x128xf32>, vector<6400x128xf32> -> vector<6400x128xf32>
    %get3A_21 = arith.constant 0 : index
    %get3A_22 = arith.constant 0 : index
    %get3A_23 = vector.load %arg7[%get3A_21, %get3A_22] : memref<1x128xf32, #tpu.memory_space<vmem>>, vector<1x128xf32>
    %add3A_24 = vector.broadcast %get3A_23 : vector<1x128xf32> to vector<6400x128xf32>
    %add3A_25 = arith.addf %dot_general3A_20, %add3A_24 : vector<6400x128xf32>
    %reduce_sum3A = arith.constant dense<0.000000e+00> : vector<6400xf32>
    %reduce_sum3A_26 = vector.multi_reduction <add>, %add3A_25, %reduce_sum3A [1] : vector<6400x128xf32> to vector<6400xf32>
    %broadcast_in_dim3A = vector.shape_cast %reduce_sum3A_26 : vector<6400xf32> to vector<6400x1xf32>
    %div3A = arith.constant 1.280000e+02 : f32
    %div3A_27 = vector.broadcast %div3A : f32 to vector<6400x1xf32>
    %div3A_28 = arith.divf %broadcast_in_dim3A, %div3A_27 : vector<6400x1xf32>
    %sub3A = vector.broadcast %div3A_28 : vector<6400x1xf32> to vector<6400x128xf32>
    %sub3A_29 = arith.subf %add3A_25, %sub3A : vector<6400x128xf32>
    %mul3A = arith.mulf %sub3A_29, %sub3A_29 : vector<6400x128xf32>
    %reduce_sum3A_30 = arith.constant dense<0.000000e+00> : vector<6400xf32>
    %reduce_sum3A_31 = vector.multi_reduction <add>, %mul3A, %reduce_sum3A_30 [1] : vector<6400x128xf32> to vector<6400xf32>
    %broadcast_in_dim3A_32 = vector.shape_cast %reduce_sum3A_31 : vector<6400xf32> to vector<6400x1xf32>
    %div3A_33 = arith.constant 1.280000e+02 : f32
    %div3A_34 = vector.broadcast %div3A_33 : f32 to vector<6400x1xf32>
    %div3A_35 = arith.divf %broadcast_in_dim3A_32, %div3A_34 : vector<6400x1xf32>
    %add3A_36 = arith.constant 9.99999974E-6 : f32
    %add3A_37 = vector.broadcast %add3A_36 : f32 to vector<6400x1xf32>
    %add3A_38 = arith.addf %div3A_35, %add3A_37 : vector<6400x1xf32>
    %rsqrt3A = math.rsqrt %add3A_38 : vector<6400x1xf32>
    %mul3A_39 = vector.broadcast %rsqrt3A : vector<6400x1xf32> to vector<6400x128xf32>
    %mul3A_40 = arith.mulf %sub3A_29, %mul3A_39 : vector<6400x128xf32>
    %get3A_41 = arith.constant 0 : index
    %get3A_42 = arith.constant 0 : index
    %get3A_43 = vector.load %arg8[%get3A_41, %get3A_42] : memref<1x128xf32, #tpu.memory_space<vmem>>, vector<1x128xf32>
    %mul3A_44 = vector.broadcast %get3A_43 : vector<1x128xf32> to vector<6400x128xf32>
    %mul3A_45 = arith.mulf %mul3A_40, %mul3A_44 : vector<6400x128xf32>
    %get3A_46 = arith.constant 0 : index
    %get3A_47 = arith.constant 0 : index
    %get3A_48 = vector.load %arg9[%get3A_46, %get3A_47] : memref<1x128xf32, #tpu.memory_space<vmem>>, vector<1x128xf32>
    %add3A_49 = vector.broadcast %get3A_48 : vector<1x128xf32> to vector<6400x128xf32>
    %add3A_50 = arith.addf %mul3A_45, %add3A_49 : vector<6400x128xf32>
    %swap3A = arith.constant 0 : index
    %swap3A_51 = arith.constant 0 : index
    %swap3A_52 = vector.load %arg10[%swap3A, %swap3A_51] : memref<6400x128xf32, #tpu.memory_space<vmem>>, vector<6400x128xf32>
    tpu.vector_store %arg10[%swap3A, %swap3A_51], %add3A_50 {strides = array<i32>} : memref<6400x128xf32, #tpu.memory_space<vmem>>, vector<6400x128xf32>,
    return
  }
  func.func @transform_1(%arg0: i32) -> (i32, i32) {
    %c0_i32 = arith.constant 0 : i32
    %c0_i32_0 = arith.constant 0 : i32
    return %arg0, %c0_i32 : i32, i32
  }
  func.func @transform_2(%arg0: i32) -> (i32, i32) {
    %add3A = arith.constant 14 : i32
    %add3A_0 = arith.addi %add3A, %arg0 : i32
    %c0_i32 = arith.constant 0 : i32
    %c0_i32_1 = arith.constant 0 : i32
    return %add3A_0, %c0_i32 : i32, i32
  }
  func.func @transform_3(%arg0: i32) -> (i32, i32) {
    %c0_i32 = arith.constant 0 : i32
    %c0_i32_0 = arith.constant 0 : i32
    %c0_i32_1 = arith.constant 0 : i32
    return %c0_i32, %c0_i32_0 : i32, i32
  }
  func.func @transform_4(%arg0: i32) -> (i32, i32) {
    %c0_i32 = arith.constant 0 : i32
    %c0_i32_0 = arith.constant 0 : i32
    %c0_i32_1 = arith.constant 0 : i32
    return %c0_i32, %c0_i32_0 : i32, i32
  }
  func.func @transform_5(%arg0: i32) -> (i32, i32) {
    %c0_i32 = arith.constant 0 : i32
    %c0_i32_0 = arith.constant 0 : i32
    %c0_i32_1 = arith.constant 0 : i32
    return %c0_i32, %c0_i32_0 : i32, i32
  }
  func.func @transform_6(%arg0: i32) -> (i32, i32) {
    %c0_i32 = arith.constant 0 : i32
    %c0_i32_0 = arith.constant 0 : i32
    %c0_i32_1 = arith.constant 0 : i32
    return %c0_i32, %c0_i32_0 : i32, i32
  }
  func.func @transform_7(%arg0: i32) -> (i32, i32) {
    %c0_i32 = arith.constant 0 : i32
    %c0_i32_0 = arith.constant 0 : i32
    %c0_i32_1 = arith.constant 0 : i32
    return %c0_i32, %c0_i32_0 : i32, i32
  }
  func.func @transform_8(%arg0: i32) -> (i32, i32) {
    %c0_i32 = arith.constant 0 : i32
    %c0_i32_0 = arith.constant 0 : i32
    %c0_i32_1 = arith.constant 0 : i32
    return %c0_i32, %c0_i32_0 : i32, i32
  }
  func.func @transform_9(%arg0: i32) -> (i32, i32) {
    %add3A = arith.constant 14 : i32
    %add3A_0 = arith.addi %add3A, %arg0 : i32
    %c0_i32 = arith.constant 0 : i32
    %c0_i32_1 = arith.constant 0 : i32
    return %add3A_0, %c0_i32 : i32, i32
  }
}

module attributes {stable_mosaic.version = 14 : i64} {
  func.func @_mlp_body_aliased(%arg0: i32, %arg1: memref<320000x128xf32, #tpu.memory_space<hbm>>, %arg2: memref<6400x128xf32, #tpu.memory_space<vmem>>, %arg3: memref<6400x128xf32, #tpu.memory_space<vmem>>, %arg4: memref<128x128xf32, #tpu.memory_space<vmem>>, %arg5: memref<1x128xf32, #tpu.memory_space<vmem>>, %arg6: memref<128x128xf32, #tpu.memory_space<vmem>>, %arg7: memref<1x128xf32, #tpu.memory_space<vmem>>, %arg8: memref<1x128xf32, #tpu.memory_space<vmem>>, %arg9: memref<1x128xf32, #tpu.memory_space<vmem>>, %arg10: memref<6400x128xf32, #tpu.memory_space<vmem>>) attributes {dimension_semantics = [#tpu.dimension_semantics<arbitrary>], iteration_bounds = array<i64: 12>, scalar_prefetch = 0 : i64, scratch_operands = 0 : i64, tpu.core_type = #tpu.core_type<tc>, window_params = [{}, {transform_indices = @transform_1, window_bounds = array<i64: 6400, 128>}, {transform_indices = @transform_2, window_bounds = array<i64: 6400, 128>}, {pipeline_mode = #tpu.pipeline_mode<synchronous>, transform_indices = @transform_3, window_bounds = array<i64: 128, 128>}, {pipeline_mode = #tpu.pipeline_mode<synchronous>, transform_indices = @transform_4, window_bounds = array<i64: 1, 128>}, {pipeline_mode = #tpu.pipeline_mode<synchronous>, transform_indices = @transform_5, window_bounds = array<i64: 128, 128>}, {pipeline_mode = #tpu.pipeline_mode<synchronous>, transform_indices = @transform_6, window_bounds = array<i64: 1, 128>}, {pipeline_mode = #tpu.pipeline_mode<synchronous>, transform_indices = @transform_7, window_bounds = array<i64: 1, 128>}, {pipeline_mode = #tpu.pipeline_mode<synchronous>, transform_indices = @transform_8, window_bounds = array<i64: 1, 128>}, {transform_indices = @transform_9, window_bounds = array<i64: 6400, 128>}]} {
    %get3A = arith.constant 0 : index
    %get3A_0 = arith.constant 0 : index
    %get3A_1 = vector.load %arg2[%get3A, %get3A_0] : memref<6400x128xf32, #tpu.memory_space<vmem>>, vector<6400x128xf32>
    %get3A_2 = arith.constant 0 : index
    %get3A_3 = arith.constant 0 : index
    %get3A_4 = vector.load %arg3[%get3A_2, %get3A_3] : memref<6400x128xf32, #tpu.memory_space<vmem>>, vector<6400x128xf32>
    %get3A_5 = arith.constant 0 : index
    %get3A_6 = arith.constant 0 : index
    %get3A_7 = vector.load %arg4[%get3A_5, %get3A_6] : memref<128x128xf32, #tpu.memory_space<vmem>>, vector<128x128xf32>
    %dot_general3A = arith.constant dense<0.000000e+00> : vector<6400x128xf32>
    %dot_general3A_8 = tpu.matmul %get3A_4, %get3A_7, %dot_general3A {dimension_numbers = #tpu.dot_dimension_numbers<[1], [0], [0], [1], [0, 0, 1, 1], [], []>, transpose_lhs_hint = false} : vector<6400x128xf32>, vector<128x128xf32>, vector<6400x128xf32> -> vector<6400x128xf32>
    %add3A = arith.addf %get3A_1, %dot_general3A_8 : vector<6400x128xf32>
    %get3A_9 = arith.constant 0 : index
    %get3A_10 = arith.constant 0 : index
    %get3A_11 = vector.load %arg5[%get3A_9, %get3A_10] : memref<1x128xf32, #tpu.memory_space<vmem>>, vector<1x128xf32>
    %add3A_12 = vector.broadcast %get3A_11 : vector<1x128xf32> to vector<6400x128xf32>
    %add3A_13 = arith.addf %add3A, %add3A_12 : vector<6400x128xf32>
    %max3A = arith.constant 0.000000e+00 : f32
    %max3A_14 = vector.broadcast %max3A : f32 to vector<6400x128xf32>
    %max3A_15 = arith.maximumf %add3A_13, %max3A_14 : vector<6400x128xf32>
    %get3A_16 = arith.constant 0 : index
    %get3A_17 = arith.constant 0 : index
    %get3A_18 = vector.load %arg6[%get3A_16, %get3A_17] : memref<128x128xf32, #tpu.memory_space<vmem>>, vector<128x128xf32>
    %dot_general3A_19 = arith.constant dense<0.000000e+00> : vector<6400x128xf32>
    %dot_general3A_20 = tpu.matmul %max3A_15, %get3A_18, %dot_general3A_19 {dimension_numbers = #tpu.dot_dimension_numbers<[1], [0], [0], [1], [0, 0, 1, 1], [], []>, transpose_lhs_hint = false} : vector<6400x128xf32>, vector<128x128xf32>, vector<6400x128xf32> -> vector<6400x128xf32>
    %get3A_21 = arith.constant 0 : index
    %get3A_22 = arith.constant 0 : index
    %get3A_23 = vector.load %arg7[%get3A_21, %get3A_22] : memref<1x128xf32, #tpu.memory_space<vmem>>, vector<1x128xf32>
    %add3A_24 = vector.broadcast %get3A_23 : vector<1x128xf32> to vector<6400x128xf32>
    %add3A_25 = arith.addf %dot_general3A_20, %add3A_24 : vector<6400x128xf32>
    %reduce_sum3A = arith.constant dense<0.000000e+00> : vector<6400xf32>
    %reduce_sum3A_26 = vector.multi_reduction <add>, %add3A_25, %reduce_sum3A [1] : vector<6400x128xf32> to vector<6400xf32>
    %broadcast_in_dim3A = vector.shape_cast %reduce_sum3A_26 : vector<6400xf32> to vector<6400x1xf32>
    %div3A = arith.constant 1.280000e+02 : f32
    %div3A_27 = vector.broadcast %div3A : f32 to vector<6400x1xf32>
    %div3A_28 = arith.divf %broadcast_in_dim3A, %div3A_27 : vector<6400x1xf32>
    %sub3A = vector.broadcast %div3A_28 : vector<6400x1xf32> to vector<6400x128xf32>
    %sub3A_29 = arith.subf %add3A_25, %sub3A : vector<6400x128xf32>
    %mul3A = arith.mulf %sub3A_29, %sub3A_29 : vector<6400x128xf32>
    %reduce_sum3A_30 = arith.constant dense<0.000000e+00> : vector<6400xf32>
    %reduce_sum3A_31 = vector.multi_reduction <add>, %mul3A, %reduce_sum3A_30 [1] : vector<6400x128xf32> to vector<6400xf32>
    %broadcast_in_dim3A_32 = vector.shape_cast %reduce_sum3A_31 : vector<6400xf32> to vector<6400x1xf32>
    %div3A_33 = arith.constant 1.280000e+02 : f32
    %div3A_34 = vector.broadcast %div3A_33 : f32 to vector<6400x1xf32>
    %div3A_35 = arith.divf %broadcast_in_dim3A_32, %div3A_34 : vector<6400x1xf32>
    %add3A_36 = arith.constant 9.99999974E-6 : f32
    %add3A_37 = vector.broadcast %add3A_36 : f32 to vector<6400x1xf32>
    %add3A_38 = arith.addf %div3A_35, %add3A_37 : vector<6400x1xf32>
    %rsqrt3A = math.rsqrt %add3A_38 : vector<6400x1xf32>
    %mul3A_39 = vector.broadcast %rsqrt3A : vector<6400x1xf32> to vector<6400x128xf32>
    %mul3A_40 = arith.mulf %sub3A_29, %mul3A_39 : vector<6400x128xf32>
    %get3A_41 = arith.constant 0 : index
    %get3A_42 = arith.constant 0 : index
    %get3A_43 = vector.load %arg8[%get3A_41, %get3A_42] : memref<1x128xf32, #tpu.memory_space<vmem>>, vector<1x128xf32>
    %mul3A_44 = vector.broadcast %get3A_43 : vector<1x128xf32> to vector<6400x128xf32>
    %mul3A_45 = arith.mulf %mul3A_40, %mul3A_44 : vector<6400x128xf32>
    %get3A_46 = arith.constant 0 : index
    %get3A_47 = arith.constant 0 : index
    %get3A_48 = vector.load %arg9[%get3A_46, %get3A_47] : memref<1x128xf32, #tpu.memory_space<vmem>>, vector<1x128xf32>
    %add3A_49 = vector.broadcast %get3A_48 : vector<1x128xf32> to vector<6400x128xf32>
    %add3A_50 = arith.addf %mul3A_45, %add3A_49 : vector<6400x128xf32>
    %swap3A = arith.constant 0 : index
    %swap3A_51 = arith.constant 0 : index
    %swap3A_52 = vector.load %arg10[%swap3A, %swap3A_51] : memref<6400x128xf32, #tpu.memory_space<vmem>>, vector<6400x128xf32>
    tpu.vector_store %arg10[%swap3A, %swap3A_51], %add3A_50 {strides = array<i32>} : memref<6400x128xf32, #tpu.memory_space<vmem>>, vector<6400x128xf32>,
    return
  }
  func.func @transform_1(%arg0: i32) -> (i32, i32) {
    %c0_i32 = arith.constant 0 : i32
    %c0_i32_0 = arith.constant 0 : i32
    return %arg0, %c0_i32 : i32, i32
  }
  func.func @transform_2(%arg0: i32) -> (i32, i32) {
    %add3A = arith.constant 26 : i32
    %add3A_0 = arith.addi %add3A, %arg0 : i32
    %c0_i32 = arith.constant 0 : i32
    %c0_i32_1 = arith.constant 0 : i32
    return %add3A_0, %c0_i32 : i32, i32
  }
  func.func @transform_3(%arg0: i32) -> (i32, i32) {
    %c0_i32 = arith.constant 0 : i32
    %c0_i32_0 = arith.constant 0 : i32
    %c0_i32_1 = arith.constant 0 : i32
    return %c0_i32, %c0_i32_0 : i32, i32
  }
  func.func @transform_4(%arg0: i32) -> (i32, i32) {
    %c0_i32 = arith.constant 0 : i32
    %c0_i32_0 = arith.constant 0 : i32
    %c0_i32_1 = arith.constant 0 : i32
    return %c0_i32, %c0_i32_0 : i32, i32
  }
  func.func @transform_5(%arg0: i32) -> (i32, i32) {
    %c0_i32 = arith.constant 0 : i32
    %c0_i32_0 = arith.constant 0 : i32
    %c0_i32_1 = arith.constant 0 : i32
    return %c0_i32, %c0_i32_0 : i32, i32
  }
  func.func @transform_6(%arg0: i32) -> (i32, i32) {
    %c0_i32 = arith.constant 0 : i32
    %c0_i32_0 = arith.constant 0 : i32
    %c0_i32_1 = arith.constant 0 : i32
    return %c0_i32, %c0_i32_0 : i32, i32
  }
  func.func @transform_7(%arg0: i32) -> (i32, i32) {
    %c0_i32 = arith.constant 0 : i32
    %c0_i32_0 = arith.constant 0 : i32
    %c0_i32_1 = arith.constant 0 : i32
    return %c0_i32, %c0_i32_0 : i32, i32
  }
  func.func @transform_8(%arg0: i32) -> (i32, i32) {
    %c0_i32 = arith.constant 0 : i32
    %c0_i32_0 = arith.constant 0 : i32
    %c0_i32_1 = arith.constant 0 : i32
    return %c0_i32, %c0_i32_0 : i32, i32
  }
  func.func @transform_9(%arg0: i32) -> (i32, i32) {
    %add3A = arith.constant 26 : i32
    %add3A_0 = arith.addi %add3A, %arg0 : i32
    %c0_i32 = arith.constant 0 : i32
    %c0_i32_1 = arith.constant 0 : i32
    return %add3A_0, %c0_i32 : i32, i32
  }
}

module attributes {stable_mosaic.version = 14 : i64} {
  func.func @_mlp_body_aliased(%arg0: i32, %arg1: memref<320000x128xf32, #tpu.memory_space<hbm>>, %arg2: memref<6400x128xf32, #tpu.memory_space<vmem>>, %arg3: memref<6400x128xf32, #tpu.memory_space<vmem>>, %arg4: memref<128x128xf32, #tpu.memory_space<vmem>>, %arg5: memref<1x128xf32, #tpu.memory_space<vmem>>, %arg6: memref<128x128xf32, #tpu.memory_space<vmem>>, %arg7: memref<1x128xf32, #tpu.memory_space<vmem>>, %arg8: memref<1x128xf32, #tpu.memory_space<vmem>>, %arg9: memref<1x128xf32, #tpu.memory_space<vmem>>, %arg10: memref<6400x128xf32, #tpu.memory_space<vmem>>) attributes {dimension_semantics = [#tpu.dimension_semantics<arbitrary>], iteration_bounds = array<i64: 12>, scalar_prefetch = 0 : i64, scratch_operands = 0 : i64, tpu.core_type = #tpu.core_type<tc>, window_params = [{}, {transform_indices = @transform_1, window_bounds = array<i64: 6400, 128>}, {transform_indices = @transform_2, window_bounds = array<i64: 6400, 128>}, {pipeline_mode = #tpu.pipeline_mode<synchronous>, transform_indices = @transform_3, window_bounds = array<i64: 128, 128>}, {pipeline_mode = #tpu.pipeline_mode<synchronous>, transform_indices = @transform_4, window_bounds = array<i64: 1, 128>}, {pipeline_mode = #tpu.pipeline_mode<synchronous>, transform_indices = @transform_5, window_bounds = array<i64: 128, 128>}, {pipeline_mode = #tpu.pipeline_mode<synchronous>, transform_indices = @transform_6, window_bounds = array<i64: 1, 128>}, {pipeline_mode = #tpu.pipeline_mode<synchronous>, transform_indices = @transform_7, window_bounds = array<i64: 1, 128>}, {pipeline_mode = #tpu.pipeline_mode<synchronous>, transform_indices = @transform_8, window_bounds = array<i64: 1, 128>}, {transform_indices = @transform_9, window_bounds = array<i64: 6400, 128>}]} {
    %get3A = arith.constant 0 : index
    %get3A_0 = arith.constant 0 : index
    %get3A_1 = vector.load %arg2[%get3A, %get3A_0] : memref<6400x128xf32, #tpu.memory_space<vmem>>, vector<6400x128xf32>
    %get3A_2 = arith.constant 0 : index
    %get3A_3 = arith.constant 0 : index
    %get3A_4 = vector.load %arg3[%get3A_2, %get3A_3] : memref<6400x128xf32, #tpu.memory_space<vmem>>, vector<6400x128xf32>
    %get3A_5 = arith.constant 0 : index
    %get3A_6 = arith.constant 0 : index
    %get3A_7 = vector.load %arg4[%get3A_5, %get3A_6] : memref<128x128xf32, #tpu.memory_space<vmem>>, vector<128x128xf32>
    %dot_general3A = arith.constant dense<0.000000e+00> : vector<6400x128xf32>
    %dot_general3A_8 = tpu.matmul %get3A_4, %get3A_7, %dot_general3A {dimension_numbers = #tpu.dot_dimension_numbers<[1], [0], [0], [1], [0, 0, 1, 1], [], []>, transpose_lhs_hint = false} : vector<6400x128xf32>, vector<128x128xf32>, vector<6400x128xf32> -> vector<6400x128xf32>
    %add3A = arith.addf %get3A_1, %dot_general3A_8 : vector<6400x128xf32>
    %get3A_9 = arith.constant 0 : index
    %get3A_10 = arith.constant 0 : index
    %get3A_11 = vector.load %arg5[%get3A_9, %get3A_10] : memref<1x128xf32, #tpu.memory_space<vmem>>, vector<1x128xf32>
    %add3A_12 = vector.broadcast %get3A_11 : vector<1x128xf32> to vector<6400x128xf32>
    %add3A_13 = arith.addf %add3A, %add3A_12 : vector<6400x128xf32>
    %max3A = arith.constant 0.000000e+00 : f32
    %max3A_14 = vector.broadcast %max3A : f32 to vector<6400x128xf32>
    %max3A_15 = arith.maximumf %add3A_13, %max3A_14 : vector<6400x128xf32>
    %get3A_16 = arith.constant 0 : index
    %get3A_17 = arith.constant 0 : index
    %get3A_18 = vector.load %arg6[%get3A_16, %get3A_17] : memref<128x128xf32, #tpu.memory_space<vmem>>, vector<128x128xf32>
    %dot_general3A_19 = arith.constant dense<0.000000e+00> : vector<6400x128xf32>
    %dot_general3A_20 = tpu.matmul %max3A_15, %get3A_18, %dot_general3A_19 {dimension_numbers = #tpu.dot_dimension_numbers<[1], [0], [0], [1], [0, 0, 1, 1], [], []>, transpose_lhs_hint = false} : vector<6400x128xf32>, vector<128x128xf32>, vector<6400x128xf32> -> vector<6400x128xf32>
    %get3A_21 = arith.constant 0 : index
    %get3A_22 = arith.constant 0 : index
    %get3A_23 = vector.load %arg7[%get3A_21, %get3A_22] : memref<1x128xf32, #tpu.memory_space<vmem>>, vector<1x128xf32>
    %add3A_24 = vector.broadcast %get3A_23 : vector<1x128xf32> to vector<6400x128xf32>
    %add3A_25 = arith.addf %dot_general3A_20, %add3A_24 : vector<6400x128xf32>
    %reduce_sum3A = arith.constant dense<0.000000e+00> : vector<6400xf32>
    %reduce_sum3A_26 = vector.multi_reduction <add>, %add3A_25, %reduce_sum3A [1] : vector<6400x128xf32> to vector<6400xf32>
    %broadcast_in_dim3A = vector.shape_cast %reduce_sum3A_26 : vector<6400xf32> to vector<6400x1xf32>
    %div3A = arith.constant 1.280000e+02 : f32
    %div3A_27 = vector.broadcast %div3A : f32 to vector<6400x1xf32>
    %div3A_28 = arith.divf %broadcast_in_dim3A, %div3A_27 : vector<6400x1xf32>
    %sub3A = vector.broadcast %div3A_28 : vector<6400x1xf32> to vector<6400x128xf32>
    %sub3A_29 = arith.subf %add3A_25, %sub3A : vector<6400x128xf32>
    %mul3A = arith.mulf %sub3A_29, %sub3A_29 : vector<6400x128xf32>
    %reduce_sum3A_30 = arith.constant dense<0.000000e+00> : vector<6400xf32>
    %reduce_sum3A_31 = vector.multi_reduction <add>, %mul3A, %reduce_sum3A_30 [1] : vector<6400x128xf32> to vector<6400xf32>
    %broadcast_in_dim3A_32 = vector.shape_cast %reduce_sum3A_31 : vector<6400xf32> to vector<6400x1xf32>
    %div3A_33 = arith.constant 1.280000e+02 : f32
    %div3A_34 = vector.broadcast %div3A_33 : f32 to vector<6400x1xf32>
    %div3A_35 = arith.divf %broadcast_in_dim3A_32, %div3A_34 : vector<6400x1xf32>
    %add3A_36 = arith.constant 9.99999974E-6 : f32
    %add3A_37 = vector.broadcast %add3A_36 : f32 to vector<6400x1xf32>
    %add3A_38 = arith.addf %div3A_35, %add3A_37 : vector<6400x1xf32>
    %rsqrt3A = math.rsqrt %add3A_38 : vector<6400x1xf32>
    %mul3A_39 = vector.broadcast %rsqrt3A : vector<6400x1xf32> to vector<6400x128xf32>
    %mul3A_40 = arith.mulf %sub3A_29, %mul3A_39 : vector<6400x128xf32>
    %get3A_41 = arith.constant 0 : index
    %get3A_42 = arith.constant 0 : index
    %get3A_43 = vector.load %arg8[%get3A_41, %get3A_42] : memref<1x128xf32, #tpu.memory_space<vmem>>, vector<1x128xf32>
    %mul3A_44 = vector.broadcast %get3A_43 : vector<1x128xf32> to vector<6400x128xf32>
    %mul3A_45 = arith.mulf %mul3A_40, %mul3A_44 : vector<6400x128xf32>
    %get3A_46 = arith.constant 0 : index
    %get3A_47 = arith.constant 0 : index
    %get3A_48 = vector.load %arg9[%get3A_46, %get3A_47] : memref<1x128xf32, #tpu.memory_space<vmem>>, vector<1x128xf32>
    %add3A_49 = vector.broadcast %get3A_48 : vector<1x128xf32> to vector<6400x128xf32>
    %add3A_50 = arith.addf %mul3A_45, %add3A_49 : vector<6400x128xf32>
    %swap3A = arith.constant 0 : index
    %swap3A_51 = arith.constant 0 : index
    %swap3A_52 = vector.load %arg10[%swap3A, %swap3A_51] : memref<6400x128xf32, #tpu.memory_space<vmem>>, vector<6400x128xf32>
    tpu.vector_store %arg10[%swap3A, %swap3A_51], %add3A_50 {strides = array<i32>} : memref<6400x128xf32, #tpu.memory_space<vmem>>, vector<6400x128xf32>,
    return
  }
  func.func @transform_1(%arg0: i32) -> (i32, i32) {
    %c0_i32 = arith.constant 0 : i32
    %c0_i32_0 = arith.constant 0 : i32
    return %arg0, %c0_i32 : i32, i32
  }
  func.func @transform_2(%arg0: i32) -> (i32, i32) {
    %add3A = arith.constant 38 : i32
    %add3A_0 = arith.addi %add3A, %arg0 : i32
    %c0_i32 = arith.constant 0 : i32
    %c0_i32_1 = arith.constant 0 : i32
    return %add3A_0, %c0_i32 : i32, i32
  }
  func.func @transform_3(%arg0: i32) -> (i32, i32) {
    %c0_i32 = arith.constant 0 : i32
    %c0_i32_0 = arith.constant 0 : i32
    %c0_i32_1 = arith.constant 0 : i32
    return %c0_i32, %c0_i32_0 : i32, i32
  }
  func.func @transform_4(%arg0: i32) -> (i32, i32) {
    %c0_i32 = arith.constant 0 : i32
    %c0_i32_0 = arith.constant 0 : i32
    %c0_i32_1 = arith.constant 0 : i32
    return %c0_i32, %c0_i32_0 : i32, i32
  }
  func.func @transform_5(%arg0: i32) -> (i32, i32) {
    %c0_i32 = arith.constant 0 : i32
    %c0_i32_0 = arith.constant 0 : i32
    %c0_i32_1 = arith.constant 0 : i32
    return %c0_i32, %c0_i32_0 : i32, i32
  }
  func.func @transform_6(%arg0: i32) -> (i32, i32) {
    %c0_i32 = arith.constant 0 : i32
    %c0_i32_0 = arith.constant 0 : i32
    %c0_i32_1 = arith.constant 0 : i32
    return %c0_i32, %c0_i32_0 : i32, i32
  }
  func.func @transform_7(%arg0: i32) -> (i32, i32) {
    %c0_i32 = arith.constant 0 : i32
    %c0_i32_0 = arith.constant 0 : i32
    %c0_i32_1 = arith.constant 0 : i32
    return %c0_i32, %c0_i32_0 : i32, i32
  }
  func.func @transform_8(%arg0: i32) -> (i32, i32) {
    %c0_i32 = arith.constant 0 : i32
    %c0_i32_0 = arith.constant 0 : i32
    %c0_i32_1 = arith.constant 0 : i32
    return %c0_i32, %c0_i32_0 : i32, i32
  }
  func.func @transform_9(%arg0: i32) -> (i32, i32) {
    %add3A = arith.constant 38 : i32
    %add3A_0 = arith.addi %add3A, %arg0 : i32
    %c0_i32 = arith.constant 0 : i32
    %c0_i32_1 = arith.constant 0 : i32
    return %add3A_0, %c0_i32 : i32, i32
  }
}

</mosaic_0001>

<sc_bundles>
// kernel: kernel.13.cloned.1.call-start
scs
__scs_entry_jumppad:
0x0: {  	(pc) =	sbr.rel $0x88, $3  }
0x1: {  	(tag) =	ssettag $0x0;
	lr =	simm.s32 $0x1  }
0x2: {  	[smem:$0x3F97] =	sst lr;
	_ =	strace $0xD0000000  }
0x3: {  	_ = 	snop  }
0x4: {  	_ = 	snop  }
0x5: {  	_ = 	snop  }
0x6: {  	_ = 	snop  }
0x7: {  	_ = 	snop  }
__scs_overlays_trampoline_lowered:
0x8: {  	[smem:$0x3FA6] =	sst s0  }
0x9: {  	[smem:$0x3FA7] =	sst s1  }
0xa: {  	[smem:$0x3FA8] =	sst s2  }
0xb: {  	[smem:$0x3FA9] =	sst s3  }
0xc: {  	[smem:$0x3FAA] =	sst s4  }
0xd: {  	[smem:$0x3FAB] =	sst s5  }
0xe: {  	[smem:$0x3FAC] =	sst s6  }
0xf: {  	[smem:$0x3FAD] =	sst s7  }
0x10: {  	[smem:$0x3FAE] =	sst s8  }
0x11: {  	[smem:$0x3FAF] =	sst s9;
	s0 =	simm.s32 @!p0 $0x0  }
0x12: {  	s1 =	sld [smem:$0x3F95];
	s0 =	simm.s32 @p0 $0x1  }
0x13: {  	[smem:$0x3FB0] =	sst s0;
	s0 =	simm.s32 @!p1 $0x0  }
0x14: {  	s2 =	sld [smem:$0x3F94];
	s0 =	simm.s32 @p1 $0x1  }
0x15: {  	[smem:$0x3FB1] =	sst s0;
	s0 =	simm.s32 @!p2 $0x0  }
0x16: {  	s3 =	sld [smem:$0x3FDB];
	s0 =	simm.s32 @p2 $0x1  }
0x17: {  	s4 =	simm.s32 $0x1BF5;
	[smem:$0x3FB3] =	sst s0  }
0x18: {  	s0 =	sld [smem:$0x3F96];
	_ =	swait.ge [sflag:s4], $0x0  }
0x19: {  	s7 =	sld [smem:$0x3F97]  }
0x1a: {  	s8 =	sadd.s32 $0xFFFFE003, lr  }
0x1b: {  	s9 =	sadd.s32 $0xFFFFFEF7, lr;
	s5 =	simm.s32 $0xFFFFFFFF;
	p2 =	slt.u32 s8, $0xFFFFF086  }
0x1c: {  	p1 =	slt.u32 s9, $0xF7A;
	s5 =	simm.s32 @!p2 $0x0  }
0x1d: {  	s5 =	simm.s32 @p1 $0x1;
	p0 =	seq.s32 s7, s2  }
0x1e: {  	s7 =	smul.u32 @!p0 $0xF7A, s2;
	p2 =	seq.s32 @!p0 s5, $0x0  }
0x1f: {  	s9 =	smul.u32 $0xF7A, s1;
	s8 =	simm.s32 @!p0 $0x1BF5;
	p2 =	por !p2, p0  }
0x20: {  	[sflag:s8] =	ssyncset.s32 @!p0 $0xFFFFF086;
	s6 =	sadd.s32 @!p0 s3, s7;
	s7 =	simm.s32 @!p0 $0x108  }
0x21: {  	s3 =	sadd.s32 s3, s9;
	s6 =	sadd.s32 @!p0 $0x88, s6;
	s7 =	simm.s32 @p2 $0x1082  }
0x22: {  	[simem:s7], [sflag:s8] =	dma.local @!p0 [hbm:s6], $0xF7A  }
0x23: {  	s9 =	sor.u32 $0xD0000000, s2;
	s6 =	simm.s32 $0x108;
	_ =	swait.ge @!p0 [sflag:s8], $0x0  }
0x24: {  	s3 =	sadd.s32 $0x88, s3;
	s6 =	simm.s32 @!p1 $0x1082;
	[sflag:s4] =	ssyncset.s32 $0xFFFFF086  }
0x25: {  	[simem:s6], [sflag:s4] =	dma.local [hbm:s3], $0xF7A  }
0x26: {  	[smem:$0x3F97] =	sst s1;
	(tag) =	ssettag s2;
	_ =	strace s9  }
0x27: {  	s1 =	sld [smem:$0x3FA7]  }
0x28: {  	s2 =	sld [smem:$0x3FA8]  }
0x29: {  	s4 =	sld [smem:$0x3FAA]  }
0x2a: {  	p0 =	seq.s32 s5, $0x0;
	s5 =	sld [smem:$0x3FAB]  }
0x2b: {  	s6 =	sld [smem:$0x3FAC]  }
0x2c: {  	s7 =	sld [smem:$0x3FAD]  }
0x2d: {  	s3 =	simm.s32 $0x108;
	s8 =	sld [smem:$0x3FAE]  }
0x2e: {  	s3 =	simm.s32 @!p0 $0x1082;
	s9 =	sld [smem:$0x3FAF]  }
0x2f: {  	lr =	sadd.s32 s0, s3;
	s0 =	sld [smem:$0x3FA6]  }
0x30: {  	s3 =	sld [smem:$0x3FA9]  }
0x31: {  	[smem:$0x3FB2] =	sst s10  }
0x32: {  	s10 =	sld [smem:$0x3FB0];
	_ =	sdelay $0x3  }
0x33: {  	p0 =	seq.s32 s10, $0x1;
	s10 =	sld [smem:$0x3FB2];
	_ =	sdelay $0x3  }
0x34: {  	[smem:$0x3FB2] =	sst s10  }
0x35: {  	s10 =	sld [smem:$0x3FB1];
	_ =	sdelay $0x3  }
0x36: {  	p1 =	seq.s32 s10, $0x1;
	s10 =	sld [smem:$0x3FB2];
	_ =	sdelay $0x3  }
0x37: {  	[smem:$0x3FB2] =	sst s10  }
0x38: {  	s10 =	sld [smem:$0x3FB3]  }
0x39: {  	_ = 	snop;
	(pc) =	sbr.ind lr, $3  }
0x3a: {  	_ = 	snop  }
0x3b: {  	_ = 	snop  }
0x3c: {  	p2 =	seq.s32 s10, $0x1;
	s10 =	sld [smem:$0x3FB2]  }
0x3d: {  	_ =	shalt  }
0x3e: {  	_ =	shalt  }
0x3f: {  	_ =	shalt  }
0x40: {  	_ =	shalt  }
0x41: {  	_ =	shalt  }
0x42: {  	_ =	shalt  }
0x43: {  	_ =	shalt  }
0x44: {  	_ =	shalt  }
0x45: {  	_ =	shalt  }
0x46: {  	_ =	shalt  }
0x47: {  	_ =	shalt  }
0x48: {  	_ =	shalt  }
0x49: {  	_ =	shalt  }
0x4a: {  	_ =	shalt  }
0x4b: {  	_ =	shalt  }
0x4c: {  	_ =	shalt  }
0x4d: {  	_ =	shalt  }
0x4e: {  	_ =	shalt  }
0x4f: {  	_ =	shalt  }
0x50: {  	_ =	shalt  }
0x51: {  	_ =	shalt  }
0x52: {  	_ =	shalt  }
0x53: {  	_ =	shalt  }
0x54: {  	_ =	shalt  }
0x55: {  	_ =	shalt  }
0x56: {  	_ =	shalt  }
0x57: {  	_ =	shalt  }
0x58: {  	_ =	shalt  }
0x59: {  	_ =	shalt  }
0x5a: {  	_ =	shalt  }
0x5b: {  	_ =	shalt  }
0x5c: {  	_ =	shalt  }
0x5d: {  	_ =	shalt  }
0x5e: {  	_ =	shalt  }
0x5f: {  	_ =	shalt  }
0x60: {  	_ =	shalt  }
0x61: {  	_ =	shalt  }
0x62: {  	_ =	shalt  }
0x63: {  	_ =	shalt  }
0x64: {  	_ =	shalt  }
0x65: {  	_ =	shalt  }
0x66: {  	_ =	shalt  }
0x67: {  	_ =	shalt  }
0x68: {  	_ =	shalt  }
0x69: {  	_ =	shalt  }
0x6a: {  	_ =	shalt  }
0x6b: {  	_ =	shalt  }
0x6c: {  	_ =	shalt  }
0x6d: {  	_ =	shalt  }
0x6e: {  	_ =	shalt  }
0x6f: {  	_ =	shalt  }
0x70: {  	_ =	shalt  }
0x71: {  	_ =	shalt  }
0x72: {  	_ =	shalt  }
0x73: {  	_ =	shalt  }
0x74: {  	_ =	shalt  }
0x75: {  	_ =	shalt  }
0x76: {  	_ =	shalt  }
0x77: {  	_ =	shalt  }
0x78: {  	_ =	shalt  }
0x79: {  	_ =	shalt  }
0x7a: {  	_ =	shalt  }
0x7b: {  	_ =	shalt  }
0x7c: {  	_ =	shalt  }
0x7d: {  	_ =	shalt  }
0x7e: {  	_ =	shalt  }
0x7f: {  	_ =	shalt  }
0x80: {  	_ =	shalt  }
0x81: {  	_ =	shalt  }
0x82: {  	_ =	shalt  }
0x83: {  	_ =	shalt  }
0x84: {  	_ =	shalt  }
0x85: {  	_ =	shalt  }
0x86: {  	_ =	shalt  }
0x87: {  	_ =	shalt  }
.Lfunc_end0:
.L_simem_size_0:
called_computation_lowered:
.L_overlay_start_0:
0x88: {  	s2 =	sld [smem:$0x3FD9]  }
0x89: {  	s3 =	sld [smem:$0x3FFE];
	_ =	sdelay $0x1  }
0x8a: {  	s1 =	srdreg.scid  }
0x8b: {  	s0 =	sand.u32 $0x1, s1  }
0x8c: {  	s17 =	sshll.u32 s0, $0xA;
	s2 =	sadd.s32 s3, s2  }
0x8d: {  	s2 =	sadd.s32 s2, s17  }
0x8e: {  	[smem:$0x3FBE] =	sst s2  }
0x8f: {  	_ = 	snop  }
0x90: {  	s2 =	sld [smem:$0x3FD0];
	(tm) =	ssettm $0x1  }
0x91: {  	s18 =	sld [smem:$0x3FFB];
	_ =	sdelay $0x3  }
0x92: {  	_ =	strace s18  }
0x93: {  	s3 =	sld [smem:$0x3FFC];
	_ =	sdelay $0x3  }
0x94: {  	_ =	strace s3  }
0x95: {  	s3 =	sld [smem:$0x3FFD];
	_ =	sdelay $0x3  }
0x96: {  	_ =	strace s3  }
0x97: {  	_ =	strace $0x8FFFFFFF  }
0x98: {  	s19 =	sld [smem:$0x3FDB];
	_ =	sdelay $0x1  }
0x99: {  	s4 =	simm.s32 $_scs_section_size  }
0x9a: {  	s5 =	simm.s32 $_size__tile_overlayer_lowered;
	s6 =	simm.s32 $_tile_overlayer_lowered  }
0x9b: {  	s22 =	simm.s32 $0x1BFF;
	s21 =	sshll.u32 s6, $0x1;
	s3 =	sadd.s32 s4, s19  }
0x9c: {  	s7 =	simm.s32 $0x0;
	s20 =	sshll.u32 s5, $0x1;
	s5 =	sadd.s32 s21, s3  }
0x9d: {  	[timem:s7], [sflag:s22] =	dma.local [hbm:s5], s20  }
0x9e: {  	_ =	swait.ge [sflag:s22], s20  }
0x9f: {  	s4 =	ssub.s32 $0x0, s20;
	[sflag:s22] =	ssyncset.done $0x0  }
0xa0: {  	[sflag:s22] =	ssyncadd.s32 s4;
	_ =	sdelay $0x1  }
0xa1: {  	s23 =	simm.s32 $0x1B8B  }
0xa2: {  	_ =	swait.ge [sflag:s23], $0x1  }
0xa3: {  	[sflag:s23] =	ssyncset.done $0x0  }
0xa4: {  	s25 =	simm.s32 $0x1B8E;
	s24 =	sld [smem:$0x3FFE];
	[sflag:s23] =	ssyncadd.s32 $0xFFFFFFFF  }
0xa5: {  	s26 =	simm.s32 $execute0_lowered;
	[smem:$0x3FD2] =	sst s25  }
0xa6: {  	s5 =	sshll.u32 s26, $0x1;
	_ =	strace $0x80000046;
	[dreg:$0x1] =	wrdreg $0xFFFFFFFF  }
0xa7: {  	s28 =	simm.s32 $_size_execute0_lowered;
	s3 =	sadd.s32 s3, s5;
	[dreg:$0x0] =	wrdreg $0x0  }
0xa8: {  	s5 =	sshll.u32 s28, $0x1;
	[dreg:$0x2] =	wrdreg s3  }
0xa9: {  	[dreg:$0x3] =	wrdreg s5  }
0xaa: {  	[dreg:$0x4] =	wrdreg $0xC0  }
0xab: {  	_ =	task [dreg:s7], $0x5FFFF  }
0xac: {  	[dreg:$0x1] =	wrdreg $0xFFFFFFFF  }
0xad: {  	[dreg:$0x0] =	wrdreg $0x60  }
0xae: {  	[dreg:$0x2] =	wrdreg s24  }
0xaf: {  	[dreg:$0x3] =	wrdreg s2  }
0xb0: {  	[dreg:$0x4] =	wrdreg $0x9  }
0xb1: {  	_ =	task.clear_ibuf [dreg:s7], $0x5FFFF;
	_ =	strace $0x90000046  }
0xb2: {  	s29 =	simm.s32 $0x9;
	_ =	strace $0x80000048  }
0xb3: {  	_ =	swait.ge [sflag:s29], $0x1  }
0xb4: {  	[sflag:s29] =	ssyncadd.s32 $0xFFFFFFFF  }
0xb5: {  	_ =	strace $0x90000048  }
0xb6: {  	_ =	sfence  }
0xb7: {  	s30 =	sld [smem:$0x0];
	_ =	sdelay $0x2  }
0xb8: {  	s31 =	sshll.u32 s1, $0xD;
	s1 =	sshrl.u32 s1, $0x2  }
0xb9: {  	s3 =	sand.u32 $0x4000, s31;
	s1 =	sadd.s32 s1, s30  }
0xba: {  	s0 =	sor.u32 s3, s0;
	s1 =	sshll.u32 s1, $0x11  }
0xbb: {  	s0 =	sor.u32 s1, s0  }
0xbc: {  	s0 =	sadd.s32 $0x8F2B, s0  }
0xbd: {  	[sflag:s0] =	ssyncadd.remote.s32 $0x1  }
0xbe: {  	_ =	sfence.sel $0xFFFF  }
0xbf: {  	[dreg:$0x0] =	wrdreg $0xFFFFFFFF;
	(pc) =	sbr.abs _section_cstart, $3  }
0xc0: {  	[dreg:$0x1] =	wrdreg $0xFFFFFFFF  }
0xc1: {  	_ =	task.clear_ibuf [dreg:s7], $0x2FFFF;
	_ =	strace $0x9FFFFFFF  }
0xc2: {  	(tm) =	ssettm $0x7FFFFFFF  }
0xc3: {  	_ =	shalt  }
tec
execute0_lowered:
.L_overlay_start_1:
0x0: {  	(tag) =	ssettag $0x1  }
0x1: {  	s1 =	srdreg.scid;
	s0 =	stileid.u32  }
0x2: {  	s19 =	sand.u32 $0x1, s1;
	s30 =	sshll.u32 s0, $0x1  }
0x3: {  	s16 =	sor.u32 s19, s30  }
0x4: {  	s7 =	rddreg [dreg:$0x0];
	s3 =	smul.u32 $0x96, s16  }
0x5: {  	s17 =	rddreg [dreg:$0x1];
	s2 =	simm.s32 $0x0  }
0x6: {  	s4 =	simm.s32 $0x4;
	[smem:$0x7FF] =	sst s2;
	s5 =	sadd.s32 s3, s7  }
0x7: {  	s1 =	rddreg [dreg:$0x2];
	_ =	strace $0x80000047;
	s3 =	sadd.s32 $0x3200, s5  }
0x8: {  	[tilespmem:s2], [sflag:$0x4] =	stream.linear.gather [hbm4b:s3+s2], $0x4B0, $0x38;
	[tilespmem:$0x19A00] =	vst v63  }
0x9: {  	_ =	swait.ge [sflag:s4], $0x4B0  }
0xa: {  	[sflag:s4] =	ssyncset.done $0x0  }
0xb: {  	s6 =	simm.s32 $0x500;
	s5 =	sadd.s32 $0x1E00, s5;
	[sflag:s4] =	ssyncadd.s32 $0xFFFFFB50  }
0xc: {  	[tilespmem:s6], [sflag:$0x4] =	stream.linear.gather [hbm4b:s5+s2], $0x4B0, $0x38;
	[tilespmem:$0x19A00] =	vst v63  }
0xd: {  	_ =	swait.ge [sflag:s4], $0x4B0  }
0xe: {  	s8 =	simm.s32 $0x190;
	s9 =	simm.s32 $0xA00;
	[sflag:s4] =	ssyncset.done $0x0  }
0xf: {  	s10 =	simm.s32 $0x1;
	s7 =	sadd.s32 $0x4600, s7;
	[sflag:s4] =	ssyncadd.s32 $0xFFFFFB50  }
0x10: {  	[tilespmem:s9], [sflag:$0x1] =	stream.indirect.gather [hbm4b:s7+s8], $0x80, s2, s8, $0xb8;
	[tilespmem:$0x19A00] =	vst v63  }
0x11: {  	_ =	swait.ge [sflag:s10], $0xC800  }
0x12: {  	[sflag:s10] =	ssyncset.done $0x0  }
0x13: {  	s11 =	simm.s32 $0xD200;
	[sflag:s10] =	ssyncadd.s32 $0xFFFF3800  }
0x14: {  	[tilespmem:s11], [sflag:$0x1] =	stream.indirect.gather [hbm4b:s7+s8], $0x80, s8, s8, $0xb8;
	[tilespmem:$0x19A00] =	vst v63  }
0x15: {  	s12 =	simm.s32 $0x2  }
0x16: {  	[tilespmem:s9], [sflag:$0x2] =	stream.indirect.gather.add.f32 [hbm:s7], $0x80, s6, s8, $0xb8;
	[tilespmem:$0x19A00] =	vst v63  }
0x17: {  	s13 =	smul.u32 $0x4B00, s16;
	_ =	swait.ge [sflag:s12], $0xC800  }
0x18: {  	[sflag:s12] =	ssyncset.done $0x0  }
0x19: {  	s13 =	sadd.s32 s17, s13;
	[sflag:s12] =	ssyncadd.s32 $0xFFFF3800  }
0x1a: {  	[hbm4b:s13+s2] =	stream.linear.scatter [tilespmem:s9], [sflag:$0x3], $0xC800, $0x38;
	[tilespmem:$0x19A00] =	vst v63  }
0x1b: {  	_ =	swait.ge [sflag:s10], $0xC800  }
0x1c: {  	[sflag:s10] =	ssyncset.done $0x0  }
0x1d: {  	s14 =	simm.s32 $0x3;
	[sflag:s10] =	ssyncadd.s32 $0xFFFF3800  }
0x1e: {  	_ =	swait.ge [sflag:s14], $0xC800  }
0x1f: {  	[sflag:s14] =	ssyncset.done $0x0  }
0x20: {  	s15 =	simm.s32 $0x320;
	[sflag:s14] =	ssyncadd.s32 $0xFFFF3800  }
0x21: {  	[tilespmem:s9], [sflag:$0x1] =	stream.indirect.gather [hbm4b:s7+s8], $0x80, s15, s8, $0xb8;
	[tilespmem:$0x19A00] =	vst v63  }
0x22: {  	s18 =	smul.u32 $0x25800, s16;
	s16 =	simm.s32 $0x690  }
0x23: {  	[tilespmem:s11], [sflag:$0x2] =	stream.indirect.gather.add.f32 [hbm:s7], $0x80, s16, s8, $0xb8;
	[tilespmem:$0x19A00] =	vst v63  }
0x24: {  	s18 =	sshrl.u32 s18, $0x3;
	_ =	swait.ge [sflag:s12], $0xC800  }
0x25: {  	s20 =	sadd.s32 s17, s18;
	[sflag:s12] =	ssyncset.done $0x0  }
0x26: {  	s17 =	sadd.s32 $0x1900, s20;
	[sflag:s12] =	ssyncadd.s32 $0xFFFF3800  }
0x27: {  	[hbm4b:s17+s2] =	stream.linear.scatter [tilespmem:s11], [sflag:$0x3], $0xC800, $0x38;
	[tilespmem:$0x19A00] =	vst v63  }
0x28: {  	_ =	swait.ge [sflag:s10], $0xC800  }
0x29: {  	s21 =	ssub.s32 $0x2, s19;
	[sflag:s10] =	ssyncset.done $0x0  }
0x2a: {  	s31 =	sshrl.u32 s21, $0x1;
	s18 =	simm.s32 $0x820;
	[sflag:s10] =	ssyncadd.s32 $0xFFFF3800  }
0x2b: {  	[tilespmem:s9], [sflag:$0x2] =	stream.indirect.gather.add.f32 [hbm:s7], $0x80, s18, s8, $0xb8;
	[tilespmem:$0x19A00] =	vst v63  }
0x2c: {  	s19 =	sadd.s32 $0x3200, s20;
	s20 =	ssub.s32 s21, s31;
	_ =	swait.ge [sflag:s12], $0xC800  }
0x2d: {  	s20 =	smax.u32 s20, $0x1;
	[sflag:s12] =	ssyncset.done $0x0  }
0x2e: {  	p0 =	sne.s32 s20, $0x1;
	[sflag:s12] =	ssyncadd.s32 $0xFFFF3800  }
0x2f: {  	[hbm4b:s19+s2] =	stream.linear.scatter [tilespmem:s9], [sflag:$0x3], $0xC800, $0x38;
	[tilespmem:$0x19A00] =	vst v63  }
.Ltmp0:
0x30: {  	_ =	swait.ge [sflag:s14], $0xC800;
	(pc) =	sbr.rel @!p0 .LBB2_2-.Ltmp0, $4  }
0x31: {  	[sflag:s14] =	ssyncset.done $0x0  }
0x32: {  	[sflag:s14] =	ssyncadd.s32 $0xFFFF3800  }
0x33: {  	_ =	swait.ge [sflag:s14], $0xC800  }
0x34: {  	s20 =	sadd.s32 $0xFFFFFFFF, s20;
	[sflag:s14] =	ssyncset.done $0x0  }
.LBB2_1:
0x35: {  	p0 =	sne.s32 s20, $0x1;
	s20 =	sadd.s32 $0xFFFFFFFF, s20;
	[sflag:s14] =	ssyncadd.s32 $0xFFFF3800  }
0x36: {  	[tilespmem:s2], [sflag:$0x4] =	stream.linear.gather [hbm4b:s3+s2], $0x4B0, $0x38;
	[tilespmem:$0x19A00] =	vst v63  }
0x37: {  	_ =	swait.ge [sflag:s4], $0x4B0  }
0x38: {  	[sflag:s4] =	ssyncset.done $0x0  }
0x39: {  	[sflag:s4] =	ssyncadd.s32 $0xFFFFFB50  }
0x3a: {  	[tilespmem:s6], [sflag:$0x4] =	stream.linear.gather [hbm4b:s5+s2], $0x4B0, $0x38;
	[tilespmem:$0x19A00] =	vst v63  }
0x3b: {  	_ =	swait.ge [sflag:s4], $0x4B0  }
0x3c: {  	[sflag:s4] =	ssyncset.done $0x0  }
0x3d: {  	[sflag:s4] =	ssyncadd.s32 $0xFFFFFB50  }
0x3e: {  	[tilespmem:s9], [sflag:$0x1] =	stream.indirect.gather [hbm4b:s7+s8], $0x80, s2, s8, $0xb8;
	[tilespmem:$0x19A00] =	vst v63  }
0x3f: {  	_ =	swait.ge [sflag:s10], $0xC800  }
0x40: {  	[sflag:s10] =	ssyncset.done $0x0  }
0x41: {  	[sflag:s10] =	ssyncadd.s32 $0xFFFF3800  }
0x42: {  	[tilespmem:s11], [sflag:$0x1] =	stream.indirect.gather [hbm4b:s7+s8], $0x80, s8, s8, $0xb8;
	[tilespmem:$0x19A00] =	vst v63  }
0x43: {  	_ = 	snop  }
0x44: {  	[tilespmem:s9], [sflag:$0x2] =	stream.indirect.gather.add.f32 [hbm:s7], $0x80, s6, s8, $0xb8;
	[tilespmem:$0x19A00] =	vst v63  }
0x45: {  	_ =	swait.ge [sflag:s12], $0xC800  }
0x46: {  	[sflag:s12] =	ssyncset.done $0x0  }
0x47: {  	[sflag:s12] =	ssyncadd.s32 $0xFFFF3800  }
0x48: {  	[hbm4b:s13+s2] =	stream.linear.scatter [tilespmem:s9], [sflag:$0x3], $0xC800, $0x38;
	[tilespmem:$0x19A00] =	vst v63  }
0x49: {  	_ =	swait.ge [sflag:s10], $0xC800  }
0x4a: {  	[sflag:s10] =	ssyncset.done $0x0  }
0x4b: {  	[sflag:s10] =	ssyncadd.s32 $0xFFFF3800  }
0x4c: {  	_ =	swait.ge [sflag:s14], $0xC800  }
0x4d: {  	[sflag:s14] =	ssyncset.done $0x0  }
0x4e: {  	[sflag:s14] =	ssyncadd.s32 $0xFFFF3800  }
0x4f: {  	[tilespmem:s9], [sflag:$0x1] =	stream.indirect.gather [hbm4b:s7+s8], $0x80, s15, s8, $0xb8;
	[tilespmem:$0x19A00] =	vst v63  }
0x50: {  	_ = 	snop  }
0x51: {  	[tilespmem:s11], [sflag:$0x2] =	stream.indirect.gather.add.f32 [hbm:s7], $0x80, s16, s8, $0xb8;
	[tilespmem:$0x19A00] =	vst v63  }
0x52: {  	_ =	swait.ge [sflag:s12], $0xC800  }
0x53: {  	[sflag:s12] =	ssyncset.done $0x0  }
0x54: {  	[sflag:s12] =	ssyncadd.s32 $0xFFFF3800  }
0x55: {  	[hbm4b:s17+s2] =	stream.linear.scatter [tilespmem:s11], [sflag:$0x3], $0xC800, $0x38;
	[tilespmem:$0x19A00] =	vst v63  }
0x56: {  	_ =	swait.ge [sflag:s10], $0xC800  }
0x57: {  	[sflag:s10] =	ssyncset.done $0x0  }
0x58: {  	[sflag:s10] =	ssyncadd.s32 $0xFFFF3800  }
0x59: {  	[tilespmem:s9], [sflag:$0x2] =	stream.indirect.gather.add.f32 [hbm:s7], $0x80, s18, s8, $0xb8;
	[tilespmem:$0x19A00] =	vst v63  }
0x5a: {  	_ =	swait.ge [sflag:s12], $0xC800  }
0x5b: {  	[sflag:s12] =	ssyncset.done $0x0  }
0x5c: {  	[sflag:s12] =	ssyncadd.s32 $0xFFFF3800  }
0x5d: {  	[hbm4b:s19+s2] =	stream.linear.scatter [tilespmem:s9], [sflag:$0x3], $0xC800, $0x38;
	[tilespmem:$0x19A00] =	vst v63  }
.Ltmp1:
0x5e: {  	_ =	swait.ge [sflag:s14], $0xC800;
	(pc) =	sbr.rel @p0 .LBB2_1-.Ltmp1, $4  }
0x5f: {  	[sflag:s14] =	ssyncset.done $0x0  }
0x60: {  	[sflag:s14] =	ssyncadd.s32 $0xFFFF3800  }
0x61: {  	_ =	swait.ge [sflag:s14], $0xC800  }
0x62: {  	[sflag:s14] =	ssyncset.done $0x0  }
.LBB2_2:
0x63: {  	[sflag:s14] =	ssyncadd.s32 $0xFFFF3800  }
0x64: {  	_ =	sfence.sel $0x180000  }
0x65: {  	[bflag:$0x0] =	sbarrier.arrive $0xFFFF  }
0x66: {  	p0 =	sne.s32 s0, $0x0;
	_ =	strace $0x90000047  }
0x67: {  	s0 =	sadd.s32 @!p0 $0x100000, s1;
	[bflag:$0x2] =	sbarrier.arrive $0xFFFF  }
0x68: {  	[sflag:s0] =	ssyncadd.tile.s32 @!p0 $0x1;
	_ =	shalt  }
.Lfunc_end2:
_tile_overlayer_lowered:
.L_overlay_start_2:
0x69: {  	(tag) =	ssettag $0x2  }
0x6a: {  	s0 =	rddreg [dreg:$0x0];
	s2 =	stileid.u32  }
0x6b: {  	s1 =	rddreg [dreg:$0x1];
	p0 =	sne.s32 s2, $0x0  }
0x6c: {  	s3 =	rddreg [dreg:$0x2];
	[bflag:$0x3] =	sbarrier.arrive $0xFFFF;
	s2 =	simm.s32 @!p0 $0x1C04  }
0x6d: {  	[timem:s3], [sflag:s2] =	dma.local @!p0 [hbm:s0], s1  }
0x6e: {  	s0 =	simm.s32 @!p0 $0x4  }
0x6f: {  	_ =	swait.ge @!p0 [sflag:s0], s1  }
0x70: {  	s1 =	ssub.s32 @!p0 $0x0, s1;
	[sflag:s0] =	ssyncset.done @!p0 $0x0  }
0x71: {  	[sflag:s0] =	ssyncadd.s32 @!p0 s1  }
0x72: {  	[bflag:$0x3] =	sbarrier.arrive $0xFFFF  }
0x73: {  	_ =	shalt  }

// kernel: kernel.16.cloned.1.call-start
scs
__scs_entry_jumppad:
0x0: {  	(pc) =	sbr.rel $0x88, $3  }
0x1: {  	(tag) =	ssettag $0x0;
	lr =	simm.s32 $0x1  }
0x2: {  	[smem:$0x3F97] =	sst lr;
	_ =	strace $0xD0000000  }
0x3: {  	_ = 	snop  }
0x4: {  	_ = 	snop  }
0x5: {  	_ = 	snop  }
0x6: {  	_ = 	snop  }
0x7: {  	_ = 	snop  }
__scs_overlays_trampoline_lowered:
0x8: {  	[smem:$0x3FA6] =	sst s0  }
0x9: {  	[smem:$0x3FA7] =	sst s1  }
0xa: {  	[smem:$0x3FA8] =	sst s2  }
0xb: {  	[smem:$0x3FA9] =	sst s3  }
0xc: {  	[smem:$0x3FAA] =	sst s4  }
0xd: {  	[smem:$0x3FAB] =	sst s5  }
0xe: {  	[smem:$0x3FAC] =	sst s6  }
0xf: {  	[smem:$0x3FAD] =	sst s7  }
0x10: {  	[smem:$0x3FAE] =	sst s8  }
0x11: {  	[smem:$0x3FAF] =	sst s9;
	s0 =	simm.s32 @!p0 $0x0  }
0x12: {  	s1 =	sld [smem:$0x3F95];
	s0 =	simm.s32 @p0 $0x1  }
0x13: {  	[smem:$0x3FB0] =	sst s0;
	s0 =	simm.s32 @!p1 $0x0  }
0x14: {  	s2 =	sld [smem:$0x3F94];
	s0 =	simm.s32 @p1 $0x1  }
0x15: {  	[smem:$0x3FB1] =	sst s0;
	s0 =	simm.s32 @!p2 $0x0  }
0x16: {  	s3 =	sld [smem:$0x3FDB];
	s0 =	simm.s32 @p2 $0x1  }
0x17: {  	s4 =	simm.s32 $0x1BF5;
	[smem:$0x3FB3] =	sst s0  }
0x18: {  	s0 =	sld [smem:$0x3F96];
	_ =	swait.ge [sflag:s4], $0x0  }
0x19: {  	s7 =	sld [smem:$0x3F97]  }
0x1a: {  	s8 =	sadd.s32 $0xFFFFE003, lr  }
0x1b: {  	s9 =	sadd.s32 $0xFFFFFEF7, lr;
	s5 =	simm.s32 $0xFFFFFFFF;
	p2 =	slt.u32 s8, $0xFFFFF086  }
0x1c: {  	p1 =	slt.u32 s9, $0xF7A;
	s5 =	simm.s32 @!p2 $0x0  }
0x1d: {  	s5 =	simm.s32 @p1 $0x1;
	p0 =	seq.s32 s7, s2  }
0x1e: {  	s7 =	smul.u32 @!p0 $0xF7A, s2;
	p2 =	seq.s32 @!p0 s5, $0x0  }
0x1f: {  	s9 =	smul.u32 $0xF7A, s1;
	s8 =	simm.s32 @!p0 $0x1BF5;
	p2 =	por !p2, p0  }
0x20: {  	[sflag:s8] =	ssyncset.s32 @!p0 $0xFFFFF086;
	s6 =	sadd.s32 @!p0 s3, s7;
	s7 =	simm.s32 @!p0 $0x108  }
0x21: {  	s3 =	sadd.s32 s3, s9;
	s6 =	sadd.s32 @!p0 $0x88, s6;
	s7 =	simm.s32 @p2 $0x1082  }
0x22: {  	[simem:s7], [sflag:s8] =	dma.local @!p0 [hbm:s6], $0xF7A  }
0x23: {  	s9 =	sor.u32 $0xD0000000, s2;
	s6 =	simm.s32 $0x108;
	_ =	swait.ge @!p0 [sflag:s8], $0x0  }
0x24: {  	s3 =	sadd.s32 $0x88, s3;
	s6 =	simm.s32 @!p1 $0x1082;
	[sflag:s4] =	ssyncset.s32 $0xFFFFF086  }
0x25: {  	[simem:s6], [sflag:s4] =	dma.local [hbm:s3], $0xF7A  }
0x26: {  	[smem:$0x3F97] =	sst s1;
	(tag) =	ssettag s2;
	_ =	strace s9  }
0x27: {  	s1 =	sld [smem:$0x3FA7]  }
0x28: {  	s2 =	sld [smem:$0x3FA8]  }
0x29: {  	s4 =	sld [smem:$0x3FAA]  }
0x2a: {  	p0 =	seq.s32 s5, $0x0;
	s5 =	sld [smem:$0x3FAB]  }
0x2b: {  	s6 =	sld [smem:$0x3FAC]  }
0x2c: {  	s7 =	sld [smem:$0x3FAD]  }
0x2d: {  	s3 =	simm.s32 $0x108;
	s8 =	sld [smem:$0x3FAE]  }
0x2e: {  	s3 =	simm.s32 @!p0 $0x1082;
	s9 =	sld [smem:$0x3FAF]  }
0x2f: {  	lr =	sadd.s32 s0, s3;
	s0 =	sld [smem:$0x3FA6]  }
0x30: {  	s3 =	sld [smem:$0x3FA9]  }
0x31: {  	[smem:$0x3FB2] =	sst s10  }
0x32: {  	s10 =	sld [smem:$0x3FB0];
	_ =	sdelay $0x3  }
0x33: {  	p0 =	seq.s32 s10, $0x1;
	s10 =	sld [smem:$0x3FB2];
	_ =	sdelay $0x3  }
0x34: {  	[smem:$0x3FB2] =	sst s10  }
0x35: {  	s10 =	sld [smem:$0x3FB1];
	_ =	sdelay $0x3  }
0x36: {  	p1 =	seq.s32 s10, $0x1;
	s10 =	sld [smem:$0x3FB2];
	_ =	sdelay $0x3  }
0x37: {  	[smem:$0x3FB2] =	sst s10  }
0x38: {  	s10 =	sld [smem:$0x3FB3]  }
0x39: {  	_ = 	snop;
	(pc) =	sbr.ind lr, $3  }
0x3a: {  	_ = 	snop  }
0x3b: {  	_ = 	snop  }
0x3c: {  	p2 =	seq.s32 s10, $0x1;
	s10 =	sld [smem:$0x3FB2]  }
0x3d: {  	_ =	shalt  }
0x3e: {  	_ =	shalt  }
0x3f: {  	_ =	shalt  }
0x40: {  	_ =	shalt  }
0x41: {  	_ =	shalt  }
0x42: {  	_ =	shalt  }
0x43: {  	_ =	shalt  }
0x44: {  	_ =	shalt  }
0x45: {  	_ =	shalt  }
0x46: {  	_ =	shalt  }
0x47: {  	_ =	shalt  }
0x48: {  	_ =	shalt  }
0x49: {  	_ =	shalt  }
0x4a: {  	_ =	shalt  }
0x4b: {  	_ =	shalt  }
0x4c: {  	_ =	shalt  }
0x4d: {  	_ =	shalt  }
0x4e: {  	_ =	shalt  }
0x4f: {  	_ =	shalt  }
0x50: {  	_ =	shalt  }
0x51: {  	_ =	shalt  }
0x52: {  	_ =	shalt  }
0x53: {  	_ =	shalt  }
0x54: {  	_ =	shalt  }
0x55: {  	_ =	shalt  }
0x56: {  	_ =	shalt  }
0x57: {  	_ =	shalt  }
0x58: {  	_ =	shalt  }
0x59: {  	_ =	shalt  }
0x5a: {  	_ =	shalt  }
0x5b: {  	_ =	shalt  }
0x5c: {  	_ =	shalt  }
0x5d: {  	_ =	shalt  }
0x5e: {  	_ =	shalt  }
0x5f: {  	_ =	shalt  }
0x60: {  	_ =	shalt  }
0x61: {  	_ =	shalt  }
0x62: {  	_ =	shalt  }
0x63: {  	_ =	shalt  }
0x64: {  	_ =	shalt  }
0x65: {  	_ =	shalt  }
0x66: {  	_ =	shalt  }
0x67: {  	_ =	shalt  }
0x68: {  	_ =	shalt  }
0x69: {  	_ =	shalt  }
0x6a: {  	_ =	shalt  }
0x6b: {  	_ =	shalt  }
0x6c: {  	_ =	shalt  }
0x6d: {  	_ =	shalt  }
0x6e: {  	_ =	shalt  }
0x6f: {  	_ =	shalt  }
0x70: {  	_ =	shalt  }
0x71: {  	_ =	shalt  }
0x72: {  	_ =	shalt  }
0x73: {  	_ =	shalt  }
0x74: {  	_ =	shalt  }
0x75: {  	_ =	shalt  }
0x76: {  	_ =	shalt  }
0x77: {  	_ =	shalt  }
0x78: {  	_ =	shalt  }
0x79: {  	_ =	shalt  }
0x7a: {  	_ =	shalt  }
0x7b: {  	_ =	shalt  }
0x7c: {  	_ =	shalt  }
0x7d: {  	_ =	shalt  }
0x7e: {  	_ =	shalt  }
0x7f: {  	_ =	shalt  }
0x80: {  	_ =	shalt  }
0x81: {  	_ =	shalt  }
0x82: {  	_ =	shalt  }
0x83: {  	_ =	shalt  }
0x84: {  	_ =	shalt  }
0x85: {  	_ =	shalt  }
0x86: {  	_ =	shalt  }
0x87: {  	_ =	shalt  }
.Lfunc_end0:
.L_simem_size_0:
called_computation.1_lowered:
.L_overlay_start_0:
0x88: {  	s2 =	sld [smem:$0x3FD9]  }
0x89: {  	s3 =	sld [smem:$0x3FFE];
	_ =	sdelay $0x1  }
0x8a: {  	s1 =	srdreg.scid  }
0x8b: {  	s0 =	sand.u32 $0x1, s1  }
0x8c: {  	s17 =	sshll.u32 s0, $0xA;
	s2 =	sadd.s32 s3, s2  }
0x8d: {  	s2 =	sadd.s32 s2, s17  }
0x8e: {  	[smem:$0x3FBE] =	sst s2  }
0x8f: {  	_ = 	snop  }
0x90: {  	(tm) =	ssettm $0x1  }
0x91: {  	s18 =	sld [smem:$0x3FFB];
	_ =	sdelay $0x3  }
0x92: {  	_ =	strace s18  }
0x93: {  	s2 =	sld [smem:$0x3FFC];
	_ =	sdelay $0x3  }
0x94: {  	_ =	strace s2  }
0x95: {  	s2 =	sld [smem:$0x3FFD];
	_ =	sdelay $0x3  }
0x96: {  	_ =	strace s2  }
0x97: {  	_ =	strace $0x8FFFFFFF  }
0x98: {  	s19 =	sld [smem:$0x3FDB];
	_ =	sdelay $0x1  }
0x99: {  	s20 =	simm.s32 $_scs_section_size  }
0x9a: {  	s4 =	simm.s32 $_size__tile_overlayer_lowered;
	s5 =	simm.s32 $_tile_overlayer_lowered  }
0x9b: {  	s6 =	simm.s32 $0x1BFF;
	s21 =	sshll.u32 s5, $0x1;
	s3 =	sadd.s32 s20, s19  }
0x9c: {  	s22 =	simm.s32 $0x0;
	s4 =	sshll.u32 s4, $0x1;
	s5 =	sadd.s32 s21, s3  }
0x9d: {  	[timem:s22], [sflag:s6] =	dma.local [hbm:s5], s4  }
0x9e: {  	_ =	swait.ge [sflag:s6], s4  }
0x9f: {  	s4 =	ssub.s32 $0x0, s4;
	[sflag:s6] =	ssyncset.done $0x0  }
0xa0: {  	[sflag:s6] =	ssyncadd.s32 s4;
	_ =	sdelay $0x1  }
0xa1: {  	s23 =	simm.s32 $0x1B8B  }
0xa2: {  	_ =	swait.ge [sflag:s23], $0x1  }
0xa3: {  	[sflag:s23] =	ssyncset.done $0x0  }
0xa4: {  	[sflag:s23] =	ssyncadd.s32 $0xFFFFFFFF  }
0xa5: {  	s4 =	sld [smem:$0x0]  }
0xa6: {  	s5 =	sand.u32 $0xFFFFFFFE, s1  }
0xa7: {  	p0 =	sne.s32 s1, s5  }
0xa8: {  	s5 =	sshll.u32 @p0 s5, $0xE  }
0xa9: {  	s5 =	sadd.s32 @p0 $0x11B8D, s5;
	s6 =	sshll.u32 @p0 s4, $0x11  }
0xaa: {  	s5 =	sor.u32 @p0 s6, s5  }
0xab: {  	[sflag:s5] =	ssyncadd.remote.s32 @p0 $0x1;
	_ =	sdelay $0x1  }
0xac: {  	s5 =	simm.s32 @p0 $0x1B8D  }
0xad: {  	_ =	swait.eq @p0 [sflag:s5], $0x1  }
0xae: {  	[sflag:s5] =	ssyncadd.s32 @p0 $0xFFFFFFFF  }
0xaf: {  	s6 =	sshll.u32 @!p0 s1, $0xE  }
0xb0: {  	s6 =	sor.u32 @!p0 $0x4000, s6;
	s5 =	simm.s32 @!p0 $0x1B8D  }
0xb1: {  	s4 =	sshll.u32 @!p0 s4, $0x11;
	s6 =	sadd.s32 @!p0 $0x11B8D, s6;
	_ =	swait.eq @!p0 [sflag:s5], $0x1  }
0xb2: {  	s4 =	sor.u32 @!p0 s4, s6;
	[sflag:s5] =	ssyncadd.s32 @!p0 $0xFFFFFFFF  }
0xb3: {  	s25 =	simm.s32 $0x1B8E;
	s24 =	sld [smem:$0x3FFE];
	[sflag:s4] =	ssyncadd.remote.s32 @!p0 $0x1  }
0xb4: {  	s26 =	simm.s32 $execute0_lowered;
	[smem:$0x3FD2] =	sst s25  }
0xb5: {  	s5 =	sshll.u32 s26, $0x1;
	_ =	strace $0x80000049;
	[dreg:$0x1] =	wrdreg $0xFFFFFFFF  }
0xb6: {  	s28 =	simm.s32 $_size_execute0_lowered;
	s3 =	sadd.s32 s3, s5;
	[dreg:$0x0] =	wrdreg $0x0  }
0xb7: {  	s5 =	sshll.u32 s28, $0x1;
	[dreg:$0x2] =	wrdreg s3  }
0xb8: {  	[dreg:$0x3] =	wrdreg s5  }
0xb9: {  	[dreg:$0x4] =	wrdreg $0xC0  }
0xba: {  	_ =	task [dreg:s22], $0x5FFFF  }
0xbb: {  	[dreg:$0x1] =	wrdreg $0xFFFFFFFF  }
0xbc: {  	[dreg:$0x0] =	wrdreg $0x60  }
0xbd: {  	[dreg:$0x2] =	wrdreg s24  }
0xbe: {  	[dreg:$0x3] =	wrdreg $0xA  }
0xbf: {  	_ =	task.clear_ibuf [dreg:s22], $0x4FFFF;
	_ =	strace $0x90000049  }
0xc0: {  	s29 =	simm.s32 $0xA;
	_ =	strace $0x8000004B  }
0xc1: {  	_ =	swait.ge [sflag:s29], $0x1  }
0xc2: {  	[sflag:s29] =	ssyncadd.s32 $0xFFFFFFFF  }
0xc3: {  	_ =	strace $0x9000004B  }
0xc4: {  	_ =	sfence  }
0xc5: {  	s30 =	sld [smem:$0x0];
	_ =	sdelay $0x2  }
0xc6: {  	s31 =	sshll.u32 s1, $0xD;
	s1 =	sshrl.u32 s1, $0x2  }
0xc7: {  	s4 =	sand.u32 $0x4000, s31;
	s1 =	sadd.s32 s1, s30  }
0xc8: {  	s0 =	sor.u32 s4, s0;
	s1 =	sshll.u32 s1, $0x11  }
0xc9: {  	s0 =	sor.u32 s1, s0  }
0xca: {  	s0 =	sadd.s32 $0x8F2B, s0  }
0xcb: {  	[sflag:s0] =	ssyncadd.remote.s32 $0x1  }
0xcc: {  	_ =	sfence.sel $0xFFFF  }
0xcd: {  	[dreg:$0x0] =	wrdreg $0xFFFFFFFF;
	(pc) =	sbr.abs _section_cstart, $3  }
0xce: {  	[dreg:$0x1] =	wrdreg $0xFFFFFFFF  }
0xcf: {  	_ =	task.clear_ibuf [dreg:s22], $0x2FFFF;
	_ =	strace $0x9FFFFFFF  }
0xd0: {  	(tm) =	ssettm $0x7FFFFFFF  }
0xd1: {  	_ =	shalt  }
tec
execute0_lowered:
.L_overlay_start_1:
0x0: {  	(tag) =	ssettag $0x1  }
0x1: {  	s1 =	srdreg.scid;
	s0 =	stileid.u32  }
0x2: {  	s22 =	sand.u32 $0x1, s1;
	s30 =	sshll.u32 s0, $0x1  }
0x3: {  	s16 =	sor.u32 s22, s30  }
0x4: {  	s3 =	smul.u32 $0xC8, s16  }
0x5: {  	s13 =	rddreg [dreg:$0x0];
	s2 =	simm.s32 $0x0  }
0x6: {  	s4 =	simm.s32 $0x4;
	[smem:$0x7FF] =	sst s2;
	s5 =	sadd.s32 s3, s13  }
0x7: {  	s1 =	rddreg [dreg:$0x1];
	_ =	strace $0x8000004A;
	s3 =	sadd.s32 $0x52A00, s5  }
0x8: {  	[tilespmem:s2], [sflag:$0x4] =	stream.linear.gather [hbm4b:s3+s2], $0x640, $0x38;
	[tilespmem:$0x19D00] =	vst v63  }
0x9: {  	_ =	swait.ge [sflag:s4], $0x640  }
0xa: {  	[sflag:s4] =	ssyncset.done $0x0  }
0xb: {  	s6 =	simm.s32 $0x680;
	s5 =	sadd.s32 $0x54400, s5;
	[sflag:s4] =	ssyncadd.s32 $0xFFFFF9C0  }
0xc: {  	[tilespmem:s6], [sflag:$0x4] =	stream.linear.gather [hbm4b:s5+s2], $0x640, $0x38;
	[tilespmem:$0x19D00] =	vst v63  }
0xd: {  	_ =	swait.ge [sflag:s4], $0x640  }
0xe: {  	s8 =	simm.s32 $0x190;
	s9 =	simm.s32 $0xD00;
	[sflag:s4] =	ssyncset.done $0x0  }
0xf: {  	s10 =	simm.s32 $0x1;
	s7 =	sadd.s32 $0x4600, s13;
	[sflag:s4] =	ssyncadd.s32 $0xFFFFF9C0  }
0x10: {  	[tilespmem:s9], [sflag:$0x1] =	stream.indirect.gather [hbm4b:s7+s8], $0x80, s2, s8, $0xb8;
	[tilespmem:$0x19D00] =	vst v63  }
0x11: {  	_ =	swait.ge [sflag:s10], $0xC800  }
0x12: {  	[sflag:s10] =	ssyncset.done $0x0  }
0x13: {  	s11 =	simm.s32 $0xD500;
	[sflag:s10] =	ssyncadd.s32 $0xFFFF3800  }
0x14: {  	[tilespmem:s11], [sflag:$0x1] =	stream.indirect.gather [hbm4b:s7+s8], $0x80, s8, s8, $0xb8;
	[tilespmem:$0x19D00] =	vst v63  }
0x15: {  	s12 =	simm.s32 $0x2  }
0x16: {  	[tilespmem:s9], [sflag:$0x2] =	stream.indirect.gather.add.f32 [hbm:s7], $0x80, s6, s8, $0xb8;
	[tilespmem:$0x19D00] =	vst v63  }
0x17: {  	s14 =	smul.u32 $0x6400, s16;
	_ =	swait.ge [sflag:s12], $0xC800  }
0x18: {  	s17 =	sadd.s32 $0x55E00, s13;
	[sflag:s12] =	ssyncset.done $0x0  }
0x19: {  	s13 =	sadd.s32 s17, s14;
	[sflag:s12] =	ssyncadd.s32 $0xFFFF3800  }
0x1a: {  	[hbm4b:s13+s2] =	stream.linear.scatter [tilespmem:s9], [sflag:$0x3], $0xC800, $0x38;
	[tilespmem:$0x19D00] =	vst v63  }
0x1b: {  	_ =	swait.ge [sflag:s10], $0xC800  }
0x1c: {  	[sflag:s10] =	ssyncset.done $0x0  }
0x1d: {  	s14 =	simm.s32 $0x3;
	[sflag:s10] =	ssyncadd.s32 $0xFFFF3800  }
0x1e: {  	_ =	swait.ge [sflag:s14], $0xC800  }
0x1f: {  	[sflag:s14] =	ssyncset.done $0x0  }
0x20: {  	s15 =	simm.s32 $0x320;
	[sflag:s14] =	ssyncadd.s32 $0xFFFF3800  }
0x21: {  	[tilespmem:s9], [sflag:$0x1] =	stream.indirect.gather [hbm4b:s7+s8], $0x80, s15, s8, $0xb8;
	[tilespmem:$0x19D00] =	vst v63  }
0x22: {  	s18 =	smul.u32 $0x32000, s16;
	s16 =	simm.s32 $0x810  }
0x23: {  	[tilespmem:s11], [sflag:$0x2] =	stream.indirect.gather.add.f32 [hbm:s7], $0x80, s16, s8, $0xb8;
	[tilespmem:$0x19D00] =	vst v63  }
0x24: {  	s18 =	sshrl.u32 s18, $0x3;
	_ =	swait.ge [sflag:s12], $0xC800  }
0x25: {  	s23 =	sadd.s32 s17, s18;
	[sflag:s12] =	ssyncset.done $0x0  }
0x26: {  	s17 =	sadd.s32 $0x1900, s23;
	[sflag:s12] =	ssyncadd.s32 $0xFFFF3800  }
0x27: {  	[hbm4b:s17+s2] =	stream.linear.scatter [tilespmem:s11], [sflag:$0x3], $0xC800, $0x38;
	[tilespmem:$0x19D00] =	vst v63  }
0x28: {  	_ =	swait.ge [sflag:s10], $0xC800  }
0x29: {  	[sflag:s10] =	ssyncset.done $0x0  }
0x2a: {  	[sflag:s10] =	ssyncadd.s32 $0xFFFF3800  }
0x2b: {  	_ =	swait.ge [sflag:s14], $0xC800  }
0x2c: {  	[sflag:s14] =	ssyncset.done $0x0  }
0x2d: {  	s18 =	simm.s32 $0x4B0;
	[sflag:s14] =	ssyncadd.s32 $0xFFFF3800  }
0x2e: {  	[tilespmem:s11], [sflag:$0x1] =	stream.indirect.gather [hbm4b:s7+s8], $0x80, s18, s8, $0xb8;
	[tilespmem:$0x19D00] =	vst v63  }
0x2f: {  	s19 =	simm.s32 $0x9A0  }
0x30: {  	[tilespmem:s9], [sflag:$0x2] =	stream.indirect.gather.add.f32 [hbm:s7], $0x80, s19, s8, $0xb8;
	[tilespmem:$0x19D00] =	vst v63  }
0x31: {  	_ =	swait.ge [sflag:s12], $0xC800  }
0x32: {  	[sflag:s12] =	ssyncset.done $0x0  }
0x33: {  	s20 =	sadd.s32 $0x3200, s23;
	[sflag:s12] =	ssyncadd.s32 $0xFFFF3800  }
0x34: {  	[hbm4b:s20+s2] =	stream.linear.scatter [tilespmem:s9], [sflag:$0x3], $0xC800, $0x38;
	[tilespmem:$0x19D00] =	vst v63  }
0x35: {  	_ =	swait.ge [sflag:s10], $0xC800  }
0x36: {  	s24 =	ssub.s32 $0x2, s22;
	[sflag:s10] =	ssyncset.done $0x0  }
0x37: {  	s21 =	simm.s32 $0xB30;
	s31 =	sshrl.u32 s24, $0x1;
	[sflag:s10] =	ssyncadd.s32 $0xFFFF3800  }
0x38: {  	[tilespmem:s11], [sflag:$0x2] =	stream.indirect.gather.add.f32 [hbm:s7], $0x80, s21, s8, $0xb8;
	[tilespmem:$0x19D00] =	vst v63  }
0x39: {  	s22 =	sadd.s32 $0x4B00, s23;
	s23 =	ssub.s32 s24, s31;
	_ =	swait.ge [sflag:s12], $0xC800  }
0x3a: {  	s23 =	smax.u32 s23, $0x1;
	[sflag:s12] =	ssyncset.done $0x0  }
0x3b: {  	p0 =	sne.s32 s23, $0x1;
	[sflag:s12] =	ssyncadd.s32 $0xFFFF3800  }
0x3c: {  	[hbm4b:s22+s2] =	stream.linear.scatter [tilespmem:s11], [sflag:$0x3], $0xC800, $0x38;
	[tilespmem:$0x19D00] =	vst v63  }
.Ltmp0:
0x3d: {  	_ =	swait.ge [sflag:s14], $0xC800;
	(pc) =	sbr.rel @!p0 .LBB2_2-.Ltmp0, $4  }
0x3e: {  	[sflag:s14] =	ssyncset.done $0x0  }
0x3f: {  	[sflag:s14] =	ssyncadd.s32 $0xFFFF3800  }
0x40: {  	_ =	swait.ge [sflag:s14], $0xC800  }
0x41: {  	s23 =	sadd.s32 $0xFFFFFFFF, s23;
	[sflag:s14] =	ssyncset.done $0x0  }
.LBB2_1:
0x42: {  	p0 =	sne.s32 s23, $0x1;
	s23 =	sadd.s32 $0xFFFFFFFF, s23;
	[sflag:s14] =	ssyncadd.s32 $0xFFFF3800  }
0x43: {  	[tilespmem:s2], [sflag:$0x4] =	stream.linear.gather [hbm4b:s3+s2], $0x640, $0x38;
	[tilespmem:$0x19D00] =	vst v63  }
0x44: {  	_ =	swait.ge [sflag:s4], $0x640  }
0x45: {  	[sflag:s4] =	ssyncset.done $0x0  }
0x46: {  	[sflag:s4] =	ssyncadd.s32 $0xFFFFF9C0  }
0x47: {  	[tilespmem:s6], [sflag:$0x4] =	stream.linear.gather [hbm4b:s5+s2], $0x640, $0x38;
	[tilespmem:$0x19D00] =	vst v63  }
0x48: {  	_ =	swait.ge [sflag:s4], $0x640  }
0x49: {  	[sflag:s4] =	ssyncset.done $0x0  }
0x4a: {  	[sflag:s4] =	ssyncadd.s32 $0xFFFFF9C0  }
0x4b: {  	[tilespmem:s9], [sflag:$0x1] =	stream.indirect.gather [hbm4b:s7+s8], $0x80, s2, s8, $0xb8;
	[tilespmem:$0x19D00] =	vst v63  }
0x4c: {  	_ =	swait.ge [sflag:s10], $0xC800  }
0x4d: {  	[sflag:s10] =	ssyncset.done $0x0  }
0x4e: {  	[sflag:s10] =	ssyncadd.s32 $0xFFFF3800  }
0x4f: {  	[tilespmem:s11], [sflag:$0x1] =	stream.indirect.gather [hbm4b:s7+s8], $0x80, s8, s8, $0xb8;
	[tilespmem:$0x19D00] =	vst v63  }
0x50: {  	_ = 	snop  }
0x51: {  	[tilespmem:s9], [sflag:$0x2] =	stream.indirect.gather.add.f32 [hbm:s7], $0x80, s6, s8, $0xb8;
	[tilespmem:$0x19D00] =	vst v63  }
0x52: {  	_ =	swait.ge [sflag:s12], $0xC800  }
0x53: {  	[sflag:s12] =	ssyncset.done $0x0  }
0x54: {  	[sflag:s12] =	ssyncadd.s32 $0xFFFF3800  }
0x55: {  	[hbm4b:s13+s2] =	stream.linear.scatter [tilespmem:s9], [sflag:$0x3], $0xC800, $0x38;
	[tilespmem:$0x19D00] =	vst v63  }
0x56: {  	_ =	swait.ge [sflag:s10], $0xC800  }
0x57: {  	[sflag:s10] =	ssyncset.done $0x0  }
0x58: {  	[sflag:s10] =	ssyncadd.s32 $0xFFFF3800  }
0x59: {  	_ =	swait.ge [sflag:s14], $0xC800  }
0x5a: {  	[sflag:s14] =	ssyncset.done $0x0  }
0x5b: {  	[sflag:s14] =	ssyncadd.s32 $0xFFFF3800  }
0x5c: {  	[tilespmem:s9], [sflag:$0x1] =	stream.indirect.gather [hbm4b:s7+s8], $0x80, s15, s8, $0xb8;
	[tilespmem:$0x19D00] =	vst v63  }
0x5d: {  	_ = 	snop  }
0x5e: {  	[tilespmem:s11], [sflag:$0x2] =	stream.indirect.gather.add.f32 [hbm:s7], $0x80, s16, s8, $0xb8;
	[tilespmem:$0x19D00] =	vst v63  }
0x5f: {  	_ =	swait.ge [sflag:s12], $0xC800  }
0x60: {  	[sflag:s12] =	ssyncset.done $0x0  }
0x61: {  	[sflag:s12] =	ssyncadd.s32 $0xFFFF3800  }
0x62: {  	[hbm4b:s17+s2] =	stream.linear.scatter [tilespmem:s11], [sflag:$0x3], $0xC800, $0x38;
	[tilespmem:$0x19D00] =	vst v63  }
0x63: {  	_ =	swait.ge [sflag:s10], $0xC800  }
0x64: {  	[sflag:s10] =	ssyncset.done $0x0  }
0x65: {  	[sflag:s10] =	ssyncadd.s32 $0xFFFF3800  }
0x66: {  	_ =	swait.ge [sflag:s14], $0xC800  }
0x67: {  	[sflag:s14] =	ssyncset.done $0x0  }
0x68: {  	[sflag:s14] =	ssyncadd.s32 $0xFFFF3800  }
0x69: {  	[tilespmem:s11], [sflag:$0x1] =	stream.indirect.gather [hbm4b:s7+s8], $0x80, s18, s8, $0xb8;
	[tilespmem:$0x19D00] =	vst v63  }
0x6a: {  	_ = 	snop  }
0x6b: {  	[tilespmem:s9], [sflag:$0x2] =	stream.indirect.gather.add.f32 [hbm:s7], $0x80, s19, s8, $0xb8;
	[tilespmem:$0x19D00] =	vst v63  }
0x6c: {  	_ =	swait.ge [sflag:s12], $0xC800  }
0x6d: {  	[sflag:s12] =	ssyncset.done $0x0  }
0x6e: {  	[sflag:s12] =	ssyncadd.s32 $0xFFFF3800  }
0x6f: {  	[hbm4b:s20+s2] =	stream.linear.scatter [tilespmem:s9], [sflag:$0x3], $0xC800, $0x38;
	[tilespmem:$0x19D00] =	vst v63  }
0x70: {  	_ =	swait.ge [sflag:s10], $0xC800  }
0x71: {  	[sflag:s10] =	ssyncset.done $0x0  }
0x72: {  	[sflag:s10] =	ssyncadd.s32 $0xFFFF3800  }
0x73: {  	[tilespmem:s11], [sflag:$0x2] =	stream.indirect.gather.add.f32 [hbm:s7], $0x80, s21, s8, $0xb8;
	[tilespmem:$0x19D00] =	vst v63  }
0x74: {  	_ =	swait.ge [sflag:s12], $0xC800  }
0x75: {  	[sflag:s12] =	ssyncset.done $0x0  }
0x76: {  	[sflag:s12] =	ssyncadd.s32 $0xFFFF3800  }
0x77: {  	[hbm4b:s22+s2] =	stream.linear.scatter [tilespmem:s11], [sflag:$0x3], $0xC800, $0x38;
	[tilespmem:$0x19D00] =	vst v63  }
.Ltmp1:
0x78: {  	_ =	swait.ge [sflag:s14], $0xC800;
	(pc) =	sbr.rel @p0 .LBB2_1-.Ltmp1, $4  }
0x79: {  	[sflag:s14] =	ssyncset.done $0x0  }
0x7a: {  	[sflag:s14] =	ssyncadd.s32 $0xFFFF3800  }
0x7b: {  	_ =	swait.ge [sflag:s14], $0xC800  }
0x7c: {  	[sflag:s14] =	ssyncset.done $0x0  }
.LBB2_2:
0x7d: {  	[sflag:s14] =	ssyncadd.s32 $0xFFFF3800  }
0x7e: {  	_ =	sfence.sel $0x180000  }
0x7f: {  	[bflag:$0x0] =	sbarrier.arrive $0xFFFF  }
0x80: {  	p0 =	sne.s32 s0, $0x0;
	_ =	strace $0x9000004A  }
0x81: {  	s0 =	sadd.s32 @!p0 $0x100000, s1;
	[bflag:$0x2] =	sbarrier.arrive $0xFFFF  }
0x82: {  	[sflag:s0] =	ssyncadd.tile.s32 @!p0 $0x1;
	_ =	shalt  }
.Lfunc_end2:
_tile_overlayer_lowered:
.L_overlay_start_2:
0x83: {  	(tag) =	ssettag $0x2  }
0x84: {  	s0 =	rddreg [dreg:$0x0];
	s2 =	stileid.u32  }
0x85: {  	s1 =	rddreg [dreg:$0x1];
	p0 =	sne.s32 s2, $0x0  }
0x86: {  	s3 =	rddreg [dreg:$0x2];
	[bflag:$0x3] =	sbarrier.arrive $0xFFFF;
	s2 =	simm.s32 @!p0 $0x1C04  }
0x87: {  	[timem:s3], [sflag:s2] =	dma.local @!p0 [hbm:s0], s1  }
0x88: {  	s0 =	simm.s32 @!p0 $0x4  }
0x89: {  	_ =	swait.ge @!p0 [sflag:s0], s1  }
0x8a: {  	s1 =	ssub.s32 @!p0 $0x0, s1;
	[sflag:s0] =	ssyncset.done @!p0 $0x0  }
0x8b: {  	[sflag:s0] =	ssyncadd.s32 @!p0 s1  }
0x8c: {  	[bflag:$0x3] =	sbarrier.arrive $0xFFFF  }
0x8d: {  	_ =	shalt  }

// kernel: kernel.19.cloned.1.call-start
scs
__scs_entry_jumppad:
0x0: {  	(pc) =	sbr.rel $0x88, $3  }
0x1: {  	(tag) =	ssettag $0x0;
	lr =	simm.s32 $0x1  }
0x2: {  	[smem:$0x3F97] =	sst lr;
	_ =	strace $0xD0000000  }
0x3: {  	_ = 	snop  }
0x4: {  	_ = 	snop  }
0x5: {  	_ = 	snop  }
0x6: {  	_ = 	snop  }
0x7: {  	_ = 	snop  }
__scs_overlays_trampoline_lowered:
0x8: {  	[smem:$0x3FA6] =	sst s0  }
0x9: {  	[smem:$0x3FA7] =	sst s1  }
0xa: {  	[smem:$0x3FA8] =	sst s2  }
0xb: {  	[smem:$0x3FA9] =	sst s3  }
0xc: {  	[smem:$0x3FAA] =	sst s4  }
0xd: {  	[smem:$0x3FAB] =	sst s5  }
0xe: {  	[smem:$0x3FAC] =	sst s6  }
0xf: {  	[smem:$0x3FAD] =	sst s7  }
0x10: {  	[smem:$0x3FAE] =	sst s8  }
0x11: {  	[smem:$0x3FAF] =	sst s9;
	s0 =	simm.s32 @!p0 $0x0  }
0x12: {  	s1 =	sld [smem:$0x3F95];
	s0 =	simm.s32 @p0 $0x1  }
0x13: {  	[smem:$0x3FB0] =	sst s0;
	s0 =	simm.s32 @!p1 $0x0  }
0x14: {  	s2 =	sld [smem:$0x3F94];
	s0 =	simm.s32 @p1 $0x1  }
0x15: {  	[smem:$0x3FB1] =	sst s0;
	s0 =	simm.s32 @!p2 $0x0  }
0x16: {  	s3 =	sld [smem:$0x3FDB];
	s0 =	simm.s32 @p2 $0x1  }
0x17: {  	s4 =	simm.s32 $0x1BF5;
	[smem:$0x3FB3] =	sst s0  }
0x18: {  	s0 =	sld [smem:$0x3F96];
	_ =	swait.ge [sflag:s4], $0x0  }
0x19: {  	s7 =	sld [smem:$0x3F97]  }
0x1a: {  	s8 =	sadd.s32 $0xFFFFE003, lr  }
0x1b: {  	s9 =	sadd.s32 $0xFFFFFEF7, lr;
	s5 =	simm.s32 $0xFFFFFFFF;
	p2 =	slt.u32 s8, $0xFFFFF086  }
0x1c: {  	p1 =	slt.u32 s9, $0xF7A;
	s5 =	simm.s32 @!p2 $0x0  }
0x1d: {  	s5 =	simm.s32 @p1 $0x1;
	p0 =	seq.s32 s7, s2  }
0x1e: {  	s7 =	smul.u32 @!p0 $0xF7A, s2;
	p2 =	seq.s32 @!p0 s5, $0x0  }
0x1f: {  	s9 =	smul.u32 $0xF7A, s1;
	s8 =	simm.s32 @!p0 $0x1BF5;
	p2 =	por !p2, p0  }
0x20: {  	[sflag:s8] =	ssyncset.s32 @!p0 $0xFFFFF086;
	s6 =	sadd.s32 @!p0 s3, s7;
	s7 =	simm.s32 @!p0 $0x108  }
0x21: {  	s3 =	sadd.s32 s3, s9;
	s6 =	sadd.s32 @!p0 $0x88, s6;
	s7 =	simm.s32 @p2 $0x1082  }
0x22: {  	[simem:s7], [sflag:s8] =	dma.local @!p0 [hbm:s6], $0xF7A  }
0x23: {  	s9 =	sor.u32 $0xD0000000, s2;
	s6 =	simm.s32 $0x108;
	_ =	swait.ge @!p0 [sflag:s8], $0x0  }
0x24: {  	s3 =	sadd.s32 $0x88, s3;
	s6 =	simm.s32 @!p1 $0x1082;
	[sflag:s4] =	ssyncset.s32 $0xFFFFF086  }
0x25: {  	[simem:s6], [sflag:s4] =	dma.local [hbm:s3], $0xF7A  }
0x26: {  	[smem:$0x3F97] =	sst s1;
	(tag) =	ssettag s2;
	_ =	strace s9  }
0x27: {  	s1 =	sld [smem:$0x3FA7]  }
0x28: {  	s2 =	sld [smem:$0x3FA8]  }
0x29: {  	s4 =	sld [smem:$0x3FAA]  }
0x2a: {  	p0 =	seq.s32 s5, $0x0;
	s5 =	sld [smem:$0x3FAB]  }
0x2b: {  	s6 =	sld [smem:$0x3FAC]  }
0x2c: {  	s7 =	sld [smem:$0x3FAD]  }
0x2d: {  	s3 =	simm.s32 $0x108;
	s8 =	sld [smem:$0x3FAE]  }
0x2e: {  	s3 =	simm.s32 @!p0 $0x1082;
	s9 =	sld [smem:$0x3FAF]  }
0x2f: {  	lr =	sadd.s32 s0, s3;
	s0 =	sld [smem:$0x3FA6]  }
0x30: {  	s3 =	sld [smem:$0x3FA9]  }
0x31: {  	[smem:$0x3FB2] =	sst s10  }
0x32: {  	s10 =	sld [smem:$0x3FB0];
	_ =	sdelay $0x3  }
0x33: {  	p0 =	seq.s32 s10, $0x1;
	s10 =	sld [smem:$0x3FB2];
	_ =	sdelay $0x3  }
0x34: {  	[smem:$0x3FB2] =	sst s10  }
0x35: {  	s10 =	sld [smem:$0x3FB1];
	_ =	sdelay $0x3  }
0x36: {  	p1 =	seq.s32 s10, $0x1;
	s10 =	sld [smem:$0x3FB2];
	_ =	sdelay $0x3  }
0x37: {  	[smem:$0x3FB2] =	sst s10  }
0x38: {  	s10 =	sld [smem:$0x3FB3]  }
0x39: {  	_ = 	snop;
	(pc) =	sbr.ind lr, $3  }
0x3a: {  	_ = 	snop  }
0x3b: {  	_ = 	snop  }
0x3c: {  	p2 =	seq.s32 s10, $0x1;
	s10 =	sld [smem:$0x3FB2]  }
0x3d: {  	_ =	shalt  }
0x3e: {  	_ =	shalt  }
0x3f: {  	_ =	shalt  }
0x40: {  	_ =	shalt  }
0x41: {  	_ =	shalt  }
0x42: {  	_ =	shalt  }
0x43: {  	_ =	shalt  }
0x44: {  	_ =	shalt  }
0x45: {  	_ =	shalt  }
0x46: {  	_ =	shalt  }
0x47: {  	_ =	shalt  }
0x48: {  	_ =	shalt  }
0x49: {  	_ =	shalt  }
0x4a: {  	_ =	shalt  }
0x4b: {  	_ =	shalt  }
0x4c: {  	_ =	shalt  }
0x4d: {  	_ =	shalt  }
0x4e: {  	_ =	shalt  }
0x4f: {  	_ =	shalt  }
0x50: {  	_ =	shalt  }
0x51: {  	_ =	shalt  }
0x52: {  	_ =	shalt  }
0x53: {  	_ =	shalt  }
0x54: {  	_ =	shalt  }
0x55: {  	_ =	shalt  }
0x56: {  	_ =	shalt  }
0x57: {  	_ =	shalt  }
0x58: {  	_ =	shalt  }
0x59: {  	_ =	shalt  }
0x5a: {  	_ =	shalt  }
0x5b: {  	_ =	shalt  }
0x5c: {  	_ =	shalt  }
0x5d: {  	_ =	shalt  }
0x5e: {  	_ =	shalt  }
0x5f: {  	_ =	shalt  }
0x60: {  	_ =	shalt  }
0x61: {  	_ =	shalt  }
0x62: {  	_ =	shalt  }
0x63: {  	_ =	shalt  }
0x64: {  	_ =	shalt  }
0x65: {  	_ =	shalt  }
0x66: {  	_ =	shalt  }
0x67: {  	_ =	shalt  }
0x68: {  	_ =	shalt  }
0x69: {  	_ =	shalt  }
0x6a: {  	_ =	shalt  }
0x6b: {  	_ =	shalt  }
0x6c: {  	_ =	shalt  }
0x6d: {  	_ =	shalt  }
0x6e: {  	_ =	shalt  }
0x6f: {  	_ =	shalt  }
0x70: {  	_ =	shalt  }
0x71: {  	_ =	shalt  }
0x72: {  	_ =	shalt  }
0x73: {  	_ =	shalt  }
0x74: {  	_ =	shalt  }
0x75: {  	_ =	shalt  }
0x76: {  	_ =	shalt  }
0x77: {  	_ =	shalt  }
0x78: {  	_ =	shalt  }
0x79: {  	_ =	shalt  }
0x7a: {  	_ =	shalt  }
0x7b: {  	_ =	shalt  }
0x7c: {  	_ =	shalt  }
0x7d: {  	_ =	shalt  }
0x7e: {  	_ =	shalt  }
0x7f: {  	_ =	shalt  }
0x80: {  	_ =	shalt  }
0x81: {  	_ =	shalt  }
0x82: {  	_ =	shalt  }
0x83: {  	_ =	shalt  }
0x84: {  	_ =	shalt  }
0x85: {  	_ =	shalt  }
0x86: {  	_ =	shalt  }
0x87: {  	_ =	shalt  }
.Lfunc_end0:
.L_simem_size_0:
called_computation.2_lowered:
.L_overlay_start_0:
0x88: {  	s2 =	sld [smem:$0x3FD9]  }
0x89: {  	s3 =	sld [smem:$0x3FFE];
	_ =	sdelay $0x1  }
0x8a: {  	s1 =	srdreg.scid  }
0x8b: {  	s0 =	sand.u32 $0x1, s1  }
0x8c: {  	s17 =	sshll.u32 s0, $0xA;
	s2 =	sadd.s32 s3, s2  }
0x8d: {  	s2 =	sadd.s32 s2, s17  }
0x8e: {  	[smem:$0x3FBE] =	sst s2  }
0x8f: {  	_ = 	snop  }
0x90: {  	(tm) =	ssettm $0x1  }
0x91: {  	s18 =	sld [smem:$0x3FFB];
	_ =	sdelay $0x3  }
0x92: {  	_ =	strace s18  }
0x93: {  	s2 =	sld [smem:$0x3FFC];
	_ =	sdelay $0x3  }
0x94: {  	_ =	strace s2  }
0x95: {  	s2 =	sld [smem:$0x3FFD];
	_ =	sdelay $0x3  }
0x96: {  	_ =	strace s2  }
0x97: {  	_ =	strace $0x8FFFFFFF  }
0x98: {  	s19 =	sld [smem:$0x3FDB];
	_ =	sdelay $0x1  }
0x99: {  	s20 =	simm.s32 $_scs_section_size  }
0x9a: {  	s4 =	simm.s32 $_size__tile_overlayer_lowered;
	s5 =	simm.s32 $_tile_overlayer_lowered  }
0x9b: {  	s6 =	simm.s32 $0x1BFF;
	s21 =	sshll.u32 s5, $0x1;
	s3 =	sadd.s32 s20, s19  }
0x9c: {  	s22 =	simm.s32 $0x0;
	s4 =	sshll.u32 s4, $0x1;
	s5 =	sadd.s32 s21, s3  }
0x9d: {  	[timem:s22], [sflag:s6] =	dma.local [hbm:s5], s4  }
0x9e: {  	_ =	swait.ge [sflag:s6], s4  }
0x9f: {  	s4 =	ssub.s32 $0x0, s4;
	[sflag:s6] =	ssyncset.done $0x0  }
0xa0: {  	[sflag:s6] =	ssyncadd.s32 s4;
	_ =	sdelay $0x1  }
0xa1: {  	s23 =	simm.s32 $0x1B8B  }
0xa2: {  	_ =	swait.ge [sflag:s23], $0x1  }
0xa3: {  	[sflag:s23] =	ssyncset.done $0x0  }
0xa4: {  	[sflag:s23] =	ssyncadd.s32 $0xFFFFFFFF  }
0xa5: {  	s4 =	sld [smem:$0x0]  }
0xa6: {  	s5 =	sand.u32 $0xFFFFFFFE, s1  }
0xa7: {  	p0 =	sne.s32 s1, s5  }
0xa8: {  	s5 =	sshll.u32 @p0 s5, $0xE  }
0xa9: {  	s5 =	sadd.s32 @p0 $0x11B8D, s5;
	s6 =	sshll.u32 @p0 s4, $0x11  }
0xaa: {  	s5 =	sor.u32 @p0 s6, s5  }
0xab: {  	[sflag:s5] =	ssyncadd.remote.s32 @p0 $0x1;
	_ =	sdelay $0x1  }
0xac: {  	s5 =	simm.s32 @p0 $0x1B8D  }
0xad: {  	_ =	swait.eq @p0 [sflag:s5], $0x1  }
0xae: {  	[sflag:s5] =	ssyncadd.s32 @p0 $0xFFFFFFFF  }
0xaf: {  	s6 =	sshll.u32 @!p0 s1, $0xE  }
0xb0: {  	s6 =	sor.u32 @!p0 $0x4000, s6;
	s5 =	simm.s32 @!p0 $0x1B8D  }
0xb1: {  	s4 =	sshll.u32 @!p0 s4, $0x11;
	s6 =	sadd.s32 @!p0 $0x11B8D, s6;
	_ =	swait.eq @!p0 [sflag:s5], $0x1  }
0xb2: {  	s4 =	sor.u32 @!p0 s4, s6;
	[sflag:s5] =	ssyncadd.s32 @!p0 $0xFFFFFFFF  }
0xb3: {  	s25 =	simm.s32 $0x1B8E;
	s24 =	sld [smem:$0x3FFE];
	[sflag:s4] =	ssyncadd.remote.s32 @!p0 $0x1  }
0xb4: {  	s26 =	simm.s32 $execute0_lowered;
	[smem:$0x3FD2] =	sst s25  }
0xb5: {  	s5 =	sshll.u32 s26, $0x1;
	_ =	strace $0x8000004C;
	[dreg:$0x1] =	wrdreg $0xFFFFFFFF  }
0xb6: {  	s28 =	simm.s32 $_size_execute0_lowered;
	s3 =	sadd.s32 s3, s5;
	[dreg:$0x0] =	wrdreg $0x0  }
0xb7: {  	s5 =	sshll.u32 s28, $0x1;
	[dreg:$0x2] =	wrdreg s3  }
0xb8: {  	[dreg:$0x3] =	wrdreg s5  }
0xb9: {  	[dreg:$0x4] =	wrdreg $0xC0  }
0xba: {  	_ =	task [dreg:s22], $0x5FFFF  }
0xbb: {  	[dreg:$0x1] =	wrdreg $0xFFFFFFFF  }
0xbc: {  	[dreg:$0x0] =	wrdreg $0x60  }
0xbd: {  	[dreg:$0x2] =	wrdreg s24  }
0xbe: {  	[dreg:$0x3] =	wrdreg $0xB  }
0xbf: {  	_ =	task.clear_ibuf [dreg:s22], $0x4FFFF;
	_ =	strace $0x9000004C  }
0xc0: {  	s29 =	simm.s32 $0xB;
	_ =	strace $0x8000004E  }
0xc1: {  	_ =	swait.ge [sflag:s29], $0x1  }
0xc2: {  	[sflag:s29] =	ssyncadd.s32 $0xFFFFFFFF  }
0xc3: {  	_ =	strace $0x9000004E  }
0xc4: {  	_ =	sfence  }
0xc5: {  	s30 =	sld [smem:$0x0];
	_ =	sdelay $0x2  }
0xc6: {  	s31 =	sshll.u32 s1, $0xD;
	s1 =	sshrl.u32 s1, $0x2  }
0xc7: {  	s4 =	sand.u32 $0x4000, s31;
	s1 =	sadd.s32 s1, s30  }
0xc8: {  	s0 =	sor.u32 s4, s0;
	s1 =	sshll.u32 s1, $0x11  }
0xc9: {  	s0 =	sor.u32 s1, s0  }
0xca: {  	s0 =	sadd.s32 $0x8F2B, s0  }
0xcb: {  	[sflag:s0] =	ssyncadd.remote.s32 $0x1  }
0xcc: {  	_ =	sfence.sel $0xFFFF  }
0xcd: {  	[dreg:$0x0] =	wrdreg $0xFFFFFFFF;
	(pc) =	sbr.abs _section_cstart, $3  }
0xce: {  	[dreg:$0x1] =	wrdreg $0xFFFFFFFF  }
0xcf: {  	_ =	task.clear_ibuf [dreg:s22], $0x2FFFF;
	_ =	strace $0x9FFFFFFF  }
0xd0: {  	(tm) =	ssettm $0x7FFFFFFF  }
0xd1: {  	_ =	shalt  }
tec
execute0_lowered:
.L_overlay_start_1:
0x0: {  	(tag) =	ssettag $0x1  }
0x1: {  	s1 =	srdreg.scid;
	s0 =	stileid.u32  }
0x2: {  	s29 =	sand.u32 $0x1, s1;
	s31 =	sshll.u32 s0, $0x1  }
0x3: {  	s16 =	sor.u32 s29, s31  }
0x4: {  	s3 =	smul.u32 $0x12C, s16  }
0x5: {  	s13 =	rddreg [dreg:$0x0];
	s2 =	simm.s32 $0x0  }
0x6: {  	s4 =	simm.s32 $0x4;
	[smem:$0x7FF] =	sst s2;
	s5 =	sadd.s32 s3, s13  }
0x7: {  	s1 =	rddreg [dreg:$0x1];
	_ =	strace $0x8000004D;
	s3 =	sadd.s32 $0x120400, s5  }
0x8: {  	[tilespmem:s2], [sflag:$0x4] =	stream.linear.gather [hbm4b:s3+s2], $0x960, $0x38;
	[tilespmem:$0x1A300] =	vst v63  }
0x9: {  	_ =	swait.ge [sflag:s4], $0x960  }
0xa: {  	[sflag:s4] =	ssyncset.done $0x0  }
0xb: {  	s6 =	simm.s32 $0x980;
	s5 =	sadd.s32 $0x11DE00, s5;
	[sflag:s4] =	ssyncadd.s32 $0xFFFFF6A0  }
0xc: {  	[tilespmem:s6], [sflag:$0x4] =	stream.linear.gather [hbm4b:s5+s2], $0x960, $0x38;
	[tilespmem:$0x1A300] =	vst v63  }
0xd: {  	_ =	swait.ge [sflag:s4], $0x960  }
0xe: {  	s8 =	simm.s32 $0x190;
	s9 =	simm.s32 $0x1300;
	[sflag:s4] =	ssyncset.done $0x0  }
0xf: {  	s10 =	simm.s32 $0x1;
	s7 =	sadd.s32 $0x4600, s13;
	[sflag:s4] =	ssyncadd.s32 $0xFFFFF6A0  }
0x10: {  	[tilespmem:s9], [sflag:$0x1] =	stream.indirect.gather [hbm4b:s7+s8], $0x80, s2, s8, $0xb8;
	[tilespmem:$0x1A300] =	vst v63  }
0x11: {  	_ =	swait.ge [sflag:s10], $0xC800  }
0x12: {  	[sflag:s10] =	ssyncset.done $0x0  }
0x13: {  	s11 =	simm.s32 $0xDB00;
	[sflag:s10] =	ssyncadd.s32 $0xFFFF3800  }
0x14: {  	[tilespmem:s11], [sflag:$0x1] =	stream.indirect.gather [hbm4b:s7+s8], $0x80, s8, s8, $0xb8;
	[tilespmem:$0x1A300] =	vst v63  }
0x15: {  	s12 =	simm.s32 $0x2  }
0x16: {  	[tilespmem:s9], [sflag:$0x2] =	stream.indirect.gather.add.f32 [hbm:s7], $0x80, s6, s8, $0xb8;
	[tilespmem:$0x1A300] =	vst v63  }
0x17: {  	s14 =	smul.u32 $0x9600, s16;
	_ =	swait.ge [sflag:s12], $0xC800  }
0x18: {  	s17 =	sadd.s32 $0x12C200, s13;
	[sflag:s12] =	ssyncset.done $0x0  }
0x19: {  	s13 =	sadd.s32 s17, s14;
	[sflag:s12] =	ssyncadd.s32 $0xFFFF3800  }
0x1a: {  	[hbm4b:s13+s2] =	stream.linear.scatter [tilespmem:s9], [sflag:$0x3], $0xC800, $0x38;
	[tilespmem:$0x1A300] =	vst v63  }
0x1b: {  	_ =	swait.ge [sflag:s10], $0xC800  }
0x1c: {  	[sflag:s10] =	ssyncset.done $0x0  }
0x1d: {  	s14 =	simm.s32 $0x3;
	[sflag:s10] =	ssyncadd.s32 $0xFFFF3800  }
0x1e: {  	_ =	swait.ge [sflag:s14], $0xC800  }
0x1f: {  	[sflag:s14] =	ssyncset.done $0x0  }
0x20: {  	s15 =	simm.s32 $0x320;
	[sflag:s14] =	ssyncadd.s32 $0xFFFF3800  }
0x21: {  	[tilespmem:s9], [sflag:$0x1] =	stream.indirect.gather [hbm4b:s7+s8], $0x80, s15, s8, $0xb8;
	[tilespmem:$0x1A300] =	vst v63  }
0x22: {  	s18 =	smul.u32 $0x4B000, s16;
	s16 =	simm.s32 $0xB10  }
0x23: {  	[tilespmem:s11], [sflag:$0x2] =	stream.indirect.gather.add.f32 [hbm:s7], $0x80, s16, s8, $0xb8;
	[tilespmem:$0x1A300] =	vst v63  }
0x24: {  	s18 =	sshrl.u32 s18, $0x3;
	_ =	swait.ge [sflag:s12], $0xC800  }
0x25: {  	s30 =	sadd.s32 s17, s18;
	[sflag:s12] =	ssyncset.done $0x0  }
0x26: {  	s17 =	sadd.s32 $0x1900, s30;
	[sflag:s12] =	ssyncadd.s32 $0xFFFF3800  }
0x27: {  	[hbm4b:s17+s2] =	stream.linear.scatter [tilespmem:s11], [sflag:$0x3], $0xC800, $0x38;
	[tilespmem:$0x1A300] =	vst v63  }
0x28: {  	_ =	swait.ge [sflag:s10], $0xC800  }
0x29: {  	[sflag:s10] =	ssyncset.done $0x0  }
0x2a: {  	[sflag:s10] =	ssyncadd.s32 $0xFFFF3800  }
0x2b: {  	_ =	swait.ge [sflag:s14], $0xC800  }
0x2c: {  	[sflag:s14] =	ssyncset.done $0x0  }
0x2d: {  	s18 =	simm.s32 $0x4B0;
	[sflag:s14] =	ssyncadd.s32 $0xFFFF3800  }
0x2e: {  	[tilespmem:s11], [sflag:$0x1] =	stream.indirect.gather [hbm4b:s7+s8], $0x80, s18, s8, $0xb8;
	[tilespmem:$0x1A300] =	vst v63  }
0x2f: {  	s19 =	simm.s32 $0xCA0  }
0x30: {  	[tilespmem:s9], [sflag:$0x2] =	stream.indirect.gather.add.f32 [hbm:s7], $0x80, s19, s8, $0xb8;
	[tilespmem:$0x1A300] =	vst v63  }
0x31: {  	_ =	swait.ge [sflag:s12], $0xC800  }
0x32: {  	[sflag:s12] =	ssyncset.done $0x0  }
0x33: {  	s20 =	sadd.s32 $0x3200, s30;
	[sflag:s12] =	ssyncadd.s32 $0xFFFF3800  }
0x34: {  	[hbm4b:s20+s2] =	stream.linear.scatter [tilespmem:s9], [sflag:$0x3], $0xC800, $0x38;
	[tilespmem:$0x1A300] =	vst v63  }
0x35: {  	_ =	swait.ge [sflag:s10], $0xC800  }
0x36: {  	[sflag:s10] =	ssyncset.done $0x0  }
0x37: {  	[sflag:s10] =	ssyncadd.s32 $0xFFFF3800  }
0x38: {  	_ =	swait.ge [sflag:s14], $0xC800  }
0x39: {  	[sflag:s14] =	ssyncset.done $0x0  }
0x3a: {  	s21 =	simm.s32 $0x640;
	[sflag:s14] =	ssyncadd.s32 $0xFFFF3800  }
0x3b: {  	[tilespmem:s9], [sflag:$0x1] =	stream.indirect.gather [hbm4b:s7+s8], $0x80, s21, s8, $0xb8;
	[tilespmem:$0x1A300] =	vst v63  }
0x3c: {  	s22 =	simm.s32 $0xE30  }
0x3d: {  	[tilespmem:s11], [sflag:$0x2] =	stream.indirect.gather.add.f32 [hbm:s7], $0x80, s22, s8, $0xb8;
	[tilespmem:$0x1A300] =	vst v63  }
0x3e: {  	_ =	swait.ge [sflag:s12], $0xC800  }
0x3f: {  	[sflag:s12] =	ssyncset.done $0x0  }
0x40: {  	s23 =	sadd.s32 $0x4B00, s30;
	[sflag:s12] =	ssyncadd.s32 $0xFFFF3800  }
0x41: {  	[hbm4b:s23+s2] =	stream.linear.scatter [tilespmem:s11], [sflag:$0x3], $0xC800, $0x38;
	[tilespmem:$0x1A300] =	vst v63  }
0x42: {  	_ =	swait.ge [sflag:s10], $0xC800  }
0x43: {  	[sflag:s10] =	ssyncset.done $0x0  }
0x44: {  	[sflag:s10] =	ssyncadd.s32 $0xFFFF3800  }
0x45: {  	_ =	swait.ge [sflag:s14], $0xC800  }
0x46: {  	[sflag:s14] =	ssyncset.done $0x0  }
0x47: {  	s24 =	simm.s32 $0x7D0;
	[sflag:s14] =	ssyncadd.s32 $0xFFFF3800  }
0x48: {  	[tilespmem:s11], [sflag:$0x1] =	stream.indirect.gather [hbm4b:s7+s8], $0x80, s24, s8, $0xb8;
	[tilespmem:$0x1A300] =	vst v63  }
0x49: {  	s25 =	simm.s32 $0xFC0  }
0x4a: {  	[tilespmem:s9], [sflag:$0x2] =	stream.indirect.gather.add.f32 [hbm:s7], $0x80, s25, s8, $0xb8;
	[tilespmem:$0x1A300] =	vst v63  }
0x4b: {  	_ =	swait.ge [sflag:s12], $0xC800  }
0x4c: {  	[sflag:s12] =	ssyncset.done $0x0  }
0x4d: {  	s26 =	sadd.s32 $0x6400, s30;
	[sflag:s12] =	ssyncadd.s32 $0xFFFF3800  }
0x4e: {  	[hbm4b:s26+s2] =	stream.linear.scatter [tilespmem:s9], [sflag:$0x3], $0xC800, $0x38;
	[tilespmem:$0x1A300] =	vst v63  }
0x4f: {  	_ =	swait.ge [sflag:s10], $0xC800  }
0x50: {  	s28 =	simm.s32 $0x1150;
	s31 =	ssub.s32 $0x2, s29;
	[sflag:s10] =	ssyncset.done $0x0  }
0x51: {  	s29 =	sadd.s32 $0x7D00, s30;
	s30 =	sshrl.u32 s31, $0x1;
	[sflag:s10] =	ssyncadd.s32 $0xFFFF3800  }
0x52: {  	[tilespmem:s11], [sflag:$0x2] =	stream.indirect.gather.add.f32 [hbm:s7], $0x80, s28, s8, $0xb8;
	[tilespmem:$0x1A300] =	vst v63  }
0x53: {  	s30 =	ssub.s32 s31, s30;
	_ =	swait.ge [sflag:s12], $0xC800  }
0x54: {  	s30 =	smax.u32 s30, $0x1;
	[sflag:s12] =	ssyncset.done $0x0  }
0x55: {  	p0 =	sne.s32 s30, $0x1;
	[sflag:s12] =	ssyncadd.s32 $0xFFFF3800  }
0x56: {  	[hbm4b:s29+s2] =	stream.linear.scatter [tilespmem:s11], [sflag:$0x3], $0xC800, $0x38;
	[tilespmem:$0x1A300] =	vst v63  }
.Ltmp0:
0x57: {  	_ =	swait.ge [sflag:s14], $0xC800;
	(pc) =	sbr.rel @!p0 .LBB2_2-.Ltmp0, $4  }
0x58: {  	[sflag:s14] =	ssyncset.done $0x0  }
0x59: {  	[sflag:s14] =	ssyncadd.s32 $0xFFFF3800  }
0x5a: {  	_ =	swait.ge [sflag:s14], $0xC800  }
0x5b: {  	s30 =	sadd.s32 $0xFFFFFFFF, s30;
	[sflag:s14] =	ssyncset.done $0x0  }
.LBB2_1:
0x5c: {  	p0 =	sne.s32 s30, $0x1;
	s30 =	sadd.s32 $0xFFFFFFFF, s30;
	[sflag:s14] =	ssyncadd.s32 $0xFFFF3800  }
0x5d: {  	[tilespmem:s2], [sflag:$0x4] =	stream.linear.gather [hbm4b:s3+s2], $0x960, $0x38;
	[tilespmem:$0x1A300] =	vst v63  }
0x5e: {  	_ =	swait.ge [sflag:s4], $0x960  }
0x5f: {  	[sflag:s4] =	ssyncset.done $0x0  }
0x60: {  	[sflag:s4] =	ssyncadd.s32 $0xFFFFF6A0  }
0x61: {  	[tilespmem:s6], [sflag:$0x4] =	stream.linear.gather [hbm4b:s5+s2], $0x960, $0x38;
	[tilespmem:$0x1A300] =	vst v63  }
0x62: {  	_ =	swait.ge [sflag:s4], $0x960  }
0x63: {  	[sflag:s4] =	ssyncset.done $0x0  }
0x64: {  	[sflag:s4] =	ssyncadd.s32 $0xFFFFF6A0  }
0x65: {  	[tilespmem:s9], [sflag:$0x1] =	stream.indirect.gather [hbm4b:s7+s8], $0x80, s2, s8, $0xb8;
	[tilespmem:$0x1A300] =	vst v63  }
0x66: {  	_ =	swait.ge [sflag:s10], $0xC800  }
0x67: {  	[sflag:s10] =	ssyncset.done $0x0  }
0x68: {  	[sflag:s10] =	ssyncadd.s32 $0xFFFF3800  }
0x69: {  	[tilespmem:s11], [sflag:$0x1] =	stream.indirect.gather [hbm4b:s7+s8], $0x80, s8, s8, $0xb8;
	[tilespmem:$0x1A300] =	vst v63  }
0x6a: {  	_ = 	snop  }
0x6b: {  	[tilespmem:s9], [sflag:$0x2] =	stream.indirect.gather.add.f32 [hbm:s7], $0x80, s6, s8, $0xb8;
	[tilespmem:$0x1A300] =	vst v63  }
0x6c: {  	_ =	swait.ge [sflag:s12], $0xC800  }
0x6d: {  	[sflag:s12] =	ssyncset.done $0x0  }
0x6e: {  	[sflag:s12] =	ssyncadd.s32 $0xFFFF3800  }
0x6f: {  	[hbm4b:s13+s2] =	stream.linear.scatter [tilespmem:s9], [sflag:$0x3], $0xC800, $0x38;
	[tilespmem:$0x1A300] =	vst v63  }
0x70: {  	_ =	swait.ge [sflag:s10], $0xC800  }
0x71: {  	[sflag:s10] =	ssyncset.done $0x0  }
0x72: {  	[sflag:s10] =	ssyncadd.s32 $0xFFFF3800  }
0x73: {  	_ =	swait.ge [sflag:s14], $0xC800  }
0x74: {  	[sflag:s14] =	ssyncset.done $0x0  }
0x75: {  	[sflag:s14] =	ssyncadd.s32 $0xFFFF3800  }
0x76: {  	[tilespmem:s9], [sflag:$0x1] =	stream.indirect.gather [hbm4b:s7+s8], $0x80, s15, s8, $0xb8;
	[tilespmem:$0x1A300] =	vst v63  }
0x77: {  	_ = 	snop  }
0x78: {  	[tilespmem:s11], [sflag:$0x2] =	stream.indirect.gather.add.f32 [hbm:s7], $0x80, s16, s8, $0xb8;
	[tilespmem:$0x1A300] =	vst v63  }
0x79: {  	_ =	swait.ge [sflag:s12], $0xC800  }
0x7a: {  	[sflag:s12] =	ssyncset.done $0x0  }
0x7b: {  	[sflag:s12] =	ssyncadd.s32 $0xFFFF3800  }
0x7c: {  	[hbm4b:s17+s2] =	stream.linear.scatter [tilespmem:s11], [sflag:$0x3], $0xC800, $0x38;
	[tilespmem:$0x1A300] =	vst v63  }
0x7d: {  	_ =	swait.ge [sflag:s10], $0xC800  }
0x7e: {  	[sflag:s10] =	ssyncset.done $0x0  }
0x7f: {  	[sflag:s10] =	ssyncadd.s32 $0xFFFF3800  }
0x80: {  	_ =	swait.ge [sflag:s14], $0xC800  }
0x81: {  	[sflag:s14] =	ssyncset.done $0x0  }
0x82: {  	[sflag:s14] =	ssyncadd.s32 $0xFFFF3800  }
0x83: {  	[tilespmem:s11], [sflag:$0x1] =	stream.indirect.gather [hbm4b:s7+s8], $0x80, s18, s8, $0xb8;
	[tilespmem:$0x1A300] =	vst v63  }
0x84: {  	_ = 	snop  }
0x85: {  	[tilespmem:s9], [sflag:$0x2] =	stream.indirect.gather.add.f32 [hbm:s7], $0x80, s19, s8, $0xb8;
	[tilespmem:$0x1A300] =	vst v63  }
0x86: {  	_ =	swait.ge [sflag:s12], $0xC800  }
0x87: {  	[sflag:s12] =	ssyncset.done $0x0  }
0x88: {  	[sflag:s12] =	ssyncadd.s32 $0xFFFF3800  }
0x89: {  	[hbm4b:s20+s2] =	stream.linear.scatter [tilespmem:s9], [sflag:$0x3], $0xC800, $0x38;
	[tilespmem:$0x1A300] =	vst v63  }
0x8a: {  	_ =	swait.ge [sflag:s10], $0xC800  }
0x8b: {  	[sflag:s10] =	ssyncset.done $0x0  }
0x8c: {  	[sflag:s10] =	ssyncadd.s32 $0xFFFF3800  }
0x8d: {  	_ =	swait.ge [sflag:s14], $0xC800  }
0x8e: {  	[sflag:s14] =	ssyncset.done $0x0  }
0x8f: {  	[sflag:s14] =	ssyncadd.s32 $0xFFFF3800  }
0x90: {  	[tilespmem:s9], [sflag:$0x1] =	stream.indirect.gather [hbm4b:s7+s8], $0x80, s21, s8, $0xb8;
	[tilespmem:$0x1A300] =	vst v63  }
0x91: {  	_ = 	snop  }
0x92: {  	[tilespmem:s11], [sflag:$0x2] =	stream.indirect.gather.add.f32 [hbm:s7], $0x80, s22, s8, $0xb8;
	[tilespmem:$0x1A300] =	vst v63  }
0x93: {  	_ =	swait.ge [sflag:s12], $0xC800  }
0x94: {  	[sflag:s12] =	ssyncset.done $0x0  }
0x95: {  	[sflag:s12] =	ssyncadd.s32 $0xFFFF3800  }
0x96: {  	[hbm4b:s23+s2] =	stream.linear.scatter [tilespmem:s11], [sflag:$0x3], $0xC800, $0x38;
	[tilespmem:$0x1A300] =	vst v63  }
0x97: {  	_ =	swait.ge [sflag:s10], $0xC800  }
0x98: {  	[sflag:s10] =	ssyncset.done $0x0  }
0x99: {  	[sflag:s10] =	ssyncadd.s32 $0xFFFF3800  }
0x9a: {  	_ =	swait.ge [sflag:s14], $0xC800  }
0x9b: {  	[sflag:s14] =	ssyncset.done $0x0  }
0x9c: {  	[sflag:s14] =	ssyncadd.s32 $0xFFFF3800  }
0x9d: {  	[tilespmem:s11], [sflag:$0x1] =	stream.indirect.gather [hbm4b:s7+s8], $0x80, s24, s8, $0xb8;
	[tilespmem:$0x1A300] =	vst v63  }
0x9e: {  	_ = 	snop  }
0x9f: {  	[tilespmem:s9], [sflag:$0x2] =	stream.indirect.gather.add.f32 [hbm:s7], $0x80, s25, s8, $0xb8;
	[tilespmem:$0x1A300] =	vst v63  }
0xa0: {  	_ =	swait.ge [sflag:s12], $0xC800  }
0xa1: {  	[sflag:s12] =	ssyncset.done $0x0  }
0xa2: {  	[sflag:s12] =	ssyncadd.s32 $0xFFFF3800  }
0xa3: {  	[hbm4b:s26+s2] =	stream.linear.scatter [tilespmem:s9], [sflag:$0x3], $0xC800, $0x38;
	[tilespmem:$0x1A300] =	vst v63  }
0xa4: {  	_ =	swait.ge [sflag:s10], $0xC800  }
0xa5: {  	[sflag:s10] =	ssyncset.done $0x0  }
0xa6: {  	[sflag:s10] =	ssyncadd.s32 $0xFFFF3800  }
0xa7: {  	[tilespmem:s11], [sflag:$0x2] =	stream.indirect.gather.add.f32 [hbm:s7], $0x80, s28, s8, $0xb8;
	[tilespmem:$0x1A300] =	vst v63  }
0xa8: {  	_ =	swait.ge [sflag:s12], $0xC800  }
0xa9: {  	[sflag:s12] =	ssyncset.done $0x0  }
0xaa: {  	[sflag:s12] =	ssyncadd.s32 $0xFFFF3800  }
0xab: {  	[hbm4b:s29+s2] =	stream.linear.scatter [tilespmem:s11], [sflag:$0x3], $0xC800, $0x38;
	[tilespmem:$0x1A300] =	vst v63  }
.Ltmp1:
0xac: {  	_ =	swait.ge [sflag:s14], $0xC800;
	(pc) =	sbr.rel @p0 .LBB2_1-.Ltmp1, $4  }
0xad: {  	[sflag:s14] =	ssyncset.done $0x0  }
0xae: {  	[sflag:s14] =	ssyncadd.s32 $0xFFFF3800  }
0xaf: {  	_ =	swait.ge [sflag:s14], $0xC800  }
0xb0: {  	[sflag:s14] =	ssyncset.done $0x0  }
.LBB2_2:
0xb1: {  	[sflag:s14] =	ssyncadd.s32 $0xFFFF3800  }
0xb2: {  	_ =	sfence.sel $0x180000  }
0xb3: {  	[bflag:$0x0] =	sbarrier.arrive $0xFFFF  }
0xb4: {  	p0 =	sne.s32 s0, $0x0;
	_ =	strace $0x9000004D  }
0xb5: {  	s0 =	sadd.s32 @!p0 $0x100000, s1;
	[bflag:$0x2] =	sbarrier.arrive $0xFFFF  }
0xb6: {  	[sflag:s0] =	ssyncadd.tile.s32 @!p0 $0x1;
	_ =	shalt  }
.Lfunc_end2:
_tile_overlayer_lowered:
.L_overlay_start_2:
0xb7: {  	(tag) =	ssettag $0x2  }
0xb8: {  	s0 =	rddreg [dreg:$0x0];
	s2 =	stileid.u32  }
0xb9: {  	s1 =	rddreg [dreg:$0x1];
	p0 =	sne.s32 s2, $0x0  }
0xba: {  	s3 =	rddreg [dreg:$0x2];
	[bflag:$0x3] =	sbarrier.arrive $0xFFFF;
	s2 =	simm.s32 @!p0 $0x1C04  }
0xbb: {  	[timem:s3], [sflag:s2] =	dma.local @!p0 [hbm:s0], s1  }
0xbc: {  	s0 =	simm.s32 @!p0 $0x4  }
0xbd: {  	_ =	swait.ge @!p0 [sflag:s0], s1  }
0xbe: {  	s1 =	ssub.s32 @!p0 $0x0, s1;
	[sflag:s0] =	ssyncset.done @!p0 $0x0  }
0xbf: {  	[sflag:s0] =	ssyncadd.s32 @!p0 s1  }
0xc0: {  	[bflag:$0x3] =	sbarrier.arrive $0xFFFF  }
0xc1: {  	_ =	shalt  }

// kernel: kernel.22.cloned.1.call-start
scs
__scs_entry_jumppad:
0x0: {  	(pc) =	sbr.rel $0x88, $3  }
0x1: {  	(tag) =	ssettag $0x0;
	lr =	simm.s32 $0x1  }
0x2: {  	[smem:$0x3F97] =	sst lr;
	_ =	strace $0xD0000000  }
0x3: {  	_ = 	snop  }
0x4: {  	_ = 	snop  }
0x5: {  	_ = 	snop  }
0x6: {  	_ = 	snop  }
0x7: {  	_ = 	snop  }
__scs_overlays_trampoline_lowered:
0x8: {  	[smem:$0x3FA6] =	sst s0  }
0x9: {  	[smem:$0x3FA7] =	sst s1  }
0xa: {  	[smem:$0x3FA8] =	sst s2  }
0xb: {  	[smem:$0x3FA9] =	sst s3  }
0xc: {  	[smem:$0x3FAA] =	sst s4  }
0xd: {  	[smem:$0x3FAB] =	sst s5  }
0xe: {  	[smem:$0x3FAC] =	sst s6  }
0xf: {  	[smem:$0x3FAD] =	sst s7  }
0x10: {  	[smem:$0x3FAE] =	sst s8  }
0x11: {  	[smem:$0x3FAF] =	sst s9;
	s0 =	simm.s32 @!p0 $0x0  }
0x12: {  	s1 =	sld [smem:$0x3F95];
	s0 =	simm.s32 @p0 $0x1  }
0x13: {  	[smem:$0x3FB0] =	sst s0;
	s0 =	simm.s32 @!p1 $0x0  }
0x14: {  	s2 =	sld [smem:$0x3F94];
	s0 =	simm.s32 @p1 $0x1  }
0x15: {  	[smem:$0x3FB1] =	sst s0;
	s0 =	simm.s32 @!p2 $0x0  }
0x16: {  	s3 =	sld [smem:$0x3FDB];
	s0 =	simm.s32 @p2 $0x1  }
0x17: {  	s4 =	simm.s32 $0x1BF5;
	[smem:$0x3FB3] =	sst s0  }
0x18: {  	s0 =	sld [smem:$0x3F96];
	_ =	swait.ge [sflag:s4], $0x0  }
0x19: {  	s7 =	sld [smem:$0x3F97]  }
0x1a: {  	s8 =	sadd.s32 $0xFFFFE003, lr  }
0x1b: {  	s9 =	sadd.s32 $0xFFFFFEF7, lr;
	s5 =	simm.s32 $0xFFFFFFFF;
	p2 =	slt.u32 s8, $0xFFFFF086  }
0x1c: {  	p1 =	slt.u32 s9, $0xF7A;
	s5 =	simm.s32 @!p2 $0x0  }
0x1d: {  	s5 =	simm.s32 @p1 $0x1;
	p0 =	seq.s32 s7, s2  }
0x1e: {  	s7 =	smul.u32 @!p0 $0xF7A, s2;
	p2 =	seq.s32 @!p0 s5, $0x0  }
0x1f: {  	s9 =	smul.u32 $0xF7A, s1;
	s8 =	simm.s32 @!p0 $0x1BF5;
	p2 =	por !p2, p0  }
0x20: {  	[sflag:s8] =	ssyncset.s32 @!p0 $0xFFFFF086;
	s6 =	sadd.s32 @!p0 s3, s7;
	s7 =	simm.s32 @!p0 $0x108  }
0x21: {  	s3 =	sadd.s32 s3, s9;
	s6 =	sadd.s32 @!p0 $0x88, s6;
	s7 =	simm.s32 @p2 $0x1082  }
0x22: {  	[simem:s7], [sflag:s8] =	dma.local @!p0 [hbm:s6], $0xF7A  }
0x23: {  	s9 =	sor.u32 $0xD0000000, s2;
	s6 =	simm.s32 $0x108;
	_ =	swait.ge @!p0 [sflag:s8], $0x0  }
0x24: {  	s3 =	sadd.s32 $0x88, s3;
	s6 =	simm.s32 @!p1 $0x1082;
	[sflag:s4] =	ssyncset.s32 $0xFFFFF086  }
0x25: {  	[simem:s6], [sflag:s4] =	dma.local [hbm:s3], $0xF7A  }
0x26: {  	[smem:$0x3F97] =	sst s1;
	(tag) =	ssettag s2;
	_ =	strace s9  }
0x27: {  	s1 =	sld [smem:$0x3FA7]  }
0x28: {  	s2 =	sld [smem:$0x3FA8]  }
0x29: {  	s4 =	sld [smem:$0x3FAA]  }
0x2a: {  	p0 =	seq.s32 s5, $0x0;
	s5 =	sld [smem:$0x3FAB]  }
0x2b: {  	s6 =	sld [smem:$0x3FAC]  }
0x2c: {  	s7 =	sld [smem:$0x3FAD]  }
0x2d: {  	s3 =	simm.s32 $0x108;
	s8 =	sld [smem:$0x3FAE]  }
0x2e: {  	s3 =	simm.s32 @!p0 $0x1082;
	s9 =	sld [smem:$0x3FAF]  }
0x2f: {  	lr =	sadd.s32 s0, s3;
	s0 =	sld [smem:$0x3FA6]  }
0x30: {  	s3 =	sld [smem:$0x3FA9]  }
0x31: {  	[smem:$0x3FB2] =	sst s10  }
0x32: {  	s10 =	sld [smem:$0x3FB0];
	_ =	sdelay $0x3  }
0x33: {  	p0 =	seq.s32 s10, $0x1;
	s10 =	sld [smem:$0x3FB2];
	_ =	sdelay $0x3  }
0x34: {  	[smem:$0x3FB2] =	sst s10  }
0x35: {  	s10 =	sld [smem:$0x3FB1];
	_ =	sdelay $0x3  }
0x36: {  	p1 =	seq.s32 s10, $0x1;
	s10 =	sld [smem:$0x3FB2];
	_ =	sdelay $0x3  }
0x37: {  	[smem:$0x3FB2] =	sst s10  }
0x38: {  	s10 =	sld [smem:$0x3FB3]  }
0x39: {  	_ = 	snop;
	(pc) =	sbr.ind lr, $3  }
0x3a: {  	_ = 	snop  }
0x3b: {  	_ = 	snop  }
0x3c: {  	p2 =	seq.s32 s10, $0x1;
	s10 =	sld [smem:$0x3FB2]  }
0x3d: {  	_ =	shalt  }
0x3e: {  	_ =	shalt  }
0x3f: {  	_ =	shalt  }
0x40: {  	_ =	shalt  }
0x41: {  	_ =	shalt  }
0x42: {  	_ =	shalt  }
0x43: {  	_ =	shalt  }
0x44: {  	_ =	shalt  }
0x45: {  	_ =	shalt  }
0x46: {  	_ =	shalt  }
0x47: {  	_ =	shalt  }
0x48: {  	_ =	shalt  }
0x49: {  	_ =	shalt  }
0x4a: {  	_ =	shalt  }
0x4b: {  	_ =	shalt  }
0x4c: {  	_ =	shalt  }
0x4d: {  	_ =	shalt  }
0x4e: {  	_ =	shalt  }
0x4f: {  	_ =	shalt  }
0x50: {  	_ =	shalt  }
0x51: {  	_ =	shalt  }
0x52: {  	_ =	shalt  }
0x53: {  	_ =	shalt  }
0x54: {  	_ =	shalt  }
0x55: {  	_ =	shalt  }
0x56: {  	_ =	shalt  }
0x57: {  	_ =	shalt  }
0x58: {  	_ =	shalt  }
0x59: {  	_ =	shalt  }
0x5a: {  	_ =	shalt  }
0x5b: {  	_ =	shalt  }
0x5c: {  	_ =	shalt  }
0x5d: {  	_ =	shalt  }
0x5e: {  	_ =	shalt  }
0x5f: {  	_ =	shalt  }
0x60: {  	_ =	shalt  }
0x61: {  	_ =	shalt  }
0x62: {  	_ =	shalt  }
0x63: {  	_ =	shalt  }
0x64: {  	_ =	shalt  }
0x65: {  	_ =	shalt  }
0x66: {  	_ =	shalt  }
0x67: {  	_ =	shalt  }
0x68: {  	_ =	shalt  }
0x69: {  	_ =	shalt  }
0x6a: {  	_ =	shalt  }
0x6b: {  	_ =	shalt  }
0x6c: {  	_ =	shalt  }
0x6d: {  	_ =	shalt  }
0x6e: {  	_ =	shalt  }
0x6f: {  	_ =	shalt  }
0x70: {  	_ =	shalt  }
0x71: {  	_ =	shalt  }
0x72: {  	_ =	shalt  }
0x73: {  	_ =	shalt  }
0x74: {  	_ =	shalt  }
0x75: {  	_ =	shalt  }
0x76: {  	_ =	shalt  }
0x77: {  	_ =	shalt  }
0x78: {  	_ =	shalt  }
0x79: {  	_ =	shalt  }
0x7a: {  	_ =	shalt  }
0x7b: {  	_ =	shalt  }
0x7c: {  	_ =	shalt  }
0x7d: {  	_ =	shalt  }
0x7e: {  	_ =	shalt  }
0x7f: {  	_ =	shalt  }
0x80: {  	_ =	shalt  }
0x81: {  	_ =	shalt  }
0x82: {  	_ =	shalt  }
0x83: {  	_ =	shalt  }
0x84: {  	_ =	shalt  }
0x85: {  	_ =	shalt  }
0x86: {  	_ =	shalt  }
0x87: {  	_ =	shalt  }
.Lfunc_end0:
.L_simem_size_0:
called_computation.3_lowered:
.L_overlay_start_0:
0x88: {  	s2 =	sld [smem:$0x3FD9]  }
0x89: {  	s3 =	sld [smem:$0x3FFE];
	_ =	sdelay $0x1  }
0x8a: {  	s1 =	srdreg.scid  }
0x8b: {  	s0 =	sand.u32 $0x1, s1  }
0x8c: {  	s17 =	sshll.u32 s0, $0xA;
	s2 =	sadd.s32 s3, s2  }
0x8d: {  	s2 =	sadd.s32 s2, s17  }
0x8e: {  	[smem:$0x3FBE] =	sst s2  }
0x8f: {  	_ = 	snop  }
0x90: {  	(tm) =	ssettm $0x1  }
0x91: {  	s18 =	sld [smem:$0x3FFB];
	_ =	sdelay $0x3  }
0x92: {  	_ =	strace s18  }
0x93: {  	s2 =	sld [smem:$0x3FFC];
	_ =	sdelay $0x3  }
0x94: {  	_ =	strace s2  }
0x95: {  	s2 =	sld [smem:$0x3FFD];
	_ =	sdelay $0x3  }
0x96: {  	_ =	strace s2  }
0x97: {  	_ =	strace $0x8FFFFFFF  }
0x98: {  	s19 =	sld [smem:$0x3FDB];
	_ =	sdelay $0x1  }
0x99: {  	s20 =	simm.s32 $_scs_section_size  }
0x9a: {  	s4 =	simm.s32 $_size__tile_overlayer_lowered;
	s5 =	simm.s32 $_tile_overlayer_lowered  }
0x9b: {  	s6 =	simm.s32 $0x1BFF;
	s21 =	sshll.u32 s5, $0x1;
	s3 =	sadd.s32 s20, s19  }
0x9c: {  	s22 =	simm.s32 $0x0;
	s4 =	sshll.u32 s4, $0x1;
	s5 =	sadd.s32 s21, s3  }
0x9d: {  	[timem:s22], [sflag:s6] =	dma.local [hbm:s5], s4  }
0x9e: {  	_ =	swait.ge [sflag:s6], s4  }
0x9f: {  	s4 =	ssub.s32 $0x0, s4;
	[sflag:s6] =	ssyncset.done $0x0  }
0xa0: {  	[sflag:s6] =	ssyncadd.s32 s4;
	_ =	sdelay $0x1  }
0xa1: {  	s23 =	simm.s32 $0x1B8B  }
0xa2: {  	_ =	swait.ge [sflag:s23], $0x1  }
0xa3: {  	[sflag:s23] =	ssyncset.done $0x0  }
0xa4: {  	[sflag:s23] =	ssyncadd.s32 $0xFFFFFFFF  }
0xa5: {  	s4 =	sld [smem:$0x0]  }
0xa6: {  	s5 =	sand.u32 $0xFFFFFFFE, s1  }
0xa7: {  	p0 =	sne.s32 s1, s5  }
0xa8: {  	s5 =	sshll.u32 @p0 s5, $0xE  }
0xa9: {  	s5 =	sadd.s32 @p0 $0x11B8D, s5;
	s6 =	sshll.u32 @p0 s4, $0x11  }
0xaa: {  	s5 =	sor.u32 @p0 s6, s5  }
0xab: {  	[sflag:s5] =	ssyncadd.remote.s32 @p0 $0x1;
	_ =	sdelay $0x1  }
0xac: {  	s5 =	simm.s32 @p0 $0x1B8D  }
0xad: {  	_ =	swait.eq @p0 [sflag:s5], $0x1  }
0xae: {  	[sflag:s5] =	ssyncadd.s32 @p0 $0xFFFFFFFF  }
0xaf: {  	s6 =	sshll.u32 @!p0 s1, $0xE  }
0xb0: {  	s6 =	sor.u32 @!p0 $0x4000, s6;
	s5 =	simm.s32 @!p0 $0x1B8D  }
0xb1: {  	s4 =	sshll.u32 @!p0 s4, $0x11;
	s6 =	sadd.s32 @!p0 $0x11B8D, s6;
	_ =	swait.eq @!p0 [sflag:s5], $0x1  }
0xb2: {  	s4 =	sor.u32 @!p0 s4, s6;
	[sflag:s5] =	ssyncadd.s32 @!p0 $0xFFFFFFFF  }
0xb3: {  	s25 =	simm.s32 $0x1B8E;
	s24 =	sld [smem:$0x3FFE];
	[sflag:s4] =	ssyncadd.remote.s32 @!p0 $0x1  }
0xb4: {  	s26 =	simm.s32 $execute0_lowered;
	[smem:$0x3FD2] =	sst s25  }
0xb5: {  	s5 =	sshll.u32 s26, $0x1;
	_ =	strace $0x8000004F;
	[dreg:$0x1] =	wrdreg $0xFFFFFFFF  }
0xb6: {  	s28 =	simm.s32 $_size_execute0_lowered;
	s3 =	sadd.s32 s3, s5;
	[dreg:$0x0] =	wrdreg $0x0  }
0xb7: {  	s5 =	sshll.u32 s28, $0x1;
	[dreg:$0x2] =	wrdreg s3  }
0xb8: {  	[dreg:$0x3] =	wrdreg s5  }
0xb9: {  	[dreg:$0x4] =	wrdreg $0xC0  }
0xba: {  	_ =	task [dreg:s22], $0x5FFFF  }
0xbb: {  	[dreg:$0x1] =	wrdreg $0xFFFFFFFF  }
0xbc: {  	[dreg:$0x0] =	wrdreg $0x60  }
0xbd: {  	[dreg:$0x2] =	wrdreg s24  }
0xbe: {  	[dreg:$0x3] =	wrdreg $0xC  }
0xbf: {  	_ =	task.clear_ibuf [dreg:s22], $0x4FFFF;
	_ =	strace $0x9000004F  }
0xc0: {  	s29 =	simm.s32 $0xC;
	_ =	strace $0x80000051  }
0xc1: {  	_ =	swait.ge [sflag:s29], $0x1  }
0xc2: {  	[sflag:s29] =	ssyncadd.s32 $0xFFFFFFFF  }
0xc3: {  	_ =	strace $0x90000051  }
0xc4: {  	_ =	sfence  }
0xc5: {  	s30 =	sld [smem:$0x0];
	_ =	sdelay $0x2  }
0xc6: {  	s31 =	sshll.u32 s1, $0xD;
	s1 =	sshrl.u32 s1, $0x2  }
0xc7: {  	s4 =	sand.u32 $0x4000, s31;
	s1 =	sadd.s32 s1, s30  }
0xc8: {  	s0 =	sor.u32 s4, s0;
	s1 =	sshll.u32 s1, $0x11  }
0xc9: {  	s0 =	sor.u32 s1, s0  }
0xca: {  	s0 =	sadd.s32 $0x8F2B, s0  }
0xcb: {  	[sflag:s0] =	ssyncadd.remote.s32 $0x1  }
0xcc: {  	_ =	sfence.sel $0xFFFF  }
0xcd: {  	[dreg:$0x0] =	wrdreg $0xFFFFFFFF;
	(pc) =	sbr.abs _section_cstart, $3  }
0xce: {  	[dreg:$0x1] =	wrdreg $0xFFFFFFFF  }
0xcf: {  	_ =	task.clear_ibuf [dreg:s22], $0x2FFFF;
	_ =	strace $0x9FFFFFFF  }
0xd0: {  	(tm) =	ssettm $0x7FFFFFFF  }
0xd1: {  	_ =	shalt  }
tec
execute0_lowered:
.L_overlay_start_1:
0x0: {  	(tag) =	ssettag $0x1  }
0x1: {  	s1 =	srdreg.scid;
	s0 =	stileid.u32  }
0x2: {  	s29 =	sand.u32 $0x1, s1;
	s31 =	sshll.u32 s0, $0x1  }
0x3: {  	s16 =	sor.u32 s29, s31  }
0x4: {  	s3 =	smul.u32 $0x12C, s16  }
0x5: {  	s13 =	rddreg [dreg:$0x0];
	s2 =	simm.s32 $0x0  }
0x6: {  	s4 =	simm.s32 $0x4;
	[smem:$0x7FF] =	sst s2;
	s5 =	sadd.s32 s3, s13  }
0x7: {  	s1 =	rddreg [dreg:$0x1];
	_ =	strace $0x80000050;
	s3 =	sadd.s32 $0x125000, s5  }
0x8: {  	[tilespmem:s2], [sflag:$0x4] =	stream.linear.gather [hbm4b:s3+s2], $0x960, $0x38;
	[tilespmem:$0x1A300] =	vst v63  }
0x9: {  	_ =	swait.ge [sflag:s4], $0x960  }
0xa: {  	[sflag:s4] =	ssyncset.done $0x0  }
0xb: {  	s6 =	simm.s32 $0x980;
	s5 =	sadd.s32 $0x122A00, s5;
	[sflag:s4] =	ssyncadd.s32 $0xFFFFF6A0  }
0xc: {  	[tilespmem:s6], [sflag:$0x4] =	stream.linear.gather [hbm4b:s5+s2], $0x960, $0x38;
	[tilespmem:$0x1A300] =	vst v63  }
0xd: {  	_ =	swait.ge [sflag:s4], $0x960  }
0xe: {  	s8 =	simm.s32 $0x190;
	s9 =	simm.s32 $0x1300;
	[sflag:s4] =	ssyncset.done $0x0  }
0xf: {  	s10 =	simm.s32 $0x1;
	s7 =	sadd.s32 $0x4600, s13;
	[sflag:s4] =	ssyncadd.s32 $0xFFFFF6A0  }
0x10: {  	[tilespmem:s9], [sflag:$0x1] =	stream.indirect.gather [hbm4b:s7+s8], $0x80, s2, s8, $0xb8;
	[tilespmem:$0x1A300] =	vst v63  }
0x11: {  	_ =	swait.ge [sflag:s10], $0xC800  }
0x12: {  	[sflag:s10] =	ssyncset.done $0x0  }
0x13: {  	s11 =	simm.s32 $0xDB00;
	[sflag:s10] =	ssyncadd.s32 $0xFFFF3800  }
0x14: {  	[tilespmem:s11], [sflag:$0x1] =	stream.indirect.gather [hbm4b:s7+s8], $0x80, s8, s8, $0xb8;
	[tilespmem:$0x1A300] =	vst v63  }
0x15: {  	s12 =	simm.s32 $0x2  }
0x16: {  	[tilespmem:s9], [sflag:$0x2] =	stream.indirect.gather.add.f32 [hbm:s7], $0x80, s6, s8, $0xb8;
	[tilespmem:$0x1A300] =	vst v63  }
0x17: {  	s14 =	smul.u32 $0x9600, s16;
	_ =	swait.ge [sflag:s12], $0xC800  }
0x18: {  	s17 =	sadd.s32 $0x258200, s13;
	[sflag:s12] =	ssyncset.done $0x0  }
0x19: {  	s13 =	sadd.s32 s17, s14;
	[sflag:s12] =	ssyncadd.s32 $0xFFFF3800  }
0x1a: {  	[hbm4b:s13+s2] =	stream.linear.scatter [tilespmem:s9], [sflag:$0x3], $0xC800, $0x38;
	[tilespmem:$0x1A300] =	vst v63  }
0x1b: {  	_ =	swait.ge [sflag:s10], $0xC800  }
0x1c: {  	[sflag:s10] =	ssyncset.done $0x0  }
0x1d: {  	s14 =	simm.s32 $0x3;
	[sflag:s10] =	ssyncadd.s32 $0xFFFF3800  }
0x1e: {  	_ =	swait.ge [sflag:s14], $0xC800  }
0x1f: {  	[sflag:s14] =	ssyncset.done $0x0  }
0x20: {  	s15 =	simm.s32 $0x320;
	[sflag:s14] =	ssyncadd.s32 $0xFFFF3800  }
0x21: {  	[tilespmem:s9], [sflag:$0x1] =	stream.indirect.gather [hbm4b:s7+s8], $0x80, s15, s8, $0xb8;
	[tilespmem:$0x1A300] =	vst v63  }
0x22: {  	s18 =	smul.u32 $0x4B000, s16;
	s16 =	simm.s32 $0xB10  }
0x23: {  	[tilespmem:s11], [sflag:$0x2] =	stream.indirect.gather.add.f32 [hbm:s7], $0x80, s16, s8, $0xb8;
	[tilespmem:$0x1A300] =	vst v63  }
0x24: {  	s18 =	sshrl.u32 s18, $0x3;
	_ =	swait.ge [sflag:s12], $0xC800  }
0x25: {  	s30 =	sadd.s32 s17, s18;
	[sflag:s12] =	ssyncset.done $0x0  }
0x26: {  	s17 =	sadd.s32 $0x1900, s30;
	[sflag:s12] =	ssyncadd.s32 $0xFFFF3800  }
0x27: {  	[hbm4b:s17+s2] =	stream.linear.scatter [tilespmem:s11], [sflag:$0x3], $0xC800, $0x38;
	[tilespmem:$0x1A300] =	vst v63  }
0x28: {  	_ =	swait.ge [sflag:s10], $0xC800  }
0x29: {  	[sflag:s10] =	ssyncset.done $0x0  }
0x2a: {  	[sflag:s10] =	ssyncadd.s32 $0xFFFF3800  }
0x2b: {  	_ =	swait.ge [sflag:s14], $0xC800  }
0x2c: {  	[sflag:s14] =	ssyncset.done $0x0  }
0x2d: {  	s18 =	simm.s32 $0x4B0;
	[sflag:s14] =	ssyncadd.s32 $0xFFFF3800  }
0x2e: {  	[tilespmem:s11], [sflag:$0x1] =	stream.indirect.gather [hbm4b:s7+s8], $0x80, s18, s8, $0xb8;
	[tilespmem:$0x1A300] =	vst v63  }
0x2f: {  	s19 =	simm.s32 $0xCA0  }
0x30: {  	[tilespmem:s9], [sflag:$0x2] =	stream.indirect.gather.add.f32 [hbm:s7], $0x80, s19, s8, $0xb8;
	[tilespmem:$0x1A300] =	vst v63  }
0x31: {  	_ =	swait.ge [sflag:s12], $0xC800  }
0x32: {  	[sflag:s12] =	ssyncset.done $0x0  }
0x33: {  	s20 =	sadd.s32 $0x3200, s30;
	[sflag:s12] =	ssyncadd.s32 $0xFFFF3800  }
0x34: {  	[hbm4b:s20+s2] =	stream.linear.scatter [tilespmem:s9], [sflag:$0x3], $0xC800, $0x38;
	[tilespmem:$0x1A300] =	vst v63  }
0x35: {  	_ =	swait.ge [sflag:s10], $0xC800  }
0x36: {  	[sflag:s10] =	ssyncset.done $0x0  }
0x37: {  	[sflag:s10] =	ssyncadd.s32 $0xFFFF3800  }
0x38: {  	_ =	swait.ge [sflag:s14], $0xC800  }
0x39: {  	[sflag:s14] =	ssyncset.done $0x0  }
0x3a: {  	s21 =	simm.s32 $0x640;
	[sflag:s14] =	ssyncadd.s32 $0xFFFF3800  }
0x3b: {  	[tilespmem:s9], [sflag:$0x1] =	stream.indirect.gather [hbm4b:s7+s8], $0x80, s21, s8, $0xb8;
	[tilespmem:$0x1A300] =	vst v63  }
0x3c: {  	s22 =	simm.s32 $0xE30  }
0x3d: {  	[tilespmem:s11], [sflag:$0x2] =	stream.indirect.gather.add.f32 [hbm:s7], $0x80, s22, s8, $0xb8;
	[tilespmem:$0x1A300] =	vst v63  }
0x3e: {  	_ =	swait.ge [sflag:s12], $0xC800  }
0x3f: {  	[sflag:s12] =	ssyncset.done $0x0  }
0x40: {  	s23 =	sadd.s32 $0x4B00, s30;
	[sflag:s12] =	ssyncadd.s32 $0xFFFF3800  }
0x41: {  	[hbm4b:s23+s2] =	stream.linear.scatter [tilespmem:s11], [sflag:$0x3], $0xC800, $0x38;
	[tilespmem:$0x1A300] =	vst v63  }
0x42: {  	_ =	swait.ge [sflag:s10], $0xC800  }
0x43: {  	[sflag:s10] =	ssyncset.done $0x0  }
0x44: {  	[sflag:s10] =	ssyncadd.s32 $0xFFFF3800  }
0x45: {  	_ =	swait.ge [sflag:s14], $0xC800  }
0x46: {  	[sflag:s14] =	ssyncset.done $0x0  }
0x47: {  	s24 =	simm.s32 $0x7D0;
	[sflag:s14] =	ssyncadd.s32 $0xFFFF3800  }
0x48: {  	[tilespmem:s11], [sflag:$0x1] =	stream.indirect.gather [hbm4b:s7+s8], $0x80, s24, s8, $0xb8;
	[tilespmem:$0x1A300] =	vst v63  }
0x49: {  	s25 =	simm.s32 $0xFC0  }
0x4a: {  	[tilespmem:s9], [sflag:$0x2] =	stream.indirect.gather.add.f32 [hbm:s7], $0x80, s25, s8, $0xb8;
	[tilespmem:$0x1A300] =	vst v63  }
0x4b: {  	_ =	swait.ge [sflag:s12], $0xC800  }
0x4c: {  	[sflag:s12] =	ssyncset.done $0x0  }
0x4d: {  	s26 =	sadd.s32 $0x6400, s30;
	[sflag:s12] =	ssyncadd.s32 $0xFFFF3800  }
0x4e: {  	[hbm4b:s26+s2] =	stream.linear.scatter [tilespmem:s9], [sflag:$0x3], $0xC800, $0x38;
	[tilespmem:$0x1A300] =	vst v63  }
0x4f: {  	_ =	swait.ge [sflag:s10], $0xC800  }
0x50: {  	s28 =	simm.s32 $0x1150;
	s31 =	ssub.s32 $0x2, s29;
	[sflag:s10] =	ssyncset.done $0x0  }
0x51: {  	s29 =	sadd.s32 $0x7D00, s30;
	s30 =	sshrl.u32 s31, $0x1;
	[sflag:s10] =	ssyncadd.s32 $0xFFFF3800  }
0x52: {  	[tilespmem:s11], [sflag:$0x2] =	stream.indirect.gather.add.f32 [hbm:s7], $0x80, s28, s8, $0xb8;
	[tilespmem:$0x1A300] =	vst v63  }
0x53: {  	s30 =	ssub.s32 s31, s30;
	_ =	swait.ge [sflag:s12], $0xC800  }
0x54: {  	s30 =	smax.u32 s30, $0x1;
	[sflag:s12] =	ssyncset.done $0x0  }
0x55: {  	p0 =	sne.s32 s30, $0x1;
	[sflag:s12] =	ssyncadd.s32 $0xFFFF3800  }
0x56: {  	[hbm4b:s29+s2] =	stream.linear.scatter [tilespmem:s11], [sflag:$0x3], $0xC800, $0x38;
	[tilespmem:$0x1A300] =	vst v63  }
.Ltmp0:
0x57: {  	_ =	swait.ge [sflag:s14], $0xC800;
	(pc) =	sbr.rel @!p0 .LBB2_2-.Ltmp0, $4  }
0x58: {  	[sflag:s14] =	ssyncset.done $0x0  }
0x59: {  	[sflag:s14] =	ssyncadd.s32 $0xFFFF3800  }
0x5a: {  	_ =	swait.ge [sflag:s14], $0xC800  }
0x5b: {  	s30 =	sadd.s32 $0xFFFFFFFF, s30;
	[sflag:s14] =	ssyncset.done $0x0  }
.LBB2_1:
0x5c: {  	p0 =	sne.s32 s30, $0x1;
	s30 =	sadd.s32 $0xFFFFFFFF, s30;
	[sflag:s14] =	ssyncadd.s32 $0xFFFF3800  }
0x5d: {  	[tilespmem:s2], [sflag:$0x4] =	stream.linear.gather [hbm4b:s3+s2], $0x960, $0x38;
	[tilespmem:$0x1A300] =	vst v63  }
0x5e: {  	_ =	swait.ge [sflag:s4], $0x960  }
0x5f: {  	[sflag:s4] =	ssyncset.done $0x0  }
0x60: {  	[sflag:s4] =	ssyncadd.s32 $0xFFFFF6A0  }
0x61: {  	[tilespmem:s6], [sflag:$0x4] =	stream.linear.gather [hbm4b:s5+s2], $0x960, $0x38;
	[tilespmem:$0x1A300] =	vst v63  }
0x62: {  	_ =	swait.ge [sflag:s4], $0x960  }
0x63: {  	[sflag:s4] =	ssyncset.done $0x0  }
0x64: {  	[sflag:s4] =	ssyncadd.s32 $0xFFFFF6A0  }
0x65: {  	[tilespmem:s9], [sflag:$0x1] =	stream.indirect.gather [hbm4b:s7+s8], $0x80, s2, s8, $0xb8;
	[tilespmem:$0x1A300] =	vst v63  }
0x66: {  	_ =	swait.ge [sflag:s10], $0xC800  }
0x67: {  	[sflag:s10] =	ssyncset.done $0x0  }
0x68: {  	[sflag:s10] =	ssyncadd.s32 $0xFFFF3800  }
0x69: {  	[tilespmem:s11], [sflag:$0x1] =	stream.indirect.gather [hbm4b:s7+s8], $0x80, s8, s8, $0xb8;
	[tilespmem:$0x1A300] =	vst v63  }
0x6a: {  	_ = 	snop  }
0x6b: {  	[tilespmem:s9], [sflag:$0x2] =	stream.indirect.gather.add.f32 [hbm:s7], $0x80, s6, s8, $0xb8;
	[tilespmem:$0x1A300] =	vst v63  }
0x6c: {  	_ =	swait.ge [sflag:s12], $0xC800  }
0x6d: {  	[sflag:s12] =	ssyncset.done $0x0  }
0x6e: {  	[sflag:s12] =	ssyncadd.s32 $0xFFFF3800  }
0x6f: {  	[hbm4b:s13+s2] =	stream.linear.scatter [tilespmem:s9], [sflag:$0x3], $0xC800, $0x38;
	[tilespmem:$0x1A300] =	vst v63  }
0x70: {  	_ =	swait.ge [sflag:s10], $0xC800  }
0x71: {  	[sflag:s10] =	ssyncset.done $0x0  }
0x72: {  	[sflag:s10] =	ssyncadd.s32 $0xFFFF3800  }
0x73: {  	_ =	swait.ge [sflag:s14], $0xC800  }
0x74: {  	[sflag:s14] =	ssyncset.done $0x0  }
0x75: {  	[sflag:s14] =	ssyncadd.s32 $0xFFFF3800  }
0x76: {  	[tilespmem:s9], [sflag:$0x1] =	stream.indirect.gather [hbm4b:s7+s8], $0x80, s15, s8, $0xb8;
	[tilespmem:$0x1A300] =	vst v63  }
0x77: {  	_ = 	snop  }
0x78: {  	[tilespmem:s11], [sflag:$0x2] =	stream.indirect.gather.add.f32 [hbm:s7], $0x80, s16, s8, $0xb8;
	[tilespmem:$0x1A300] =	vst v63  }
0x79: {  	_ =	swait.ge [sflag:s12], $0xC800  }
0x7a: {  	[sflag:s12] =	ssyncset.done $0x0  }
0x7b: {  	[sflag:s12] =	ssyncadd.s32 $0xFFFF3800  }
0x7c: {  	[hbm4b:s17+s2] =	stream.linear.scatter [tilespmem:s11], [sflag:$0x3], $0xC800, $0x38;
	[tilespmem:$0x1A300] =	vst v63  }
0x7d: {  	_ =	swait.ge [sflag:s10], $0xC800  }
0x7e: {  	[sflag:s10] =	ssyncset.done $0x0  }
0x7f: {  	[sflag:s10] =	ssyncadd.s32 $0xFFFF3800  }
0x80: {  	_ =	swait.ge [sflag:s14], $0xC800  }
0x81: {  	[sflag:s14] =	ssyncset.done $0x0  }
0x82: {  	[sflag:s14] =	ssyncadd.s32 $0xFFFF3800  }
0x83: {  	[tilespmem:s11], [sflag:$0x1] =	stream.indirect.gather [hbm4b:s7+s8], $0x80, s18, s8, $0xb8;
	[tilespmem:$0x1A300] =	vst v63  }
0x84: {  	_ = 	snop  }
0x85: {  	[tilespmem:s9], [sflag:$0x2] =	stream.indirect.gather.add.f32 [hbm:s7], $0x80, s19, s8, $0xb8;
	[tilespmem:$0x1A300] =	vst v63  }
0x86: {  	_ =	swait.ge [sflag:s12], $0xC800  }
0x87: {  	[sflag:s12] =	ssyncset.done $0x0  }
0x88: {  	[sflag:s12] =	ssyncadd.s32 $0xFFFF3800  }
0x89: {  	[hbm4b:s20+s2] =	stream.linear.scatter [tilespmem:s9], [sflag:$0x3], $0xC800, $0x38;
	[tilespmem:$0x1A300] =	vst v63  }
0x8a: {  	_ =	swait.ge [sflag:s10], $0xC800  }
0x8b: {  	[sflag:s10] =	ssyncset.done $0x0  }
0x8c: {  	[sflag:s10] =	ssyncadd.s32 $0xFFFF3800  }
0x8d: {  	_ =	swait.ge [sflag:s14], $0xC800  }
0x8e: {  	[sflag:s14] =	ssyncset.done $0x0  }
0x8f: {  	[sflag:s14] =	ssyncadd.s32 $0xFFFF3800  }
0x90: {  	[tilespmem:s9], [sflag:$0x1] =	stream.indirect.gather [hbm4b:s7+s8], $0x80, s21, s8, $0xb8;
	[tilespmem:$0x1A300] =	vst v63  }
0x91: {  	_ = 	snop  }
0x92: {  	[tilespmem:s11], [sflag:$0x2] =	stream.indirect.gather.add.f32 [hbm:s7], $0x80, s22, s8, $0xb8;
	[tilespmem:$0x1A300] =	vst v63  }
0x93: {  	_ =	swait.ge [sflag:s12], $0xC800  }
0x94: {  	[sflag:s12] =	ssyncset.done $0x0  }
0x95: {  	[sflag:s12] =	ssyncadd.s32 $0xFFFF3800  }
0x96: {  	[hbm4b:s23+s2] =	stream.linear.scatter [tilespmem:s11], [sflag:$0x3], $0xC800, $0x38;
	[tilespmem:$0x1A300] =	vst v63  }
0x97: {  	_ =	swait.ge [sflag:s10], $0xC800  }
0x98: {  	[sflag:s10] =	ssyncset.done $0x0  }
0x99: {  	[sflag:s10] =	ssyncadd.s32 $0xFFFF3800  }
0x9a: {  	_ =	swait.ge [sflag:s14], $0xC800  }
0x9b: {  	[sflag:s14] =	ssyncset.done $0x0  }
0x9c: {  	[sflag:s14] =	ssyncadd.s32 $0xFFFF3800  }
0x9d: {  	[tilespmem:s11], [sflag:$0x1] =	stream.indirect.gather [hbm4b:s7+s8], $0x80, s24, s8, $0xb8;
	[tilespmem:$0x1A300] =	vst v63  }
0x9e: {  	_ = 	snop  }
0x9f: {  	[tilespmem:s9], [sflag:$0x2] =	stream.indirect.gather.add.f32 [hbm:s7], $0x80, s25, s8, $0xb8;
	[tilespmem:$0x1A300] =	vst v63  }
0xa0: {  	_ =	swait.ge [sflag:s12], $0xC800  }
0xa1: {  	[sflag:s12] =	ssyncset.done $0x0  }
0xa2: {  	[sflag:s12] =	ssyncadd.s32 $0xFFFF3800  }
0xa3: {  	[hbm4b:s26+s2] =	stream.linear.scatter [tilespmem:s9], [sflag:$0x3], $0xC800, $0x38;
	[tilespmem:$0x1A300] =	vst v63  }
0xa4: {  	_ =	swait.ge [sflag:s10], $0xC800  }
0xa5: {  	[sflag:s10] =	ssyncset.done $0x0  }
0xa6: {  	[sflag:s10] =	ssyncadd.s32 $0xFFFF3800  }
0xa7: {  	[tilespmem:s11], [sflag:$0x2] =	stream.indirect.gather.add.f32 [hbm:s7], $0x80, s28, s8, $0xb8;
	[tilespmem:$0x1A300] =	vst v63  }
0xa8: {  	_ =	swait.ge [sflag:s12], $0xC800  }
0xa9: {  	[sflag:s12] =	ssyncset.done $0x0  }
0xaa: {  	[sflag:s12] =	ssyncadd.s32 $0xFFFF3800  }
0xab: {  	[hbm4b:s29+s2] =	stream.linear.scatter [tilespmem:s11], [sflag:$0x3], $0xC800, $0x38;
	[tilespmem:$0x1A300] =	vst v63  }
.Ltmp1:
0xac: {  	_ =	swait.ge [sflag:s14], $0xC800;
	(pc) =	sbr.rel @p0 .LBB2_1-.Ltmp1, $4  }
0xad: {  	[sflag:s14] =	ssyncset.done $0x0  }
0xae: {  	[sflag:s14] =	ssyncadd.s32 $0xFFFF3800  }
0xaf: {  	_ =	swait.ge [sflag:s14], $0xC800  }
0xb0: {  	[sflag:s14] =	ssyncset.done $0x0  }
.LBB2_2:
0xb1: {  	[sflag:s14] =	ssyncadd.s32 $0xFFFF3800  }
0xb2: {  	_ =	sfence.sel $0x180000  }
0xb3: {  	[bflag:$0x0] =	sbarrier.arrive $0xFFFF  }
0xb4: {  	p0 =	sne.s32 s0, $0x0;
	_ =	strace $0x90000050  }
0xb5: {  	s0 =	sadd.s32 @!p0 $0x100000, s1;
	[bflag:$0x2] =	sbarrier.arrive $0xFFFF  }
0xb6: {  	[sflag:s0] =	ssyncadd.tile.s32 @!p0 $0x1;
	_ =	shalt  }
.Lfunc_end2:
_tile_overlayer_lowered:
.L_overlay_start_2:
0xb7: {  	(tag) =	ssettag $0x2  }
0xb8: {  	s0 =	rddreg [dreg:$0x0];
	s2 =	stileid.u32  }
0xb9: {  	s1 =	rddreg [dreg:$0x1];
	p0 =	sne.s32 s2, $0x0  }
0xba: {  	s3 =	rddreg [dreg:$0x2];
	[bflag:$0x3] =	sbarrier.arrive $0xFFFF;
	s2 =	simm.s32 @!p0 $0x1C04  }
0xbb: {  	[timem:s3], [sflag:s2] =	dma.local @!p0 [hbm:s0], s1  }
0xbc: {  	s0 =	simm.s32 @!p0 $0x4  }
0xbd: {  	_ =	swait.ge @!p0 [sflag:s0], s1  }
0xbe: {  	s1 =	ssub.s32 @!p0 $0x0, s1;
	[sflag:s0] =	ssyncset.done @!p0 $0x0  }
0xbf: {  	[sflag:s0] =	ssyncadd.s32 @!p0 s1  }
0xc0: {  	[bflag:$0x3] =	sbarrier.arrive $0xFFFF  }
0xc1: {  	_ =	shalt  }

// kernel: kernel.25.cloned.1.call-start
scs
__scs_entry_jumppad:
0x0: {  	(pc) =	sbr.rel $0x88, $3  }
0x1: {  	(tag) =	ssettag $0x0;
	lr =	simm.s32 $0x1  }
0x2: {  	[smem:$0x3F97] =	sst lr;
	_ =	strace $0xD0000000  }
0x3: {  	_ = 	snop  }
0x4: {  	_ = 	snop  }
0x5: {  	_ = 	snop  }
0x6: {  	_ = 	snop  }
0x7: {  	_ = 	snop  }
__scs_overlays_trampoline_lowered:
0x8: {  	[smem:$0x3FA6] =	sst s0  }
0x9: {  	[smem:$0x3FA7] =	sst s1  }
0xa: {  	[smem:$0x3FA8] =	sst s2  }
0xb: {  	[smem:$0x3FA9] =	sst s3  }
0xc: {  	[smem:$0x3FAA] =	sst s4  }
0xd: {  	[smem:$0x3FAB] =	sst s5  }
0xe: {  	[smem:$0x3FAC] =	sst s6  }
0xf: {  	[smem:$0x3FAD] =	sst s7  }
0x10: {  	[smem:$0x3FAE] =	sst s8  }
0x11: {  	[smem:$0x3FAF] =	sst s9;
	s0 =	simm.s32 @!p0 $0x0  }
0x12: {  	s1 =	sld [smem:$0x3F95];
	s0 =	simm.s32 @p0 $0x1  }
0x13: {  	[smem:$0x3FB0] =	sst s0;
	s0 =	simm.s32 @!p1 $0x0  }
0x14: {  	s2 =	sld [smem:$0x3F94];
	s0 =	simm.s32 @p1 $0x1  }
0x15: {  	[smem:$0x3FB1] =	sst s0;
	s0 =	simm.s32 @!p2 $0x0  }
0x16: {  	s3 =	sld [smem:$0x3FDB];
	s0 =	simm.s32 @p2 $0x1  }
0x17: {  	s4 =	simm.s32 $0x1BF5;
	[smem:$0x3FB3] =	sst s0  }
0x18: {  	s0 =	sld [smem:$0x3F96];
	_ =	swait.ge [sflag:s4], $0x0  }
0x19: {  	s7 =	sld [smem:$0x3F97]  }
0x1a: {  	s8 =	sadd.s32 $0xFFFFE003, lr  }
0x1b: {  	s9 =	sadd.s32 $0xFFFFFEF7, lr;
	s5 =	simm.s32 $0xFFFFFFFF;
	p2 =	slt.u32 s8, $0xFFFFF086  }
0x1c: {  	p1 =	slt.u32 s9, $0xF7A;
	s5 =	simm.s32 @!p2 $0x0  }
0x1d: {  	s5 =	simm.s32 @p1 $0x1;
	p0 =	seq.s32 s7, s2  }
0x1e: {  	s7 =	smul.u32 @!p0 $0xF7A, s2;
	p2 =	seq.s32 @!p0 s5, $0x0  }
0x1f: {  	s9 =	smul.u32 $0xF7A, s1;
	s8 =	simm.s32 @!p0 $0x1BF5;
	p2 =	por !p2, p0  }
0x20: {  	[sflag:s8] =	ssyncset.s32 @!p0 $0xFFFFF086;
	s6 =	sadd.s32 @!p0 s3, s7;
	s7 =	simm.s32 @!p0 $0x108  }
0x21: {  	s3 =	sadd.s32 s3, s9;
	s6 =	sadd.s32 @!p0 $0x88, s6;
	s7 =	simm.s32 @p2 $0x1082  }
0x22: {  	[simem:s7], [sflag:s8] =	dma.local @!p0 [hbm:s6], $0xF7A  }
0x23: {  	s9 =	sor.u32 $0xD0000000, s2;
	s6 =	simm.s32 $0x108;
	_ =	swait.ge @!p0 [sflag:s8], $0x0  }
0x24: {  	s3 =	sadd.s32 $0x88, s3;
	s6 =	simm.s32 @!p1 $0x1082;
	[sflag:s4] =	ssyncset.s32 $0xFFFFF086  }
0x25: {  	[simem:s6], [sflag:s4] =	dma.local [hbm:s3], $0xF7A  }
0x26: {  	[smem:$0x3F97] =	sst s1;
	(tag) =	ssettag s2;
	_ =	strace s9  }
0x27: {  	s1 =	sld [smem:$0x3FA7]  }
0x28: {  	s2 =	sld [smem:$0x3FA8]  }
0x29: {  	s4 =	sld [smem:$0x3FAA]  }
0x2a: {  	p0 =	seq.s32 s5, $0x0;
	s5 =	sld [smem:$0x3FAB]  }
0x2b: {  	s6 =	sld [smem:$0x3FAC]  }
0x2c: {  	s7 =	sld [smem:$0x3FAD]  }
0x2d: {  	s3 =	simm.s32 $0x108;
	s8 =	sld [smem:$0x3FAE]  }
0x2e: {  	s3 =	simm.s32 @!p0 $0x1082;
	s9 =	sld [smem:$0x3FAF]  }
0x2f: {  	lr =	sadd.s32 s0, s3;
	s0 =	sld [smem:$0x3FA6]  }
0x30: {  	s3 =	sld [smem:$0x3FA9]  }
0x31: {  	[smem:$0x3FB2] =	sst s10  }
0x32: {  	s10 =	sld [smem:$0x3FB0];
	_ =	sdelay $0x3  }
0x33: {  	p0 =	seq.s32 s10, $0x1;
	s10 =	sld [smem:$0x3FB2];
	_ =	sdelay $0x3  }
0x34: {  	[smem:$0x3FB2] =	sst s10  }
0x35: {  	s10 =	sld [smem:$0x3FB1];
	_ =	sdelay $0x3  }
0x36: {  	p1 =	seq.s32 s10, $0x1;
	s10 =	sld [smem:$0x3FB2];
	_ =	sdelay $0x3  }
0x37: {  	[smem:$0x3FB2] =	sst s10  }
0x38: {  	s10 =	sld [smem:$0x3FB3]  }
0x39: {  	_ = 	snop;
	(pc) =	sbr.ind lr, $3  }
0x3a: {  	_ = 	snop  }
0x3b: {  	_ = 	snop  }
0x3c: {  	p2 =	seq.s32 s10, $0x1;
	s10 =	sld [smem:$0x3FB2]  }
0x3d: {  	_ =	shalt  }
0x3e: {  	_ =	shalt  }
0x3f: {  	_ =	shalt  }
0x40: {  	_ =	shalt  }
0x41: {  	_ =	shalt  }
0x42: {  	_ =	shalt  }
0x43: {  	_ =	shalt  }
0x44: {  	_ =	shalt  }
0x45: {  	_ =	shalt  }
0x46: {  	_ =	shalt  }
0x47: {  	_ =	shalt  }
0x48: {  	_ =	shalt  }
0x49: {  	_ =	shalt  }
0x4a: {  	_ =	shalt  }
0x4b: {  	_ =	shalt  }
0x4c: {  	_ =	shalt  }
0x4d: {  	_ =	shalt  }
0x4e: {  	_ =	shalt  }
0x4f: {  	_ =	shalt  }
0x50: {  	_ =	shalt  }
0x51: {  	_ =	shalt  }
0x52: {  	_ =	shalt  }
0x53: {  	_ =	shalt  }
0x54: {  	_ =	shalt  }
0x55: {  	_ =	shalt  }
0x56: {  	_ =	shalt  }
0x57: {  	_ =	shalt  }
0x58: {  	_ =	shalt  }
0x59: {  	_ =	shalt  }
0x5a: {  	_ =	shalt  }
0x5b: {  	_ =	shalt  }
0x5c: {  	_ =	shalt  }
0x5d: {  	_ =	shalt  }
0x5e: {  	_ =	shalt  }
0x5f: {  	_ =	shalt  }
0x60: {  	_ =	shalt  }
0x61: {  	_ =	shalt  }
0x62: {  	_ =	shalt  }
0x63: {  	_ =	shalt  }
0x64: {  	_ =	shalt  }
0x65: {  	_ =	shalt  }
0x66: {  	_ =	shalt  }
0x67: {  	_ =	shalt  }
0x68: {  	_ =	shalt  }
0x69: {  	_ =	shalt  }
0x6a: {  	_ =	shalt  }
0x6b: {  	_ =	shalt  }
0x6c: {  	_ =	shalt  }
0x6d: {  	_ =	shalt  }
0x6e: {  	_ =	shalt  }
0x6f: {  	_ =	shalt  }
0x70: {  	_ =	shalt  }
0x71: {  	_ =	shalt  }
0x72: {  	_ =	shalt  }
0x73: {  	_ =	shalt  }
0x74: {  	_ =	shalt  }
0x75: {  	_ =	shalt  }
0x76: {  	_ =	shalt  }
0x77: {  	_ =	shalt  }
0x78: {  	_ =	shalt  }
0x79: {  	_ =	shalt  }
0x7a: {  	_ =	shalt  }
0x7b: {  	_ =	shalt  }
0x7c: {  	_ =	shalt  }
0x7d: {  	_ =	shalt  }
0x7e: {  	_ =	shalt  }
0x7f: {  	_ =	shalt  }
0x80: {  	_ =	shalt  }
0x81: {  	_ =	shalt  }
0x82: {  	_ =	shalt  }
0x83: {  	_ =	shalt  }
0x84: {  	_ =	shalt  }
0x85: {  	_ =	shalt  }
0x86: {  	_ =	shalt  }
0x87: {  	_ =	shalt  }
.Lfunc_end0:
.L_simem_size_0:
called_computation.4_lowered:
.L_overlay_start_0:
0x88: {  	s2 =	sld [smem:$0x3FD9]  }
0x89: {  	s3 =	sld [smem:$0x3FFE];
	_ =	sdelay $0x1  }
0x8a: {  	s1 =	srdreg.scid  }
0x8b: {  	s0 =	sand.u32 $0x1, s1  }
0x8c: {  	s17 =	sshll.u32 s0, $0xA;
	s2 =	sadd.s32 s3, s2  }
0x8d: {  	s2 =	sadd.s32 s2, s17  }
0x8e: {  	[smem:$0x3FBE] =	sst s2  }
0x8f: {  	_ = 	snop  }
0x90: {  	(tm) =	ssettm $0x1  }
0x91: {  	s18 =	sld [smem:$0x3FFB];
	_ =	sdelay $0x3  }
0x92: {  	_ =	strace s18  }
0x93: {  	s2 =	sld [smem:$0x3FFC];
	_ =	sdelay $0x3  }
0x94: {  	_ =	strace s2  }
0x95: {  	s2 =	sld [smem:$0x3FFD];
	_ =	sdelay $0x3  }
0x96: {  	_ =	strace s2  }
0x97: {  	_ =	strace $0x8FFFFFFF  }
0x98: {  	s19 =	sld [smem:$0x3FDB];
	_ =	sdelay $0x1  }
0x99: {  	s20 =	simm.s32 $_scs_section_size  }
0x9a: {  	s4 =	simm.s32 $_size__tile_overlayer_lowered;
	s5 =	simm.s32 $_tile_overlayer_lowered  }
0x9b: {  	s6 =	simm.s32 $0x1BFF;
	s21 =	sshll.u32 s5, $0x1;
	s3 =	sadd.s32 s20, s19  }
0x9c: {  	s22 =	simm.s32 $0x0;
	s4 =	sshll.u32 s4, $0x1;
	s5 =	sadd.s32 s21, s3  }
0x9d: {  	[timem:s22], [sflag:s6] =	dma.local [hbm:s5], s4  }
0x9e: {  	_ =	swait.ge [sflag:s6], s4  }
0x9f: {  	s4 =	ssub.s32 $0x0, s4;
	[sflag:s6] =	ssyncset.done $0x0  }
0xa0: {  	[sflag:s6] =	ssyncadd.s32 s4;
	_ =	sdelay $0x1  }
0xa1: {  	s23 =	simm.s32 $0x1B8B  }
0xa2: {  	_ =	swait.ge [sflag:s23], $0x1  }
0xa3: {  	[sflag:s23] =	ssyncset.done $0x0  }
0xa4: {  	[sflag:s23] =	ssyncadd.s32 $0xFFFFFFFF  }
0xa5: {  	s4 =	sld [smem:$0x0]  }
0xa6: {  	s5 =	sand.u32 $0xFFFFFFFE, s1  }
0xa7: {  	p0 =	sne.s32 s1, s5  }
0xa8: {  	s5 =	sshll.u32 @p0 s5, $0xE  }
0xa9: {  	s5 =	sadd.s32 @p0 $0x11B8D, s5;
	s6 =	sshll.u32 @p0 s4, $0x11  }
0xaa: {  	s5 =	sor.u32 @p0 s6, s5  }
0xab: {  	[sflag:s5] =	ssyncadd.remote.s32 @p0 $0x1;
	_ =	sdelay $0x1  }
0xac: {  	s5 =	simm.s32 @p0 $0x1B8D  }
0xad: {  	_ =	swait.eq @p0 [sflag:s5], $0x1  }
0xae: {  	[sflag:s5] =	ssyncadd.s32 @p0 $0xFFFFFFFF  }
0xaf: {  	s6 =	sshll.u32 @!p0 s1, $0xE  }
0xb0: {  	s6 =	sor.u32 @!p0 $0x4000, s6;
	s5 =	simm.s32 @!p0 $0x1B8D  }
0xb1: {  	s4 =	sshll.u32 @!p0 s4, $0x11;
	s6 =	sadd.s32 @!p0 $0x11B8D, s6;
	_ =	swait.eq @!p0 [sflag:s5], $0x1  }
0xb2: {  	s4 =	sor.u32 @!p0 s4, s6;
	[sflag:s5] =	ssyncadd.s32 @!p0 $0xFFFFFFFF  }
0xb3: {  	s25 =	simm.s32 $0x1B8E;
	s24 =	sld [smem:$0x3FFE];
	[sflag:s4] =	ssyncadd.remote.s32 @!p0 $0x1  }
0xb4: {  	s26 =	simm.s32 $execute0_lowered;
	[smem:$0x3FD2] =	sst s25  }
0xb5: {  	s5 =	sshll.u32 s26, $0x1;
	_ =	strace $0x80000052;
	[dreg:$0x1] =	wrdreg $0xFFFFFFFF  }
0xb6: {  	s28 =	simm.s32 $_size_execute0_lowered;
	s3 =	sadd.s32 s3, s5;
	[dreg:$0x0] =	wrdreg $0x0  }
0xb7: {  	s5 =	sshll.u32 s28, $0x1;
	[dreg:$0x2] =	wrdreg s3  }
0xb8: {  	[dreg:$0x3] =	wrdreg s5  }
0xb9: {  	[dreg:$0x4] =	wrdreg $0xC0  }
0xba: {  	_ =	task [dreg:s22], $0x5FFFF  }
0xbb: {  	[dreg:$0x1] =	wrdreg $0xFFFFFFFF  }
0xbc: {  	[dreg:$0x0] =	wrdreg $0x60  }
0xbd: {  	[dreg:$0x2] =	wrdreg s24  }
0xbe: {  	[dreg:$0x3] =	wrdreg $0xD  }
0xbf: {  	_ =	task.clear_ibuf [dreg:s22], $0x4FFFF;
	_ =	strace $0x90000052  }
0xc0: {  	s29 =	simm.s32 $0xD;
	_ =	strace $0x80000054  }
0xc1: {  	_ =	swait.ge [sflag:s29], $0x1  }
0xc2: {  	[sflag:s29] =	ssyncadd.s32 $0xFFFFFFFF  }
0xc3: {  	_ =	strace $0x90000054  }
0xc4: {  	_ =	sfence  }
0xc5: {  	s30 =	sld [smem:$0x0];
	_ =	sdelay $0x2  }
0xc6: {  	s31 =	sshll.u32 s1, $0xD;
	s1 =	sshrl.u32 s1, $0x2  }
0xc7: {  	s4 =	sand.u32 $0x4000, s31;
	s1 =	sadd.s32 s1, s30  }
0xc8: {  	s0 =	sor.u32 s4, s0;
	s1 =	sshll.u32 s1, $0x11  }
0xc9: {  	s0 =	sor.u32 s1, s0  }
0xca: {  	s0 =	sadd.s32 $0x8F2B, s0  }
0xcb: {  	[sflag:s0] =	ssyncadd.remote.s32 $0x1  }
0xcc: {  	_ =	sfence.sel $0xFFFF  }
0xcd: {  	[dreg:$0x0] =	wrdreg $0xFFFFFFFF;
	(pc) =	sbr.abs _section_cstart, $3  }
0xce: {  	[dreg:$0x1] =	wrdreg $0xFFFFFFFF  }
0xcf: {  	_ =	task.clear_ibuf [dreg:s22], $0x2FFFF;
	_ =	strace $0x9FFFFFFF  }
0xd0: {  	(tm) =	ssettm $0x7FFFFFFF  }
0xd1: {  	_ =	shalt  }
tec
execute0_lowered:
.L_overlay_start_1:
0x0: {  	(tag) =	ssettag $0x1  }
0x1: {  	s1 =	srdreg.scid;
	s0 =	stileid.u32  }
0x2: {  	s29 =	sand.u32 $0x1, s1;
	s31 =	sshll.u32 s0, $0x1  }
0x3: {  	s16 =	sor.u32 s29, s31  }
0x4: {  	s3 =	smul.u32 $0x12C, s16  }
0x5: {  	s13 =	rddreg [dreg:$0x0];
	s2 =	simm.s32 $0x0  }
0x6: {  	s4 =	simm.s32 $0x4;
	[smem:$0x7FF] =	sst s2;
	s5 =	sadd.s32 s3, s13  }
0x7: {  	s1 =	rddreg [dreg:$0x1];
	_ =	strace $0x80000053;
	s3 =	sadd.s32 $0x129C00, s5  }
0x8: {  	[tilespmem:s2], [sflag:$0x4] =	stream.linear.gather [hbm4b:s3+s2], $0x960, $0x38;
	[tilespmem:$0x1A300] =	vst v63  }
0x9: {  	_ =	swait.ge [sflag:s4], $0x960  }
0xa: {  	[sflag:s4] =	ssyncset.done $0x0  }
0xb: {  	s6 =	simm.s32 $0x980;
	s5 =	sadd.s32 $0x127600, s5;
	[sflag:s4] =	ssyncadd.s32 $0xFFFFF6A0  }
0xc: {  	[tilespmem:s6], [sflag:$0x4] =	stream.linear.gather [hbm4b:s5+s2], $0x960, $0x38;
	[tilespmem:$0x1A300] =	vst v63  }
0xd: {  	_ =	swait.ge [sflag:s4], $0x960  }
0xe: {  	s8 =	simm.s32 $0x190;
	s9 =	simm.s32 $0x1300;
	[sflag:s4] =	ssyncset.done $0x0  }
0xf: {  	s10 =	simm.s32 $0x1;
	s7 =	sadd.s32 $0x4600, s13;
	[sflag:s4] =	ssyncadd.s32 $0xFFFFF6A0  }
0x10: {  	[tilespmem:s9], [sflag:$0x1] =	stream.indirect.gather [hbm4b:s7+s8], $0x80, s2, s8, $0xb8;
	[tilespmem:$0x1A300] =	vst v63  }
0x11: {  	_ =	swait.ge [sflag:s10], $0xC800  }
0x12: {  	[sflag:s10] =	ssyncset.done $0x0  }
0x13: {  	s11 =	simm.s32 $0xDB00;
	[sflag:s10] =	ssyncadd.s32 $0xFFFF3800  }
0x14: {  	[tilespmem:s11], [sflag:$0x1] =	stream.indirect.gather [hbm4b:s7+s8], $0x80, s8, s8, $0xb8;
	[tilespmem:$0x1A300] =	vst v63  }
0x15: {  	s12 =	simm.s32 $0x2  }
0x16: {  	[tilespmem:s9], [sflag:$0x2] =	stream.indirect.gather.add.f32 [hbm:s7], $0x80, s6, s8, $0xb8;
	[tilespmem:$0x1A300] =	vst v63  }
0x17: {  	s14 =	smul.u32 $0x9600, s16;
	_ =	swait.ge [sflag:s12], $0xC800  }
0x18: {  	s17 =	sadd.s32 $0x384200, s13;
	[sflag:s12] =	ssyncset.done $0x0  }
0x19: {  	s13 =	sadd.s32 s17, s14;
	[sflag:s12] =	ssyncadd.s32 $0xFFFF3800  }
0x1a: {  	[hbm4b:s13+s2] =	stream.linear.scatter [tilespmem:s9], [sflag:$0x3], $0xC800, $0x38;
	[tilespmem:$0x1A300] =	vst v63  }
0x1b: {  	_ =	swait.ge [sflag:s10], $0xC800  }
0x1c: {  	[sflag:s10] =	ssyncset.done $0x0  }
0x1d: {  	s14 =	simm.s32 $0x3;
	[sflag:s10] =	ssyncadd.s32 $0xFFFF3800  }
0x1e: {  	_ =	swait.ge [sflag:s14], $0xC800  }
0x1f: {  	[sflag:s14] =	ssyncset.done $0x0  }
0x20: {  	s15 =	simm.s32 $0x320;
	[sflag:s14] =	ssyncadd.s32 $0xFFFF3800  }
0x21: {  	[tilespmem:s9], [sflag:$0x1] =	stream.indirect.gather [hbm4b:s7+s8], $0x80, s15, s8, $0xb8;
	[tilespmem:$0x1A300] =	vst v63  }
0x22: {  	s18 =	smul.u32 $0x4B000, s16;
	s16 =	simm.s32 $0xB10  }
0x23: {  	[tilespmem:s11], [sflag:$0x2] =	stream.indirect.gather.add.f32 [hbm:s7], $0x80, s16, s8, $0xb8;
	[tilespmem:$0x1A300] =	vst v63  }
0x24: {  	s18 =	sshrl.u32 s18, $0x3;
	_ =	swait.ge [sflag:s12], $0xC800  }
0x25: {  	s30 =	sadd.s32 s17, s18;
	[sflag:s12] =	ssyncset.done $0x0  }
0x26: {  	s17 =	sadd.s32 $0x1900, s30;
	[sflag:s12] =	ssyncadd.s32 $0xFFFF3800  }
0x27: {  	[hbm4b:s17+s2] =	stream.linear.scatter [tilespmem:s11], [sflag:$0x3], $0xC800, $0x38;
	[tilespmem:$0x1A300] =	vst v63  }
0x28: {  	_ =	swait.ge [sflag:s10], $0xC800  }
0x29: {  	[sflag:s10] =	ssyncset.done $0x0  }
0x2a: {  	[sflag:s10] =	ssyncadd.s32 $0xFFFF3800  }
0x2b: {  	_ =	swait.ge [sflag:s14], $0xC800  }
0x2c: {  	[sflag:s14] =	ssyncset.done $0x0  }
0x2d: {  	s18 =	simm.s32 $0x4B0;
	[sflag:s14] =	ssyncadd.s32 $0xFFFF3800  }
0x2e: {  	[tilespmem:s11], [sflag:$0x1] =	stream.indirect.gather [hbm4b:s7+s8], $0x80, s18, s8, $0xb8;
	[tilespmem:$0x1A300] =	vst v63  }
0x2f: {  	s19 =	simm.s32 $0xCA0  }
0x30: {  	[tilespmem:s9], [sflag:$0x2] =	stream.indirect.gather.add.f32 [hbm:s7], $0x80, s19, s8, $0xb8;
	[tilespmem:$0x1A300] =	vst v63  }
0x31: {  	_ =	swait.ge [sflag:s12], $0xC800  }
0x32: {  	[sflag:s12] =	ssyncset.done $0x0  }
0x33: {  	s20 =	sadd.s32 $0x3200, s30;
	[sflag:s12] =	ssyncadd.s32 $0xFFFF3800  }
0x34: {  	[hbm4b:s20+s2] =	stream.linear.scatter [tilespmem:s9], [sflag:$0x3], $0xC800, $0x38;
	[tilespmem:$0x1A300] =	vst v63  }
0x35: {  	_ =	swait.ge [sflag:s10], $0xC800  }
0x36: {  	[sflag:s10] =	ssyncset.done $0x0  }
0x37: {  	[sflag:s10] =	ssyncadd.s32 $0xFFFF3800  }
0x38: {  	_ =	swait.ge [sflag:s14], $0xC800  }
0x39: {  	[sflag:s14] =	ssyncset.done $0x0  }
0x3a: {  	s21 =	simm.s32 $0x640;
	[sflag:s14] =	ssyncadd.s32 $0xFFFF3800  }
0x3b: {  	[tilespmem:s9], [sflag:$0x1] =	stream.indirect.gather [hbm4b:s7+s8], $0x80, s21, s8, $0xb8;
	[tilespmem:$0x1A300] =	vst v63  }
0x3c: {  	s22 =	simm.s32 $0xE30  }
0x3d: {  	[tilespmem:s11], [sflag:$0x2] =	stream.indirect.gather.add.f32 [hbm:s7], $0x80, s22, s8, $0xb8;
	[tilespmem:$0x1A300] =	vst v63  }
0x3e: {  	_ =	swait.ge [sflag:s12], $0xC800  }
0x3f: {  	[sflag:s12] =	ssyncset.done $0x0  }
0x40: {  	s23 =	sadd.s32 $0x4B00, s30;
	[sflag:s12] =	ssyncadd.s32 $0xFFFF3800  }
0x41: {  	[hbm4b:s23+s2] =	stream.linear.scatter [tilespmem:s11], [sflag:$0x3], $0xC800, $0x38;
	[tilespmem:$0x1A300] =	vst v63  }
0x42: {  	_ =	swait.ge [sflag:s10], $0xC800  }
0x43: {  	[sflag:s10] =	ssyncset.done $0x0  }
0x44: {  	[sflag:s10] =	ssyncadd.s32 $0xFFFF3800  }
0x45: {  	_ =	swait.ge [sflag:s14], $0xC800  }
0x46: {  	[sflag:s14] =	ssyncset.done $0x0  }
0x47: {  	s24 =	simm.s32 $0x7D0;
	[sflag:s14] =	ssyncadd.s32 $0xFFFF3800  }
0x48: {  	[tilespmem:s11], [sflag:$0x1] =	stream.indirect.gather [hbm4b:s7+s8], $0x80, s24, s8, $0xb8;
	[tilespmem:$0x1A300] =	vst v63  }
0x49: {  	s25 =	simm.s32 $0xFC0  }
0x4a: {  	[tilespmem:s9], [sflag:$0x2] =	stream.indirect.gather.add.f32 [hbm:s7], $0x80, s25, s8, $0xb8;
	[tilespmem:$0x1A300] =	vst v63  }
0x4b: {  	_ =	swait.ge [sflag:s12], $0xC800  }
0x4c: {  	[sflag:s12] =	ssyncset.done $0x0  }
0x4d: {  	s26 =	sadd.s32 $0x6400, s30;
	[sflag:s12] =	ssyncadd.s32 $0xFFFF3800  }
0x4e: {  	[hbm4b:s26+s2] =	stream.linear.scatter [tilespmem:s9], [sflag:$0x3], $0xC800, $0x38;
	[tilespmem:$0x1A300] =	vst v63  }
0x4f: {  	_ =	swait.ge [sflag:s10], $0xC800  }
0x50: {  	s28 =	simm.s32 $0x1150;
	s31 =	ssub.s32 $0x2, s29;
	[sflag:s10] =	ssyncset.done $0x0  }
0x51: {  	s29 =	sadd.s32 $0x7D00, s30;
	s30 =	sshrl.u32 s31, $0x1;
	[sflag:s10] =	ssyncadd.s32 $0xFFFF3800  }
0x52: {  	[tilespmem:s11], [sflag:$0x2] =	stream.indirect.gather.add.f32 [hbm:s7], $0x80, s28, s8, $0xb8;
	[tilespmem:$0x1A300] =	vst v63  }
0x53: {  	s30 =	ssub.s32 s31, s30;
	_ =	swait.ge [sflag:s12], $0xC800  }
0x54: {  	s30 =	smax.u32 s30, $0x1;
	[sflag:s12] =	ssyncset.done $0x0  }
0x55: {  	p0 =	sne.s32 s30, $0x1;
	[sflag:s12] =	ssyncadd.s32 $0xFFFF3800  }
0x56: {  	[hbm4b:s29+s2] =	stream.linear.scatter [tilespmem:s11], [sflag:$0x3], $0xC800, $0x38;
	[tilespmem:$0x1A300] =	vst v63  }
.Ltmp0:
0x57: {  	_ =	swait.ge [sflag:s14], $0xC800;
	(pc) =	sbr.rel @!p0 .LBB2_2-.Ltmp0, $4  }
0x58: {  	[sflag:s14] =	ssyncset.done $0x0  }
0x59: {  	[sflag:s14] =	ssyncadd.s32 $0xFFFF3800  }
0x5a: {  	_ =	swait.ge [sflag:s14], $0xC800  }
0x5b: {  	s30 =	sadd.s32 $0xFFFFFFFF, s30;
	[sflag:s14] =	ssyncset.done $0x0  }
.LBB2_1:
0x5c: {  	p0 =	sne.s32 s30, $0x1;
	s30 =	sadd.s32 $0xFFFFFFFF, s30;
	[sflag:s14] =	ssyncadd.s32 $0xFFFF3800  }
0x5d: {  	[tilespmem:s2], [sflag:$0x4] =	stream.linear.gather [hbm4b:s3+s2], $0x960, $0x38;
	[tilespmem:$0x1A300] =	vst v63  }
0x5e: {  	_ =	swait.ge [sflag:s4], $0x960  }
0x5f: {  	[sflag:s4] =	ssyncset.done $0x0  }
0x60: {  	[sflag:s4] =	ssyncadd.s32 $0xFFFFF6A0  }
0x61: {  	[tilespmem:s6], [sflag:$0x4] =	stream.linear.gather [hbm4b:s5+s2], $0x960, $0x38;
	[tilespmem:$0x1A300] =	vst v63  }
0x62: {  	_ =	swait.ge [sflag:s4], $0x960  }
0x63: {  	[sflag:s4] =	ssyncset.done $0x0  }
0x64: {  	[sflag:s4] =	ssyncadd.s32 $0xFFFFF6A0  }
0x65: {  	[tilespmem:s9], [sflag:$0x1] =	stream.indirect.gather [hbm4b:s7+s8], $0x80, s2, s8, $0xb8;
	[tilespmem:$0x1A300] =	vst v63  }
0x66: {  	_ =	swait.ge [sflag:s10], $0xC800  }
0x67: {  	[sflag:s10] =	ssyncset.done $0x0  }
0x68: {  	[sflag:s10] =	ssyncadd.s32 $0xFFFF3800  }
0x69: {  	[tilespmem:s11], [sflag:$0x1] =	stream.indirect.gather [hbm4b:s7+s8], $0x80, s8, s8, $0xb8;
	[tilespmem:$0x1A300] =	vst v63  }
0x6a: {  	_ = 	snop  }
0x6b: {  	[tilespmem:s9], [sflag:$0x2] =	stream.indirect.gather.add.f32 [hbm:s7], $0x80, s6, s8, $0xb8;
	[tilespmem:$0x1A300] =	vst v63  }
0x6c: {  	_ =	swait.ge [sflag:s12], $0xC800  }
0x6d: {  	[sflag:s12] =	ssyncset.done $0x0  }
0x6e: {  	[sflag:s12] =	ssyncadd.s32 $0xFFFF3800  }
0x6f: {  	[hbm4b:s13+s2] =	stream.linear.scatter [tilespmem:s9], [sflag:$0x3], $0xC800, $0x38;
	[tilespmem:$0x1A300] =	vst v63  }
0x70: {  	_ =	swait.ge [sflag:s10], $0xC800  }
0x71: {  	[sflag:s10] =	ssyncset.done $0x0  }
0x72: {  	[sflag:s10] =	ssyncadd.s32 $0xFFFF3800  }
0x73: {  	_ =	swait.ge [sflag:s14], $0xC800  }
0x74: {  	[sflag:s14] =	ssyncset.done $0x0  }
0x75: {  	[sflag:s14] =	ssyncadd.s32 $0xFFFF3800  }
0x76: {  	[tilespmem:s9], [sflag:$0x1] =	stream.indirect.gather [hbm4b:s7+s8], $0x80, s15, s8, $0xb8;
	[tilespmem:$0x1A300] =	vst v63  }
0x77: {  	_ = 	snop  }
0x78: {  	[tilespmem:s11], [sflag:$0x2] =	stream.indirect.gather.add.f32 [hbm:s7], $0x80, s16, s8, $0xb8;
	[tilespmem:$0x1A300] =	vst v63  }
0x79: {  	_ =	swait.ge [sflag:s12], $0xC800  }
0x7a: {  	[sflag:s12] =	ssyncset.done $0x0  }
0x7b: {  	[sflag:s12] =	ssyncadd.s32 $0xFFFF3800  }
0x7c: {  	[hbm4b:s17+s2] =	stream.linear.scatter [tilespmem:s11], [sflag:$0x3], $0xC800, $0x38;
	[tilespmem:$0x1A300] =	vst v63  }
0x7d: {  	_ =	swait.ge [sflag:s10], $0xC800  }
0x7e: {  	[sflag:s10] =	ssyncset.done $0x0  }
0x7f: {  	[sflag:s10] =	ssyncadd.s32 $0xFFFF3800  }
0x80: {  	_ =	swait.ge [sflag:s14], $0xC800  }
0x81: {  	[sflag:s14] =	ssyncset.done $0x0  }
0x82: {  	[sflag:s14] =	ssyncadd.s32 $0xFFFF3800  }
0x83: {  	[tilespmem:s11], [sflag:$0x1] =	stream.indirect.gather [hbm4b:s7+s8], $0x80, s18, s8, $0xb8;
	[tilespmem:$0x1A300] =	vst v63  }
0x84: {  	_ = 	snop  }
0x85: {  	[tilespmem:s9], [sflag:$0x2] =	stream.indirect.gather.add.f32 [hbm:s7], $0x80, s19, s8, $0xb8;
	[tilespmem:$0x1A300] =	vst v63  }
0x86: {  	_ =	swait.ge [sflag:s12], $0xC800  }
0x87: {  	[sflag:s12] =	ssyncset.done $0x0  }
0x88: {  	[sflag:s12] =	ssyncadd.s32 $0xFFFF3800  }
0x89: {  	[hbm4b:s20+s2] =	stream.linear.scatter [tilespmem:s9], [sflag:$0x3], $0xC800, $0x38;
	[tilespmem:$0x1A300] =	vst v63  }
0x8a: {  	_ =	swait.ge [sflag:s10], $0xC800  }
0x8b: {  	[sflag:s10] =	ssyncset.done $0x0  }
0x8c: {  	[sflag:s10] =	ssyncadd.s32 $0xFFFF3800  }
0x8d: {  	_ =	swait.ge [sflag:s14], $0xC800  }
0x8e: {  	[sflag:s14] =	ssyncset.done $0x0  }
0x8f: {  	[sflag:s14] =	ssyncadd.s32 $0xFFFF3800  }
0x90: {  	[tilespmem:s9], [sflag:$0x1] =	stream.indirect.gather [hbm4b:s7+s8], $0x80, s21, s8, $0xb8;
	[tilespmem:$0x1A300] =	vst v63  }
0x91: {  	_ = 	snop  }
0x92: {  	[tilespmem:s11], [sflag:$0x2] =	stream.indirect.gather.add.f32 [hbm:s7], $0x80, s22, s8, $0xb8;
	[tilespmem:$0x1A300] =	vst v63  }
0x93: {  	_ =	swait.ge [sflag:s12], $0xC800  }
0x94: {  	[sflag:s12] =	ssyncset.done $0x0  }
0x95: {  	[sflag:s12] =	ssyncadd.s32 $0xFFFF3800  }
0x96: {  	[hbm4b:s23+s2] =	stream.linear.scatter [tilespmem:s11], [sflag:$0x3], $0xC800, $0x38;
	[tilespmem:$0x1A300] =	vst v63  }
0x97: {  	_ =	swait.ge [sflag:s10], $0xC800  }
0x98: {  	[sflag:s10] =	ssyncset.done $0x0  }
0x99: {  	[sflag:s10] =	ssyncadd.s32 $0xFFFF3800  }
0x9a: {  	_ =	swait.ge [sflag:s14], $0xC800  }
0x9b: {  	[sflag:s14] =	ssyncset.done $0x0  }
0x9c: {  	[sflag:s14] =	ssyncadd.s32 $0xFFFF3800  }
0x9d: {  	[tilespmem:s11], [sflag:$0x1] =	stream.indirect.gather [hbm4b:s7+s8], $0x80, s24, s8, $0xb8;
	[tilespmem:$0x1A300] =	vst v63  }
0x9e: {  	_ = 	snop  }
0x9f: {  	[tilespmem:s9], [sflag:$0x2] =	stream.indirect.gather.add.f32 [hbm:s7], $0x80, s25, s8, $0xb8;
	[tilespmem:$0x1A300] =	vst v63  }
0xa0: {  	_ =	swait.ge [sflag:s12], $0xC800  }
0xa1: {  	[sflag:s12] =	ssyncset.done $0x0  }
0xa2: {  	[sflag:s12] =	ssyncadd.s32 $0xFFFF3800  }
0xa3: {  	[hbm4b:s26+s2] =	stream.linear.scatter [tilespmem:s9], [sflag:$0x3], $0xC800, $0x38;
	[tilespmem:$0x1A300] =	vst v63  }
0xa4: {  	_ =	swait.ge [sflag:s10], $0xC800  }
0xa5: {  	[sflag:s10] =	ssyncset.done $0x0  }
0xa6: {  	[sflag:s10] =	ssyncadd.s32 $0xFFFF3800  }
0xa7: {  	[tilespmem:s11], [sflag:$0x2] =	stream.indirect.gather.add.f32 [hbm:s7], $0x80, s28, s8, $0xb8;
	[tilespmem:$0x1A300] =	vst v63  }
0xa8: {  	_ =	swait.ge [sflag:s12], $0xC800  }
0xa9: {  	[sflag:s12] =	ssyncset.done $0x0  }
0xaa: {  	[sflag:s12] =	ssyncadd.s32 $0xFFFF3800  }
0xab: {  	[hbm4b:s29+s2] =	stream.linear.scatter [tilespmem:s11], [sflag:$0x3], $0xC800, $0x38;
	[tilespmem:$0x1A300] =	vst v63  }
.Ltmp1:
0xac: {  	_ =	swait.ge [sflag:s14], $0xC800;
	(pc) =	sbr.rel @p0 .LBB2_1-.Ltmp1, $4  }
0xad: {  	[sflag:s14] =	ssyncset.done $0x0  }
0xae: {  	[sflag:s14] =	ssyncadd.s32 $0xFFFF3800  }
0xaf: {  	_ =	swait.ge [sflag:s14], $0xC800  }
0xb0: {  	[sflag:s14] =	ssyncset.done $0x0  }
.LBB2_2:
0xb1: {  	[sflag:s14] =	ssyncadd.s32 $0xFFFF3800  }
0xb2: {  	_ =	sfence.sel $0x180000  }
0xb3: {  	[bflag:$0x0] =	sbarrier.arrive $0xFFFF  }
0xb4: {  	p0 =	sne.s32 s0, $0x0;
	_ =	strace $0x90000053  }
0xb5: {  	s0 =	sadd.s32 @!p0 $0x100000, s1;
	[bflag:$0x2] =	sbarrier.arrive $0xFFFF  }
0xb6: {  	[sflag:s0] =	ssyncadd.tile.s32 @!p0 $0x1;
	_ =	shalt  }
.Lfunc_end2:
_tile_overlayer_lowered:
.L_overlay_start_2:
0xb7: {  	(tag) =	ssettag $0x2  }
0xb8: {  	s0 =	rddreg [dreg:$0x0];
	s2 =	stileid.u32  }
0xb9: {  	s1 =	rddreg [dreg:$0x1];
	p0 =	sne.s32 s2, $0x0  }
0xba: {  	s3 =	rddreg [dreg:$0x2];
	[bflag:$0x3] =	sbarrier.arrive $0xFFFF;
	s2 =	simm.s32 @!p0 $0x1C04  }
0xbb: {  	[timem:s3], [sflag:s2] =	dma.local @!p0 [hbm:s0], s1  }
0xbc: {  	s0 =	simm.s32 @!p0 $0x4  }
0xbd: {  	_ =	swait.ge @!p0 [sflag:s0], s1  }
0xbe: {  	s1 =	ssub.s32 @!p0 $0x0, s1;
	[sflag:s0] =	ssyncset.done @!p0 $0x0  }
0xbf: {  	[sflag:s0] =	ssyncadd.s32 @!p0 s1  }
0xc0: {  	[bflag:$0x3] =	sbarrier.arrive $0xFFFF  }
0xc1: {  	_ =	shalt  }

</sc_bundles>
